<compile_context>
chip_gen: v7x
topology: tpu7x:2x2x1
jax: 0.10.2.dev20260603
libtpu: 0.0.44.dev20260713+nightly
codegen_flags: <defaults>
</compile_context>

<pallas_src>
import functools

import jax
import jax.numpy as jnp
from jax import lax
from jax.experimental import pallas as pl
from jax.experimental.pallas import tpu as pltpu
from jax.experimental.pallas import tpu_sc as plsc



def _sc_gather_call(et0, et1, mul_tbl, bias_tbl, chunk, n_chunks, e_per_worker):
    E = et0.shape[0]
    T = mul_tbl.shape[0]
    mesh = plsc.VectorSubcoreMesh(core_axis_name="c", subcore_axis_name="s")

    @functools.partial(
        pl.kernel,
        mesh=mesh,
        compiler_params=pltpu.CompilerParams(needs_layout_passes=False),
        out_type=[
            jax.ShapeDtypeStruct((E,), jnp.float32),
            jax.ShapeDtypeStruct((E,), jnp.float32),
        ],
        scratch_types=[
            pltpu.VMEM((chunk,), jnp.int32),
            pltpu.VMEM((chunk,), jnp.int32),
            pltpu.VMEM((chunk,), jnp.int32),
            pltpu.VMEM((chunk,), jnp.int32),
            pltpu.VMEM((chunk,), jnp.float32),
            pltpu.VMEM((chunk,), jnp.float32),
            pltpu.VMEM((chunk,), jnp.float32),
            pltpu.VMEM((chunk,), jnp.float32),
            pltpu.VMEM((T,), jnp.float32),
            pltpu.VMEM((T,), jnp.float32),
            pltpu.SemaphoreType.DMA,
            pltpu.SemaphoreType.DMA,
            pltpu.SemaphoreType.DMA,
            pltpu.SemaphoreType.DMA,
            pltpu.SemaphoreType.DMA,
            pltpu.SemaphoreType.DMA,
            pltpu.SemaphoreType.DMA,
            pltpu.SemaphoreType.DMA,
        ],
    )
    def sc_kernel(et0_hbm, et1_hbm, mt_hbm, bt_hbm, mul_out, bias_out,
                  et0_a, et0_b, et1_a, et1_b, mul_a, mul_b, bias_a, bias_b,
                  mt_v, bt_v, is00, is01, is10, is11, os00, os01, os10, os11):
        nc = 2
        wid = lax.axis_index("s") * nc + lax.axis_index("c")
        pltpu.sync_copy(mt_hbm, mt_v)
        pltpu.sync_copy(bt_hbm, bt_v)
        base_e = wid * e_per_worker
        et0_bufs = (et0_a, et0_b)
        et1_bufs = (et1_a, et1_b)
        mul_bufs = (mul_a, mul_b)
        bias_bufs = (bias_a, bias_b)
        in_sems = ((is00, is01), (is10, is11))
        out_sems = ((os00, os01), (os10, os11))

        def start_in(ci):
            b = ci % 2
            e0 = base_e + ci * chunk
            return (
                pltpu.async_copy(
                    et0_hbm.at[pl.ds(e0, chunk)], et0_bufs[b], in_sems[b][0]),
                pltpu.async_copy(
                    et1_hbm.at[pl.ds(e0, chunk)], et1_bufs[b], in_sems[b][1]),
            )

        def start_out(ci):
            b = ci % 2
            e0 = base_e + ci * chunk
            return (
                pltpu.async_copy(
                    mul_bufs[b], mul_out.at[pl.ds(e0, chunk)], out_sems[b][0]),
                pltpu.async_copy(
                    bias_bufs[b], bias_out.at[pl.ds(e0, chunk)], out_sems[b][1]),
            )

        pend_in = start_in(0)
        pend_out = [None, None]
        for ci in range(n_chunks):
            b = ci % 2
            nxt = start_in(ci + 1) if ci + 1 < n_chunks else None
            for h in pend_in:
                h.wait()
            if pend_out[b] is not None:
                for h in pend_out[b]:
                    h.wait()
                pend_out[b] = None
            et0_v, et1_v = et0_bufs[b], et1_bufs[b]
            mul_v, bias_v = mul_bufs[b], bias_bufs[b]

            def grp(j, c2):
                o = j * 16
                i0 = et0_v[pl.ds(o, 16)]
                i1 = et1_v[pl.ds(o, 16)]
                mul_v[pl.ds(o, 16)] = (
                    plsc.load_gather(mt_v, [i0]) + plsc.load_gather(mt_v, [i1]))
                bias_v[pl.ds(o, 16)] = (
                    plsc.load_gather(bt_v, [i0]) + plsc.load_gather(bt_v, [i1]))
                return c2

            lax.fori_loop(0, chunk // 16, grp, 0, unroll=4)
            pend_out[b] = start_out(ci)
            if nxt is not None:
                pend_in = nxt
        for po in pend_out:
            if po is not None:
                for h in po:
                    h.wait()

    return sc_kernel(et0, et1, mul_tbl, bias_tbl)



_SIN_C = (6.283182793407033, -41.34141938561704, 81.59613875538135,
          -76.5796878510129, 41.203743633642276, -12.268859940984608)


_SUB = 512


def _tc_body(x_ref, m_ref, b_ref, w_ref, o_ref):
    wr = w_ref[...]
    n_sub = o_ref.shape[1] // _SUB

    def step(i, carry):
        sl = pl.ds(i * _SUB, _SUB)
        xb = x_ref[:, sl]
        coef = m_ref[:, sl] / xb
        r = wr * xb
        t = r - jnp.floor(r + 0.5)
        u = t * t
        p = jnp.float32(_SIN_C[5])
        for c in (4, 3, 2, 1, 0):
            p = p * u + jnp.float32(_SIN_C[c])
        o_ref[:, sl] = coef * (p * t) + b_ref[:, sl]
        return carry

    lax.fori_loop(0, n_sub, step, 0, unroll=5)


def _tc_body_prev(x_ref, m_ref, b_ref, w_ref, prev_ref, o_ref):
    del prev_ref
    _tc_body(x_ref, m_ref, b_ref, w_ref, o_ref)


def _tc_basis_call(x2, mul2, bias2, w2, block_cols, e_total, block_off, prev):
    nb = w2.shape[0]
    e_part = x2.shape[1]
    grid = (e_part // block_cols,)
    in_specs = [
        pl.BlockSpec((1, block_cols), lambda i: (0, i)),
        pl.BlockSpec((1, block_cols), lambda i: (0, i)),
        pl.BlockSpec((1, block_cols), lambda i: (0, i)),
        pl.BlockSpec((nb, 1), lambda i: (0, 0)),
    ]
    operands = [x2, mul2, bias2, w2]
    body = _tc_body
    io_alias = {}
    if prev is not None:
        in_specs.append(pl.BlockSpec(memory_space=pl.ANY))
        operands.append(prev)
        io_alias = {4: 0}
        body = _tc_body_prev
    return pl.pallas_call(
        body,
        grid=grid,
        in_specs=in_specs,
        out_specs=pl.BlockSpec((nb, block_cols), lambda i: (0, i + block_off)),
        out_shape=jax.ShapeDtypeStruct((nb, e_total), jnp.float32),
        input_output_aliases=io_alias,
        compiler_params=pltpu.CompilerParams(
            dimension_semantics=("arbitrary",),
        ),
    )(*operands)



def kernel(x, edge_types, mul_weight, bias_weight, bessel_weights, prefactor):
    E = x.shape[0]
    nb = bessel_weights.shape[0]

    mul_tbl = mul_weight[:, 0] * prefactor
    bias_tbl = bias_weight[:, 0]
    et0 = edge_types[:, 0]
    et1 = edge_types[:, 1]

    slices = (
        (294400, 9200, 1, 9200),
        (486400, 7600, 2, 15200),
        (819200, 6400, 4, 25600),
    )
    w2 = (bessel_weights * jnp.float32(1.0 / (2.0 * jnp.pi))).reshape(nb, 1)
    bc = 12800

    sc_outs = []
    e0 = 0
    for e_s, chunk, n_chunks, epw in slices:
        sc_outs.append(_sc_gather_call(
            et0[e0:e0 + e_s], et1[e0:e0 + e_s], mul_tbl, bias_tbl,
            chunk, n_chunks, epw))
        e0 += e_s

    out_t = None
    e0 = 0
    for (e_s, _, _, _), (mul_s, bias_s) in zip(slices, sc_outs):
        out_t = _tc_basis_call(
            x[e0:e0 + e_s].reshape(1, e_s), mul_s.reshape(1, e_s),
            bias_s.reshape(1, e_s), w2, bc, E, e0 // bc, out_t)
        e0 += e_s
    return out_t.T

# --- scband reference (transcript-rebuilt; emitter-appended) ---
"""Pipeline reference for scband-spherical-bessel-basis-73564199846158 (READ-ONLY COPY).

The authoritative reference and input builder live on the scoring server;
editing this copy changes nothing except your own understanding.
"""

import jax, jax.numpy as jnp
import numpy as np

NUM_BASIS = 16
EDGE_TYPES = 1536
R_MAX = 5.0
E = 1600000


def setup_inputs(seed: int = 0) -> dict:
    key = jax.random.key(seed)
    k1, k2 = jax.random.split(key)
    # distances in (0.1, R_MAX) to avoid division by zero
    x = jax.random.uniform(k1, (E,), dtype=jnp.float32) * (R_MAX - 0.1) + 0.1
    edge_types = jax.random.randint(k2, (E, 2), 0, EDGE_TYPES, dtype=jnp.int32)
    # learned params / buffers
    # nn.init.constant_ overwrites padding row too, so tables are uniform constants
    mul_weight = jnp.ones((EDGE_TYPES, 1), dtype=jnp.float32)
    bias_weight = jnp.zeros((EDGE_TYPES, 1), dtype=jnp.float32)
    bessel_weights = (np.pi / R_MAX) * jnp.linspace(1.0, float(NUM_BASIS), NUM_BASIS, dtype=jnp.float32)
    prefactor = jnp.float32(np.sqrt(2.0 / R_MAX))
    return {
        "x": x,
        "edge_types": edge_types,
        "mul_weight": mul_weight,
        "bias_weight": bias_weight,
        "bessel_weights": bessel_weights,
        "prefactor": prefactor,
    }


def reference(x, edge_types, mul_weight, bias_weight, bessel_weights, prefactor):
    xe = x[..., None]  # [E, 1]
    numerator = jnp.sin(bessel_weights * xe)  # [E, NUM_BASIS]
    basis = prefactor * (numerator / xe)  # [E, NUM_BASIS]
    mul = jnp.take(mul_weight, edge_types, axis=0).sum(axis=-2)  # [E, 1]
    bias = jnp.take(bias_weight, edge_types, axis=0).sum(axis=-2)  # [E, 1]
    basis = mul * basis + bias
    return basis

if __name__ == "__main__":
    import jax
    _d = setup_inputs()
    print(jax.jit(kernel)(*tuple(_d.values())))

</pallas_src>

<mosaic_0001>
#map = affine_map<(d0, d1) -> (0)>
module attributes {stable_mosaic.version = 14 : i64} {
  func.func @sc_kernel(%arg0: i32, %arg1: i32, %arg2: memref<486400xi32, #tpu.memory_space<hbm>>, %arg3: memref<486400xi32, #tpu.memory_space<hbm>>, %arg4: memref<1536xf32, #tpu.memory_space<hbm>>, %arg5: memref<1536xf32, #tpu.memory_space<hbm>>, %arg6: memref<486400xf32, #tpu.memory_space<hbm>>, %arg7: memref<486400xf32, #tpu.memory_space<hbm>>, %arg8: memref<7600xi32, #tpu.memory_space<vmem>>, %arg9: memref<7600xi32, #tpu.memory_space<vmem>>, %arg10: memref<7600xi32, #tpu.memory_space<vmem>>, %arg11: memref<7600xi32, #tpu.memory_space<vmem>>, %arg12: memref<7600xf32, #tpu.memory_space<vmem>>, %arg13: memref<7600xf32, #tpu.memory_space<vmem>>, %arg14: memref<7600xf32, #tpu.memory_space<vmem>>, %arg15: memref<7600xf32, #tpu.memory_space<vmem>>, %arg16: memref<1536xf32, #tpu.memory_space<vmem>>, %arg17: memref<1536xf32, #tpu.memory_space<vmem>>, %arg18: memref<!tpu.dma_semaphore, #tpu.memory_space<semaphore_mem>>, %arg19: memref<!tpu.dma_semaphore, #tpu.memory_space<semaphore_mem>>, %arg20: memref<!tpu.dma_semaphore, #tpu.memory_space<semaphore_mem>>, %arg21: memref<!tpu.dma_semaphore, #tpu.memory_space<semaphore_mem>>, %arg22: memref<!tpu.dma_semaphore, #tpu.memory_space<semaphore_mem>>, %arg23: memref<!tpu.dma_semaphore, #tpu.memory_space<semaphore_mem>>, %arg24: memref<!tpu.dma_semaphore, #tpu.memory_space<semaphore_mem>>, %arg25: memref<!tpu.dma_semaphore, #tpu.memory_space<semaphore_mem>>) attributes {dimension_semantics = [#tpu.dimension_semantics<core_parallel>, #tpu.dimension_semantics<subcore_parallel>], iteration_bounds = array<i64: 2, 16>, scalar_prefetch = 0 : i64, scratch_operands = 18 : i64, tpu.core_type = #tpu.core_type<sc_vector_subcore>, window_params = [{transform_indices = #map}, {transform_indices = #map}, {transform_indices = #map}, {transform_indices = #map}, {transform_indices = #map}, {transform_indices = #map}]} {
    %mul3A = arith.constant 2 : i32
    %mul3A_0 = arith.muli %arg1, %mul3A : i32
    %add3A = arith.addi %mul3A_0, %arg0 : i32
    "tpu.region"() ({
      %run_scoped3A = tpu.sem_alloc : memref<!tpu.dma_semaphore, #tpu.memory_space<semaphore_mem>>
      tpu.enqueue_dma source(%arg4 : memref<1536xf32, #tpu.memory_space<hbm>>) target(%arg16 : memref<1536xf32, #tpu.memory_space<vmem>>) target_semaphore(%run_scoped3A : memref<!tpu.dma_semaphore, #tpu.memory_space<semaphore_mem>>)
      tpu.wait_dma2 semaphore(%run_scoped3A : memref<!tpu.dma_semaphore, #tpu.memory_space<semaphore_mem>>) src(%arg4 : memref<1536xf32, #tpu.memory_space<hbm>>) dst(%arg16 : memref<1536xf32, #tpu.memory_space<vmem>>)
      tpu.yield
    }) : () -> ()
    "tpu.region"() ({
      %run_scoped3A = tpu.sem_alloc : memref<!tpu.dma_semaphore, #tpu.memory_space<semaphore_mem>>
      tpu.enqueue_dma source(%arg5 : memref<1536xf32, #tpu.memory_space<hbm>>) target(%arg17 : memref<1536xf32, #tpu.memory_space<vmem>>) target_semaphore(%run_scoped3A : memref<!tpu.dma_semaphore, #tpu.memory_space<semaphore_mem>>)
      tpu.wait_dma2 semaphore(%run_scoped3A : memref<!tpu.dma_semaphore, #tpu.memory_space<semaphore_mem>>) src(%arg5 : memref<1536xf32, #tpu.memory_space<hbm>>) dst(%arg17 : memref<1536xf32, #tpu.memory_space<vmem>>)
      tpu.yield
    }) : () -> ()
    %mul3A_1 = arith.constant 15200 : i32
    %mul3A_2 = arith.muli %add3A, %mul3A_1 : i32
    %add3A_3 = arith.constant 0 : i32
    %add3A_4 = arith.addi %mul3A_2, %add3A_3 : i32
    %dma_start3A = tpu.memref_slice %arg2[%add3A_4] : memref<486400xi32, #tpu.memory_space<hbm>> -> memref<7600xi32, #tpu.memory_space<hbm>>
    %dma_start3A_5 = tpu.memref_slice %arg2[%add3A_4] : memref<486400xi32, #tpu.memory_space<hbm>> -> memref<7600xi32, #tpu.memory_space<hbm>>
    tpu.enqueue_dma source(%dma_start3A_5 : memref<7600xi32, #tpu.memory_space<hbm>>) target(%arg8 : memref<7600xi32, #tpu.memory_space<vmem>>) target_semaphore(%arg18 : memref<!tpu.dma_semaphore, #tpu.memory_space<semaphore_mem>>)
    %dma_start3A_6 = tpu.memref_slice %arg3[%add3A_4] : memref<486400xi32, #tpu.memory_space<hbm>> -> memref<7600xi32, #tpu.memory_space<hbm>>
    %dma_start3A_7 = tpu.memref_slice %arg3[%add3A_4] : memref<486400xi32, #tpu.memory_space<hbm>> -> memref<7600xi32, #tpu.memory_space<hbm>>
    tpu.enqueue_dma source(%dma_start3A_7 : memref<7600xi32, #tpu.memory_space<hbm>>) target(%arg10 : memref<7600xi32, #tpu.memory_space<vmem>>) target_semaphore(%arg19 : memref<!tpu.dma_semaphore, #tpu.memory_space<semaphore_mem>>)
    %add3A_8 = arith.constant 7600 : i32
    %add3A_9 = arith.addi %mul3A_2, %add3A_8 : i32
    %dma_start3A_10 = tpu.memref_slice %arg2[%add3A_9] : memref<486400xi32, #tpu.memory_space<hbm>> -> memref<7600xi32, #tpu.memory_space<hbm>>
    %dma_start3A_11 = tpu.memref_slice %arg2[%add3A_9] : memref<486400xi32, #tpu.memory_space<hbm>> -> memref<7600xi32, #tpu.memory_space<hbm>>
    tpu.enqueue_dma source(%dma_start3A_11 : memref<7600xi32, #tpu.memory_space<hbm>>) target(%arg9 : memref<7600xi32, #tpu.memory_space<vmem>>) target_semaphore(%arg20 : memref<!tpu.dma_semaphore, #tpu.memory_space<semaphore_mem>>)
    %dma_start3A_12 = tpu.memref_slice %arg3[%add3A_9] : memref<486400xi32, #tpu.memory_space<hbm>> -> memref<7600xi32, #tpu.memory_space<hbm>>
    %dma_start3A_13 = tpu.memref_slice %arg3[%add3A_9] : memref<486400xi32, #tpu.memory_space<hbm>> -> memref<7600xi32, #tpu.memory_space<hbm>>
    tpu.enqueue_dma source(%dma_start3A_13 : memref<7600xi32, #tpu.memory_space<hbm>>) target(%arg11 : memref<7600xi32, #tpu.memory_space<vmem>>) target_semaphore(%arg21 : memref<!tpu.dma_semaphore, #tpu.memory_space<semaphore_mem>>)
    %dma_wait3A = tpu.memref_slice %arg2[%add3A_4] : memref<486400xi32, #tpu.memory_space<hbm>> -> memref<7600xi32, #tpu.memory_space<hbm>>
    %dma_wait3A_14 = tpu.memref_slice %arg2[%add3A_4] : memref<486400xi32, #tpu.memory_space<hbm>> -> memref<7600xi32, #tpu.memory_space<hbm>>
    tpu.wait_dma2 semaphore(%arg18 : memref<!tpu.dma_semaphore, #tpu.memory_space<semaphore_mem>>) src(%dma_wait3A_14 : memref<7600xi32, #tpu.memory_space<hbm>>) dst(%arg8 : memref<7600xi32, #tpu.memory_space<vmem>>)
    %dma_wait3A_15 = tpu.memref_slice %arg3[%add3A_4] : memref<486400xi32, #tpu.memory_space<hbm>> -> memref<7600xi32, #tpu.memory_space<hbm>>
    %dma_wait3A_16 = tpu.memref_slice %arg3[%add3A_4] : memref<486400xi32, #tpu.memory_space<hbm>> -> memref<7600xi32, #tpu.memory_space<hbm>>
    tpu.wait_dma2 semaphore(%arg19 : memref<!tpu.dma_semaphore, #tpu.memory_space<semaphore_mem>>) src(%dma_wait3A_16 : memref<7600xi32, #tpu.memory_space<hbm>>) dst(%arg10 : memref<7600xi32, #tpu.memory_space<vmem>>)
    %scan3A = arith.constant 0 : i32
    %scan3A_17 = arith.constant 0 : i32
    %scan3A_18 = arith.constant 472 : i32
    %scan3A_19 = arith.addi %scan3A_17, %scan3A_18 : i32
    %scan3A_20 = arith.constant 4 : i32
    scf.for %scan3A_157 = %scan3A_17 to %scan3A_19 step %scan3A_20  : i32 {
      %mul3A_158 = arith.constant 16 : i32
      %mul3A_159 = arith.muli %scan3A_157, %mul3A_158 : i32
      %get3A_160 = arith.index_cast %mul3A_159 : i32 to index
      %get3A_161 = tpu.vector_load %arg8[%get3A_160] {strides = array<i32>} : memref<7600xi32, #tpu.memory_space<vmem>>, vector<16xi32>,
      %get3A_162 = arith.index_cast %mul3A_159 : i32 to index
      %get3A_163 = tpu.vector_load %arg10[%get3A_162] {strides = array<i32>} : memref<7600xi32, #tpu.memory_space<vmem>>, vector<16xi32>,
      %gather3A_164 = tpu.vector_load_idx %arg16[%get3A_161] : memref<1536xf32, #tpu.memory_space<vmem>>[vector<16xi32>], vector<16xf32>,
      %gather3A_165 = tpu.vector_load_idx %arg16[%get3A_163] : memref<1536xf32, #tpu.memory_space<vmem>>[vector<16xi32>], vector<16xf32>,
      %add3A_166 = arith.addf %gather3A_164, %gather3A_165 : vector<16xf32>
      %swap3A_167 = arith.index_cast %mul3A_159 : i32 to index
      %swap3A_168 = tpu.vector_load %arg12[%swap3A_167] {strides = array<i32>} : memref<7600xf32, #tpu.memory_space<vmem>>, vector<16xf32>,
      tpu.vector_store %arg12[%swap3A_167], %add3A_166 {strides = array<i32>} : memref<7600xf32, #tpu.memory_space<vmem>>, vector<16xf32>,
      %gather3A_169 = tpu.vector_load_idx %arg17[%get3A_161] : memref<1536xf32, #tpu.memory_space<vmem>>[vector<16xi32>], vector<16xf32>,
      %gather3A_170 = tpu.vector_load_idx %arg17[%get3A_163] : memref<1536xf32, #tpu.memory_space<vmem>>[vector<16xi32>], vector<16xf32>,
      %add3A_171 = arith.addf %gather3A_169, %gather3A_170 : vector<16xf32>
      %swap3A_172 = arith.index_cast %mul3A_159 : i32 to index
      %swap3A_173 = tpu.vector_load %arg14[%swap3A_172] {strides = array<i32>} : memref<7600xf32, #tpu.memory_space<vmem>>, vector<16xf32>,
      tpu.vector_store %arg14[%swap3A_172], %add3A_171 {strides = array<i32>} : memref<7600xf32, #tpu.memory_space<vmem>>, vector<16xf32>,
      %scan3A_174 = arith.constant 1 : i32
      %scan3A_175 = arith.addi %scan3A_157, %scan3A_174 : i32
      %mul3A_176 = arith.constant 16 : i32
      %mul3A_177 = arith.muli %scan3A_175, %mul3A_176 : i32
      %get3A_178 = arith.index_cast %mul3A_177 : i32 to index
      %get3A_179 = tpu.vector_load %arg8[%get3A_178] {strides = array<i32>} : memref<7600xi32, #tpu.memory_space<vmem>>, vector<16xi32>,
      %get3A_180 = arith.index_cast %mul3A_177 : i32 to index
      %get3A_181 = tpu.vector_load %arg10[%get3A_180] {strides = array<i32>} : memref<7600xi32, #tpu.memory_space<vmem>>, vector<16xi32>,
      %gather3A_182 = tpu.vector_load_idx %arg16[%get3A_179] : memref<1536xf32, #tpu.memory_space<vmem>>[vector<16xi32>], vector<16xf32>,
      %gather3A_183 = tpu.vector_load_idx %arg16[%get3A_181] : memref<1536xf32, #tpu.memory_space<vmem>>[vector<16xi32>], vector<16xf32>,
      %add3A_184 = arith.addf %gather3A_182, %gather3A_183 : vector<16xf32>
      %swap3A_185 = arith.index_cast %mul3A_177 : i32 to index
      %swap3A_186 = tpu.vector_load %arg12[%swap3A_185] {strides = array<i32>} : memref<7600xf32, #tpu.memory_space<vmem>>, vector<16xf32>,
      tpu.vector_store %arg12[%swap3A_185], %add3A_184 {strides = array<i32>} : memref<7600xf32, #tpu.memory_space<vmem>>, vector<16xf32>,
      %gather3A_187 = tpu.vector_load_idx %arg17[%get3A_179] : memref<1536xf32, #tpu.memory_space<vmem>>[vector<16xi32>], vector<16xf32>,
      %gather3A_188 = tpu.vector_load_idx %arg17[%get3A_181] : memref<1536xf32, #tpu.memory_space<vmem>>[vector<16xi32>], vector<16xf32>,
      %add3A_189 = arith.addf %gather3A_187, %gather3A_188 : vector<16xf32>
      %swap3A_190 = arith.index_cast %mul3A_177 : i32 to index
      %swap3A_191 = tpu.vector_load %arg14[%swap3A_190] {strides = array<i32>} : memref<7600xf32, #tpu.memory_space<vmem>>, vector<16xf32>,
      tpu.vector_store %arg14[%swap3A_190], %add3A_189 {strides = array<i32>} : memref<7600xf32, #tpu.memory_space<vmem>>, vector<16xf32>,
      %scan3A_192 = arith.constant 2 : i32
      %scan3A_193 = arith.addi %scan3A_157, %scan3A_192 : i32
      %mul3A_194 = arith.constant 16 : i32
      %mul3A_195 = arith.muli %scan3A_193, %mul3A_194 : i32
      %get3A_196 = arith.index_cast %mul3A_195 : i32 to index
      %get3A_197 = tpu.vector_load %arg8[%get3A_196] {strides = array<i32>} : memref<7600xi32, #tpu.memory_space<vmem>>, vector<16xi32>,
      %get3A_198 = arith.index_cast %mul3A_195 : i32 to index
      %get3A_199 = tpu.vector_load %arg10[%get3A_198] {strides = array<i32>} : memref<7600xi32, #tpu.memory_space<vmem>>, vector<16xi32>,
      %gather3A_200 = tpu.vector_load_idx %arg16[%get3A_197] : memref<1536xf32, #tpu.memory_space<vmem>>[vector<16xi32>], vector<16xf32>,
      %gather3A_201 = tpu.vector_load_idx %arg16[%get3A_199] : memref<1536xf32, #tpu.memory_space<vmem>>[vector<16xi32>], vector<16xf32>,
      %add3A_202 = arith.addf %gather3A_200, %gather3A_201 : vector<16xf32>
      %swap3A_203 = arith.index_cast %mul3A_195 : i32 to index
      %swap3A_204 = tpu.vector_load %arg12[%swap3A_203] {strides = array<i32>} : memref<7600xf32, #tpu.memory_space<vmem>>, vector<16xf32>,
      tpu.vector_store %arg12[%swap3A_203], %add3A_202 {strides = array<i32>} : memref<7600xf32, #tpu.memory_space<vmem>>, vector<16xf32>,
      %gather3A_205 = tpu.vector_load_idx %arg17[%get3A_197] : memref<1536xf32, #tpu.memory_space<vmem>>[vector<16xi32>], vector<16xf32>,
      %gather3A_206 = tpu.vector_load_idx %arg17[%get3A_199] : memref<1536xf32, #tpu.memory_space<vmem>>[vector<16xi32>], vector<16xf32>,
      %add3A_207 = arith.addf %gather3A_205, %gather3A_206 : vector<16xf32>
      %swap3A_208 = arith.index_cast %mul3A_195 : i32 to index
      %swap3A_209 = tpu.vector_load %arg14[%swap3A_208] {strides = array<i32>} : memref<7600xf32, #tpu.memory_space<vmem>>, vector<16xf32>,
      tpu.vector_store %arg14[%swap3A_208], %add3A_207 {strides = array<i32>} : memref<7600xf32, #tpu.memory_space<vmem>>, vector<16xf32>,
      %scan3A_210 = arith.constant 3 : i32
      %scan3A_211 = arith.addi %scan3A_157, %scan3A_210 : i32
      %mul3A_212 = arith.constant 16 : i32
      %mul3A_213 = arith.muli %scan3A_211, %mul3A_212 : i32
      %get3A_214 = arith.index_cast %mul3A_213 : i32 to index
      %get3A_215 = tpu.vector_load %arg8[%get3A_214] {strides = array<i32>} : memref<7600xi32, #tpu.memory_space<vmem>>, vector<16xi32>,
      %get3A_216 = arith.index_cast %mul3A_213 : i32 to index
      %get3A_217 = tpu.vector_load %arg10[%get3A_216] {strides = array<i32>} : memref<7600xi32, #tpu.memory_space<vmem>>, vector<16xi32>,
      %gather3A_218 = tpu.vector_load_idx %arg16[%get3A_215] : memref<1536xf32, #tpu.memory_space<vmem>>[vector<16xi32>], vector<16xf32>,
      %gather3A_219 = tpu.vector_load_idx %arg16[%get3A_217] : memref<1536xf32, #tpu.memory_space<vmem>>[vector<16xi32>], vector<16xf32>,
      %add3A_220 = arith.addf %gather3A_218, %gather3A_219 : vector<16xf32>
      %swap3A_221 = arith.index_cast %mul3A_213 : i32 to index
      %swap3A_222 = tpu.vector_load %arg12[%swap3A_221] {strides = array<i32>} : memref<7600xf32, #tpu.memory_space<vmem>>, vector<16xf32>,
      tpu.vector_store %arg12[%swap3A_221], %add3A_220 {strides = array<i32>} : memref<7600xf32, #tpu.memory_space<vmem>>, vector<16xf32>,
      %gather3A_223 = tpu.vector_load_idx %arg17[%get3A_215] : memref<1536xf32, #tpu.memory_space<vmem>>[vector<16xi32>], vector<16xf32>,
      %gather3A_224 = tpu.vector_load_idx %arg17[%get3A_217] : memref<1536xf32, #tpu.memory_space<vmem>>[vector<16xi32>], vector<16xf32>,
      %add3A_225 = arith.addf %gather3A_223, %gather3A_224 : vector<16xf32>
      %swap3A_226 = arith.index_cast %mul3A_213 : i32 to index
      %swap3A_227 = tpu.vector_load %arg14[%swap3A_226] {strides = array<i32>} : memref<7600xf32, #tpu.memory_space<vmem>>, vector<16xf32>,
      tpu.vector_store %arg14[%swap3A_226], %add3A_225 {strides = array<i32>} : memref<7600xf32, #tpu.memory_space<vmem>>, vector<16xf32>,
    }
    %scan3A_21 = arith.constant 472 : i32
    %scan3A_22 = arith.addi %scan3A_17, %scan3A_21 : i32
    %mul3A_23 = arith.constant 16 : i32
    %mul3A_24 = arith.muli %scan3A_22, %mul3A_23 : i32
    %get3A = arith.index_cast %mul3A_24 : i32 to index
    %get3A_25 = tpu.vector_load %arg8[%get3A] {strides = array<i32>} : memref<7600xi32, #tpu.memory_space<vmem>>, vector<16xi32>,
    %get3A_26 = arith.index_cast %mul3A_24 : i32 to index
    %get3A_27 = tpu.vector_load %arg10[%get3A_26] {strides = array<i32>} : memref<7600xi32, #tpu.memory_space<vmem>>, vector<16xi32>,
    %gather3A = tpu.vector_load_idx %arg16[%get3A_25] : memref<1536xf32, #tpu.memory_space<vmem>>[vector<16xi32>], vector<16xf32>,
    %gather3A_28 = tpu.vector_load_idx %arg16[%get3A_27] : memref<1536xf32, #tpu.memory_space<vmem>>[vector<16xi32>], vector<16xf32>,
    %add3A_29 = arith.addf %gather3A, %gather3A_28 : vector<16xf32>
    %swap3A = arith.index_cast %mul3A_24 : i32 to index
    %swap3A_30 = tpu.vector_load %arg12[%swap3A] {strides = array<i32>} : memref<7600xf32, #tpu.memory_space<vmem>>, vector<16xf32>,
    tpu.vector_store %arg12[%swap3A], %add3A_29 {strides = array<i32>} : memref<7600xf32, #tpu.memory_space<vmem>>, vector<16xf32>,
    %gather3A_31 = tpu.vector_load_idx %arg17[%get3A_25] : memref<1536xf32, #tpu.memory_space<vmem>>[vector<16xi32>], vector<16xf32>,
    %gather3A_32 = tpu.vector_load_idx %arg17[%get3A_27] : memref<1536xf32, #tpu.memory_space<vmem>>[vector<16xi32>], vector<16xf32>,
    %add3A_33 = arith.addf %gather3A_31, %gather3A_32 : vector<16xf32>
    %swap3A_34 = arith.index_cast %mul3A_24 : i32 to index
    %swap3A_35 = tpu.vector_load %arg14[%swap3A_34] {strides = array<i32>} : memref<7600xf32, #tpu.memory_space<vmem>>, vector<16xf32>,
    tpu.vector_store %arg14[%swap3A_34], %add3A_33 {strides = array<i32>} : memref<7600xf32, #tpu.memory_space<vmem>>, vector<16xf32>,
    %scan3A_36 = arith.constant 473 : i32
    %scan3A_37 = arith.addi %scan3A_17, %scan3A_36 : i32
    %mul3A_38 = arith.constant 16 : i32
    %mul3A_39 = arith.muli %scan3A_37, %mul3A_38 : i32
    %get3A_40 = arith.index_cast %mul3A_39 : i32 to index
    %get3A_41 = tpu.vector_load %arg8[%get3A_40] {strides = array<i32>} : memref<7600xi32, #tpu.memory_space<vmem>>, vector<16xi32>,
    %get3A_42 = arith.index_cast %mul3A_39 : i32 to index
    %get3A_43 = tpu.vector_load %arg10[%get3A_42] {strides = array<i32>} : memref<7600xi32, #tpu.memory_space<vmem>>, vector<16xi32>,
    %gather3A_44 = tpu.vector_load_idx %arg16[%get3A_41] : memref<1536xf32, #tpu.memory_space<vmem>>[vector<16xi32>], vector<16xf32>,
    %gather3A_45 = tpu.vector_load_idx %arg16[%get3A_43] : memref<1536xf32, #tpu.memory_space<vmem>>[vector<16xi32>], vector<16xf32>,
    %add3A_46 = arith.addf %gather3A_44, %gather3A_45 : vector<16xf32>
    %swap3A_47 = arith.index_cast %mul3A_39 : i32 to index
    %swap3A_48 = tpu.vector_load %arg12[%swap3A_47] {strides = array<i32>} : memref<7600xf32, #tpu.memory_space<vmem>>, vector<16xf32>,
    tpu.vector_store %arg12[%swap3A_47], %add3A_46 {strides = array<i32>} : memref<7600xf32, #tpu.memory_space<vmem>>, vector<16xf32>,
    %gather3A_49 = tpu.vector_load_idx %arg17[%get3A_41] : memref<1536xf32, #tpu.memory_space<vmem>>[vector<16xi32>], vector<16xf32>,
    %gather3A_50 = tpu.vector_load_idx %arg17[%get3A_43] : memref<1536xf32, #tpu.memory_space<vmem>>[vector<16xi32>], vector<16xf32>,
    %add3A_51 = arith.addf %gather3A_49, %gather3A_50 : vector<16xf32>
    %swap3A_52 = arith.index_cast %mul3A_39 : i32 to index
    %swap3A_53 = tpu.vector_load %arg14[%swap3A_52] {strides = array<i32>} : memref<7600xf32, #tpu.memory_space<vmem>>, vector<16xf32>,
    tpu.vector_store %arg14[%swap3A_52], %add3A_51 {strides = array<i32>} : memref<7600xf32, #tpu.memory_space<vmem>>, vector<16xf32>,
    %scan3A_54 = arith.constant 474 : i32
    %scan3A_55 = arith.addi %scan3A_17, %scan3A_54 : i32
    %mul3A_56 = arith.constant 16 : i32
    %mul3A_57 = arith.muli %scan3A_55, %mul3A_56 : i32
    %get3A_58 = arith.index_cast %mul3A_57 : i32 to index
    %get3A_59 = tpu.vector_load %arg8[%get3A_58] {strides = array<i32>} : memref<7600xi32, #tpu.memory_space<vmem>>, vector<16xi32>,
    %get3A_60 = arith.index_cast %mul3A_57 : i32 to index
    %get3A_61 = tpu.vector_load %arg10[%get3A_60] {strides = array<i32>} : memref<7600xi32, #tpu.memory_space<vmem>>, vector<16xi32>,
    %gather3A_62 = tpu.vector_load_idx %arg16[%get3A_59] : memref<1536xf32, #tpu.memory_space<vmem>>[vector<16xi32>], vector<16xf32>,
    %gather3A_63 = tpu.vector_load_idx %arg16[%get3A_61] : memref<1536xf32, #tpu.memory_space<vmem>>[vector<16xi32>], vector<16xf32>,
    %add3A_64 = arith.addf %gather3A_62, %gather3A_63 : vector<16xf32>
    %swap3A_65 = arith.index_cast %mul3A_57 : i32 to index
    %swap3A_66 = tpu.vector_load %arg12[%swap3A_65] {strides = array<i32>} : memref<7600xf32, #tpu.memory_space<vmem>>, vector<16xf32>,
    tpu.vector_store %arg12[%swap3A_65], %add3A_64 {strides = array<i32>} : memref<7600xf32, #tpu.memory_space<vmem>>, vector<16xf32>,
    %gather3A_67 = tpu.vector_load_idx %arg17[%get3A_59] : memref<1536xf32, #tpu.memory_space<vmem>>[vector<16xi32>], vector<16xf32>,
    %gather3A_68 = tpu.vector_load_idx %arg17[%get3A_61] : memref<1536xf32, #tpu.memory_space<vmem>>[vector<16xi32>], vector<16xf32>,
    %add3A_69 = arith.addf %gather3A_67, %gather3A_68 : vector<16xf32>
    %swap3A_70 = arith.index_cast %mul3A_57 : i32 to index
    %swap3A_71 = tpu.vector_load %arg14[%swap3A_70] {strides = array<i32>} : memref<7600xf32, #tpu.memory_space<vmem>>, vector<16xf32>,
    tpu.vector_store %arg14[%swap3A_70], %add3A_69 {strides = array<i32>} : memref<7600xf32, #tpu.memory_space<vmem>>, vector<16xf32>,
    %scan3A_72 = arith.constant 475 : i32
    %add3A_73 = arith.constant 0 : i32
    %add3A_74 = arith.addi %mul3A_2, %add3A_73 : i32
    %dma_start3A_75 = tpu.memref_slice %arg6[%add3A_74] : memref<486400xf32, #tpu.memory_space<hbm>> -> memref<7600xf32, #tpu.memory_space<hbm>>
    %dma_start3A_76 = tpu.memref_slice %arg6[%add3A_74] : memref<486400xf32, #tpu.memory_space<hbm>> -> memref<7600xf32, #tpu.memory_space<hbm>>
    tpu.enqueue_dma source(%arg12 : memref<7600xf32, #tpu.memory_space<vmem>>) target(%dma_start3A_76 : memref<7600xf32, #tpu.memory_space<hbm>>) target_semaphore(%arg22 : memref<!tpu.dma_semaphore, #tpu.memory_space<semaphore_mem>>)
    %dma_start3A_77 = tpu.memref_slice %arg7[%add3A_74] : memref<486400xf32, #tpu.memory_space<hbm>> -> memref<7600xf32, #tpu.memory_space<hbm>>
    %dma_start3A_78 = tpu.memref_slice %arg7[%add3A_74] : memref<486400xf32, #tpu.memory_space<hbm>> -> memref<7600xf32, #tpu.memory_space<hbm>>
    tpu.enqueue_dma source(%arg14 : memref<7600xf32, #tpu.memory_space<vmem>>) target(%dma_start3A_78 : memref<7600xf32, #tpu.memory_space<hbm>>) target_semaphore(%arg23 : memref<!tpu.dma_semaphore, #tpu.memory_space<semaphore_mem>>)
    %dma_wait3A_79 = tpu.memref_slice %arg2[%add3A_9] : memref<486400xi32, #tpu.memory_space<hbm>> -> memref<7600xi32, #tpu.memory_space<hbm>>
    %dma_wait3A_80 = tpu.memref_slice %arg2[%add3A_9] : memref<486400xi32, #tpu.memory_space<hbm>> -> memref<7600xi32, #tpu.memory_space<hbm>>
    tpu.wait_dma2 semaphore(%arg20 : memref<!tpu.dma_semaphore, #tpu.memory_space<semaphore_mem>>) src(%dma_wait3A_80 : memref<7600xi32, #tpu.memory_space<hbm>>) dst(%arg9 : memref<7600xi32, #tpu.memory_space<vmem>>)
    %dma_wait3A_81 = tpu.memref_slice %arg3[%add3A_9] : memref<486400xi32, #tpu.memory_space<hbm>> -> memref<7600xi32, #tpu.memory_space<hbm>>
    %dma_wait3A_82 = tpu.memref_slice %arg3[%add3A_9] : memref<486400xi32, #tpu.memory_space<hbm>> -> memref<7600xi32, #tpu.memory_space<hbm>>
    tpu.wait_dma2 semaphore(%arg21 : memref<!tpu.dma_semaphore, #tpu.memory_space<semaphore_mem>>) src(%dma_wait3A_82 : memref<7600xi32, #tpu.memory_space<hbm>>) dst(%arg11 : memref<7600xi32, #tpu.memory_space<vmem>>)
    %scan3A_83 = arith.constant 0 : i32
    %scan3A_84 = arith.constant 0 : i32
    %scan3A_85 = arith.constant 472 : i32
    %scan3A_86 = arith.addi %scan3A_84, %scan3A_85 : i32
    %scan3A_87 = arith.constant 4 : i32
    scf.for %scan3A_157 = %scan3A_84 to %scan3A_86 step %scan3A_87  : i32 {
      %mul3A_158 = arith.constant 16 : i32
      %mul3A_159 = arith.muli %scan3A_157, %mul3A_158 : i32
      %get3A_160 = arith.index_cast %mul3A_159 : i32 to index
      %get3A_161 = tpu.vector_load %arg9[%get3A_160] {strides = array<i32>} : memref<7600xi32, #tpu.memory_space<vmem>>, vector<16xi32>,
      %get3A_162 = arith.index_cast %mul3A_159 : i32 to index
      %get3A_163 = tpu.vector_load %arg11[%get3A_162] {strides = array<i32>} : memref<7600xi32, #tpu.memory_space<vmem>>, vector<16xi32>,
      %gather3A_164 = tpu.vector_load_idx %arg16[%get3A_161] : memref<1536xf32, #tpu.memory_space<vmem>>[vector<16xi32>], vector<16xf32>,
      %gather3A_165 = tpu.vector_load_idx %arg16[%get3A_163] : memref<1536xf32, #tpu.memory_space<vmem>>[vector<16xi32>], vector<16xf32>,
      %add3A_166 = arith.addf %gather3A_164, %gather3A_165 : vector<16xf32>
      %swap3A_167 = arith.index_cast %mul3A_159 : i32 to index
      %swap3A_168 = tpu.vector_load %arg13[%swap3A_167] {strides = array<i32>} : memref<7600xf32, #tpu.memory_space<vmem>>, vector<16xf32>,
      tpu.vector_store %arg13[%swap3A_167], %add3A_166 {strides = array<i32>} : memref<7600xf32, #tpu.memory_space<vmem>>, vector<16xf32>,
      %gather3A_169 = tpu.vector_load_idx %arg17[%get3A_161] : memref<1536xf32, #tpu.memory_space<vmem>>[vector<16xi32>], vector<16xf32>,
      %gather3A_170 = tpu.vector_load_idx %arg17[%get3A_163] : memref<1536xf32, #tpu.memory_space<vmem>>[vector<16xi32>], vector<16xf32>,
      %add3A_171 = arith.addf %gather3A_169, %gather3A_170 : vector<16xf32>
      %swap3A_172 = arith.index_cast %mul3A_159 : i32 to index
      %swap3A_173 = tpu.vector_load %arg15[%swap3A_172] {strides = array<i32>} : memref<7600xf32, #tpu.memory_space<vmem>>, vector<16xf32>,
      tpu.vector_store %arg15[%swap3A_172], %add3A_171 {strides = array<i32>} : memref<7600xf32, #tpu.memory_space<vmem>>, vector<16xf32>,
      %scan3A_174 = arith.constant 1 : i32
      %scan3A_175 = arith.addi %scan3A_157, %scan3A_174 : i32
      %mul3A_176 = arith.constant 16 : i32
      %mul3A_177 = arith.muli %scan3A_175, %mul3A_176 : i32
      %get3A_178 = arith.index_cast %mul3A_177 : i32 to index
      %get3A_179 = tpu.vector_load %arg9[%get3A_178] {strides = array<i32>} : memref<7600xi32, #tpu.memory_space<vmem>>, vector<16xi32>,
      %get3A_180 = arith.index_cast %mul3A_177 : i32 to index
      %get3A_181 = tpu.vector_load %arg11[%get3A_180] {strides = array<i32>} : memref<7600xi32, #tpu.memory_space<vmem>>, vector<16xi32>,
      %gather3A_182 = tpu.vector_load_idx %arg16[%get3A_179] : memref<1536xf32, #tpu.memory_space<vmem>>[vector<16xi32>], vector<16xf32>,
      %gather3A_183 = tpu.vector_load_idx %arg16[%get3A_181] : memref<1536xf32, #tpu.memory_space<vmem>>[vector<16xi32>], vector<16xf32>,
      %add3A_184 = arith.addf %gather3A_182, %gather3A_183 : vector<16xf32>
      %swap3A_185 = arith.index_cast %mul3A_177 : i32 to index
      %swap3A_186 = tpu.vector_load %arg13[%swap3A_185] {strides = array<i32>} : memref<7600xf32, #tpu.memory_space<vmem>>, vector<16xf32>,
      tpu.vector_store %arg13[%swap3A_185], %add3A_184 {strides = array<i32>} : memref<7600xf32, #tpu.memory_space<vmem>>, vector<16xf32>,
      %gather3A_187 = tpu.vector_load_idx %arg17[%get3A_179] : memref<1536xf32, #tpu.memory_space<vmem>>[vector<16xi32>], vector<16xf32>,
      %gather3A_188 = tpu.vector_load_idx %arg17[%get3A_181] : memref<1536xf32, #tpu.memory_space<vmem>>[vector<16xi32>], vector<16xf32>,
      %add3A_189 = arith.addf %gather3A_187, %gather3A_188 : vector<16xf32>
      %swap3A_190 = arith.index_cast %mul3A_177 : i32 to index
      %swap3A_191 = tpu.vector_load %arg15[%swap3A_190] {strides = array<i32>} : memref<7600xf32, #tpu.memory_space<vmem>>, vector<16xf32>,
      tpu.vector_store %arg15[%swap3A_190], %add3A_189 {strides = array<i32>} : memref<7600xf32, #tpu.memory_space<vmem>>, vector<16xf32>,
      %scan3A_192 = arith.constant 2 : i32
      %scan3A_193 = arith.addi %scan3A_157, %scan3A_192 : i32
      %mul3A_194 = arith.constant 16 : i32
      %mul3A_195 = arith.muli %scan3A_193, %mul3A_194 : i32
      %get3A_196 = arith.index_cast %mul3A_195 : i32 to index
      %get3A_197 = tpu.vector_load %arg9[%get3A_196] {strides = array<i32>} : memref<7600xi32, #tpu.memory_space<vmem>>, vector<16xi32>,
      %get3A_198 = arith.index_cast %mul3A_195 : i32 to index
      %get3A_199 = tpu.vector_load %arg11[%get3A_198] {strides = array<i32>} : memref<7600xi32, #tpu.memory_space<vmem>>, vector<16xi32>,
      %gather3A_200 = tpu.vector_load_idx %arg16[%get3A_197] : memref<1536xf32, #tpu.memory_space<vmem>>[vector<16xi32>], vector<16xf32>,
      %gather3A_201 = tpu.vector_load_idx %arg16[%get3A_199] : memref<1536xf32, #tpu.memory_space<vmem>>[vector<16xi32>], vector<16xf32>,
      %add3A_202 = arith.addf %gather3A_200, %gather3A_201 : vector<16xf32>
      %swap3A_203 = arith.index_cast %mul3A_195 : i32 to index
      %swap3A_204 = tpu.vector_load %arg13[%swap3A_203] {strides = array<i32>} : memref<7600xf32, #tpu.memory_space<vmem>>, vector<16xf32>,
      tpu.vector_store %arg13[%swap3A_203], %add3A_202 {strides = array<i32>} : memref<7600xf32, #tpu.memory_space<vmem>>, vector<16xf32>,
      %gather3A_205 = tpu.vector_load_idx %arg17[%get3A_197] : memref<1536xf32, #tpu.memory_space<vmem>>[vector<16xi32>], vector<16xf32>,
      %gather3A_206 = tpu.vector_load_idx %arg17[%get3A_199] : memref<1536xf32, #tpu.memory_space<vmem>>[vector<16xi32>], vector<16xf32>,
      %add3A_207 = arith.addf %gather3A_205, %gather3A_206 : vector<16xf32>
      %swap3A_208 = arith.index_cast %mul3A_195 : i32 to index
      %swap3A_209 = tpu.vector_load %arg15[%swap3A_208] {strides = array<i32>} : memref<7600xf32, #tpu.memory_space<vmem>>, vector<16xf32>,
      tpu.vector_store %arg15[%swap3A_208], %add3A_207 {strides = array<i32>} : memref<7600xf32, #tpu.memory_space<vmem>>, vector<16xf32>,
      %scan3A_210 = arith.constant 3 : i32
      %scan3A_211 = arith.addi %scan3A_157, %scan3A_210 : i32
      %mul3A_212 = arith.constant 16 : i32
      %mul3A_213 = arith.muli %scan3A_211, %mul3A_212 : i32
      %get3A_214 = arith.index_cast %mul3A_213 : i32 to index
      %get3A_215 = tpu.vector_load %arg9[%get3A_214] {strides = array<i32>} : memref<7600xi32, #tpu.memory_space<vmem>>, vector<16xi32>,
      %get3A_216 = arith.index_cast %mul3A_213 : i32 to index
      %get3A_217 = tpu.vector_load %arg11[%get3A_216] {strides = array<i32>} : memref<7600xi32, #tpu.memory_space<vmem>>, vector<16xi32>,
      %gather3A_218 = tpu.vector_load_idx %arg16[%get3A_215] : memref<1536xf32, #tpu.memory_space<vmem>>[vector<16xi32>], vector<16xf32>,
      %gather3A_219 = tpu.vector_load_idx %arg16[%get3A_217] : memref<1536xf32, #tpu.memory_space<vmem>>[vector<16xi32>], vector<16xf32>,
      %add3A_220 = arith.addf %gather3A_218, %gather3A_219 : vector<16xf32>
      %swap3A_221 = arith.index_cast %mul3A_213 : i32 to index
      %swap3A_222 = tpu.vector_load %arg13[%swap3A_221] {strides = array<i32>} : memref<7600xf32, #tpu.memory_space<vmem>>, vector<16xf32>,
      tpu.vector_store %arg13[%swap3A_221], %add3A_220 {strides = array<i32>} : memref<7600xf32, #tpu.memory_space<vmem>>, vector<16xf32>,
      %gather3A_223 = tpu.vector_load_idx %arg17[%get3A_215] : memref<1536xf32, #tpu.memory_space<vmem>>[vector<16xi32>], vector<16xf32>,
      %gather3A_224 = tpu.vector_load_idx %arg17[%get3A_217] : memref<1536xf32, #tpu.memory_space<vmem>>[vector<16xi32>], vector<16xf32>,
      %add3A_225 = arith.addf %gather3A_223, %gather3A_224 : vector<16xf32>
      %swap3A_226 = arith.index_cast %mul3A_213 : i32 to index
      %swap3A_227 = tpu.vector_load %arg15[%swap3A_226] {strides = array<i32>} : memref<7600xf32, #tpu.memory_space<vmem>>, vector<16xf32>,
      tpu.vector_store %arg15[%swap3A_226], %add3A_225 {strides = array<i32>} : memref<7600xf32, #tpu.memory_space<vmem>>, vector<16xf32>,
    }
    %scan3A_88 = arith.constant 472 : i32
    %scan3A_89 = arith.addi %scan3A_84, %scan3A_88 : i32
    %mul3A_90 = arith.constant 16 : i32
    %mul3A_91 = arith.muli %scan3A_89, %mul3A_90 : i32
    %get3A_92 = arith.index_cast %mul3A_91 : i32 to index
    %get3A_93 = tpu.vector_load %arg9[%get3A_92] {strides = array<i32>} : memref<7600xi32, #tpu.memory_space<vmem>>, vector<16xi32>,
    %get3A_94 = arith.index_cast %mul3A_91 : i32 to index
    %get3A_95 = tpu.vector_load %arg11[%get3A_94] {strides = array<i32>} : memref<7600xi32, #tpu.memory_space<vmem>>, vector<16xi32>,
    %gather3A_96 = tpu.vector_load_idx %arg16[%get3A_93] : memref<1536xf32, #tpu.memory_space<vmem>>[vector<16xi32>], vector<16xf32>,
    %gather3A_97 = tpu.vector_load_idx %arg16[%get3A_95] : memref<1536xf32, #tpu.memory_space<vmem>>[vector<16xi32>], vector<16xf32>,
    %add3A_98 = arith.addf %gather3A_96, %gather3A_97 : vector<16xf32>
    %swap3A_99 = arith.index_cast %mul3A_91 : i32 to index
    %swap3A_100 = tpu.vector_load %arg13[%swap3A_99] {strides = array<i32>} : memref<7600xf32, #tpu.memory_space<vmem>>, vector<16xf32>,
    tpu.vector_store %arg13[%swap3A_99], %add3A_98 {strides = array<i32>} : memref<7600xf32, #tpu.memory_space<vmem>>, vector<16xf32>,
    %gather3A_101 = tpu.vector_load_idx %arg17[%get3A_93] : memref<1536xf32, #tpu.memory_space<vmem>>[vector<16xi32>], vector<16xf32>,
    %gather3A_102 = tpu.vector_load_idx %arg17[%get3A_95] : memref<1536xf32, #tpu.memory_space<vmem>>[vector<16xi32>], vector<16xf32>,
    %add3A_103 = arith.addf %gather3A_101, %gather3A_102 : vector<16xf32>
    %swap3A_104 = arith.index_cast %mul3A_91 : i32 to index
    %swap3A_105 = tpu.vector_load %arg15[%swap3A_104] {strides = array<i32>} : memref<7600xf32, #tpu.memory_space<vmem>>, vector<16xf32>,
    tpu.vector_store %arg15[%swap3A_104], %add3A_103 {strides = array<i32>} : memref<7600xf32, #tpu.memory_space<vmem>>, vector<16xf32>,
    %scan3A_106 = arith.constant 473 : i32
    %scan3A_107 = arith.addi %scan3A_84, %scan3A_106 : i32
    %mul3A_108 = arith.constant 16 : i32
    %mul3A_109 = arith.muli %scan3A_107, %mul3A_108 : i32
    %get3A_110 = arith.index_cast %mul3A_109 : i32 to index
    %get3A_111 = tpu.vector_load %arg9[%get3A_110] {strides = array<i32>} : memref<7600xi32, #tpu.memory_space<vmem>>, vector<16xi32>,
    %get3A_112 = arith.index_cast %mul3A_109 : i32 to index
    %get3A_113 = tpu.vector_load %arg11[%get3A_112] {strides = array<i32>} : memref<7600xi32, #tpu.memory_space<vmem>>, vector<16xi32>,
    %gather3A_114 = tpu.vector_load_idx %arg16[%get3A_111] : memref<1536xf32, #tpu.memory_space<vmem>>[vector<16xi32>], vector<16xf32>,
    %gather3A_115 = tpu.vector_load_idx %arg16[%get3A_113] : memref<1536xf32, #tpu.memory_space<vmem>>[vector<16xi32>], vector<16xf32>,
    %add3A_116 = arith.addf %gather3A_114, %gather3A_115 : vector<16xf32>
    %swap3A_117 = arith.index_cast %mul3A_109 : i32 to index
    %swap3A_118 = tpu.vector_load %arg13[%swap3A_117] {strides = array<i32>} : memref<7600xf32, #tpu.memory_space<vmem>>, vector<16xf32>,
    tpu.vector_store %arg13[%swap3A_117], %add3A_116 {strides = array<i32>} : memref<7600xf32, #tpu.memory_space<vmem>>, vector<16xf32>,
    %gather3A_119 = tpu.vector_load_idx %arg17[%get3A_111] : memref<1536xf32, #tpu.memory_space<vmem>>[vector<16xi32>], vector<16xf32>,
    %gather3A_120 = tpu.vector_load_idx %arg17[%get3A_113] : memref<1536xf32, #tpu.memory_space<vmem>>[vector<16xi32>], vector<16xf32>,
    %add3A_121 = arith.addf %gather3A_119, %gather3A_120 : vector<16xf32>
    %swap3A_122 = arith.index_cast %mul3A_109 : i32 to index
    %swap3A_123 = tpu.vector_load %arg15[%swap3A_122] {strides = array<i32>} : memref<7600xf32, #tpu.memory_space<vmem>>, vector<16xf32>,
    tpu.vector_store %arg15[%swap3A_122], %add3A_121 {strides = array<i32>} : memref<7600xf32, #tpu.memory_space<vmem>>, vector<16xf32>,
    %scan3A_124 = arith.constant 474 : i32
    %scan3A_125 = arith.addi %scan3A_84, %scan3A_124 : i32
    %mul3A_126 = arith.constant 16 : i32
    %mul3A_127 = arith.muli %scan3A_125, %mul3A_126 : i32
    %get3A_128 = arith.index_cast %mul3A_127 : i32 to index
    %get3A_129 = tpu.vector_load %arg9[%get3A_128] {strides = array<i32>} : memref<7600xi32, #tpu.memory_space<vmem>>, vector<16xi32>,
    %get3A_130 = arith.index_cast %mul3A_127 : i32 to index
    %get3A_131 = tpu.vector_load %arg11[%get3A_130] {strides = array<i32>} : memref<7600xi32, #tpu.memory_space<vmem>>, vector<16xi32>,
    %gather3A_132 = tpu.vector_load_idx %arg16[%get3A_129] : memref<1536xf32, #tpu.memory_space<vmem>>[vector<16xi32>], vector<16xf32>,
    %gather3A_133 = tpu.vector_load_idx %arg16[%get3A_131] : memref<1536xf32, #tpu.memory_space<vmem>>[vector<16xi32>], vector<16xf32>,
    %add3A_134 = arith.addf %gather3A_132, %gather3A_133 : vector<16xf32>
    %swap3A_135 = arith.index_cast %mul3A_127 : i32 to index
    %swap3A_136 = tpu.vector_load %arg13[%swap3A_135] {strides = array<i32>} : memref<7600xf32, #tpu.memory_space<vmem>>, vector<16xf32>,
    tpu.vector_store %arg13[%swap3A_135], %add3A_134 {strides = array<i32>} : memref<7600xf32, #tpu.memory_space<vmem>>, vector<16xf32>,
    %gather3A_137 = tpu.vector_load_idx %arg17[%get3A_129] : memref<1536xf32, #tpu.memory_space<vmem>>[vector<16xi32>], vector<16xf32>,
    %gather3A_138 = tpu.vector_load_idx %arg17[%get3A_131] : memref<1536xf32, #tpu.memory_space<vmem>>[vector<16xi32>], vector<16xf32>,
    %add3A_139 = arith.addf %gather3A_137, %gather3A_138 : vector<16xf32>
    %swap3A_140 = arith.index_cast %mul3A_127 : i32 to index
    %swap3A_141 = tpu.vector_load %arg15[%swap3A_140] {strides = array<i32>} : memref<7600xf32, #tpu.memory_space<vmem>>, vector<16xf32>,
    tpu.vector_store %arg15[%swap3A_140], %add3A_139 {strides = array<i32>} : memref<7600xf32, #tpu.memory_space<vmem>>, vector<16xf32>,
    %scan3A_142 = arith.constant 475 : i32
    %add3A_143 = arith.constant 7600 : i32
    %add3A_144 = arith.addi %mul3A_2, %add3A_143 : i32
    %dma_start3A_145 = tpu.memref_slice %arg6[%add3A_144] : memref<486400xf32, #tpu.memory_space<hbm>> -> memref<7600xf32, #tpu.memory_space<hbm>>
    %dma_start3A_146 = tpu.memref_slice %arg6[%add3A_144] : memref<486400xf32, #tpu.memory_space<hbm>> -> memref<7600xf32, #tpu.memory_space<hbm>>
    tpu.enqueue_dma source(%arg13 : memref<7600xf32, #tpu.memory_space<vmem>>) target(%dma_start3A_146 : memref<7600xf32, #tpu.memory_space<hbm>>) target_semaphore(%arg24 : memref<!tpu.dma_semaphore, #tpu.memory_space<semaphore_mem>>)
    %dma_start3A_147 = tpu.memref_slice %arg7[%add3A_144] : memref<486400xf32, #tpu.memory_space<hbm>> -> memref<7600xf32, #tpu.memory_space<hbm>>
    %dma_start3A_148 = tpu.memref_slice %arg7[%add3A_144] : memref<486400xf32, #tpu.memory_space<hbm>> -> memref<7600xf32, #tpu.memory_space<hbm>>
    tpu.enqueue_dma source(%arg15 : memref<7600xf32, #tpu.memory_space<vmem>>) target(%dma_start3A_148 : memref<7600xf32, #tpu.memory_space<hbm>>) target_semaphore(%arg25 : memref<!tpu.dma_semaphore, #tpu.memory_space<semaphore_mem>>)
    %dma_wait3A_149 = tpu.memref_slice %arg6[%add3A_74] : memref<486400xf32, #tpu.memory_space<hbm>> -> memref<7600xf32, #tpu.memory_space<hbm>>
    %dma_wait3A_150 = tpu.memref_slice %arg6[%add3A_74] : memref<486400xf32, #tpu.memory_space<hbm>> -> memref<7600xf32, #tpu.memory_space<hbm>>
    tpu.wait_dma2 semaphore(%arg22 : memref<!tpu.dma_semaphore, #tpu.memory_space<semaphore_mem>>) src(%arg12 : memref<7600xf32, #tpu.memory_space<vmem>>) dst(%dma_wait3A_150 : memref<7600xf32, #tpu.memory_space<hbm>>)
    %dma_wait3A_151 = tpu.memref_slice %arg7[%add3A_74] : memref<486400xf32, #tpu.memory_space<hbm>> -> memref<7600xf32, #tpu.memory_space<hbm>>
    %dma_wait3A_152 = tpu.memref_slice %arg7[%add3A_74] : memref<486400xf32, #tpu.memory_space<hbm>> -> memref<7600xf32, #tpu.memory_space<hbm>>
    tpu.wait_dma2 semaphore(%arg23 : memref<!tpu.dma_semaphore, #tpu.memory_space<semaphore_mem>>) src(%arg14 : memref<7600xf32, #tpu.memory_space<vmem>>) dst(%dma_wait3A_152 : memref<7600xf32, #tpu.memory_space<hbm>>)
    %dma_wait3A_153 = tpu.memref_slice %arg6[%add3A_144] : memref<486400xf32, #tpu.memory_space<hbm>> -> memref<7600xf32, #tpu.memory_space<hbm>>
    %dma_wait3A_154 = tpu.memref_slice %arg6[%add3A_144] : memref<486400xf32, #tpu.memory_space<hbm>> -> memref<7600xf32, #tpu.memory_space<hbm>>
    tpu.wait_dma2 semaphore(%arg24 : memref<!tpu.dma_semaphore, #tpu.memory_space<semaphore_mem>>) src(%arg13 : memref<7600xf32, #tpu.memory_space<vmem>>) dst(%dma_wait3A_154 : memref<7600xf32, #tpu.memory_space<hbm>>)
    %dma_wait3A_155 = tpu.memref_slice %arg7[%add3A_144] : memref<486400xf32, #tpu.memory_space<hbm>> -> memref<7600xf32, #tpu.memory_space<hbm>>
    %dma_wait3A_156 = tpu.memref_slice %arg7[%add3A_144] : memref<486400xf32, #tpu.memory_space<hbm>> -> memref<7600xf32, #tpu.memory_space<hbm>>
    tpu.wait_dma2 semaphore(%arg25 : memref<!tpu.dma_semaphore, #tpu.memory_space<semaphore_mem>>) src(%arg15 : memref<7600xf32, #tpu.memory_space<vmem>>) dst(%dma_wait3A_156 : memref<7600xf32, #tpu.memory_space<hbm>>)
    return
  }
}

#map = affine_map<(d0, d1) -> (0)>
module attributes {stable_mosaic.version = 14 : i64} {
  func.func @sc_kernel(%arg0: i32, %arg1: i32, %arg2: memref<819200xi32, #tpu.memory_space<hbm>>, %arg3: memref<819200xi32, #tpu.memory_space<hbm>>, %arg4: memref<1536xf32, #tpu.memory_space<hbm>>, %arg5: memref<1536xf32, #tpu.memory_space<hbm>>, %arg6: memref<819200xf32, #tpu.memory_space<hbm>>, %arg7: memref<819200xf32, #tpu.memory_space<hbm>>, %arg8: memref<6400xi32, #tpu.memory_space<vmem>>, %arg9: memref<6400xi32, #tpu.memory_space<vmem>>, %arg10: memref<6400xi32, #tpu.memory_space<vmem>>, %arg11: memref<6400xi32, #tpu.memory_space<vmem>>, %arg12: memref<6400xf32, #tpu.memory_space<vmem>>, %arg13: memref<6400xf32, #tpu.memory_space<vmem>>, %arg14: memref<6400xf32, #tpu.memory_space<vmem>>, %arg15: memref<6400xf32, #tpu.memory_space<vmem>>, %arg16: memref<1536xf32, #tpu.memory_space<vmem>>, %arg17: memref<1536xf32, #tpu.memory_space<vmem>>, %arg18: memref<!tpu.dma_semaphore, #tpu.memory_space<semaphore_mem>>, %arg19: memref<!tpu.dma_semaphore, #tpu.memory_space<semaphore_mem>>, %arg20: memref<!tpu.dma_semaphore, #tpu.memory_space<semaphore_mem>>, %arg21: memref<!tpu.dma_semaphore, #tpu.memory_space<semaphore_mem>>, %arg22: memref<!tpu.dma_semaphore, #tpu.memory_space<semaphore_mem>>, %arg23: memref<!tpu.dma_semaphore, #tpu.memory_space<semaphore_mem>>, %arg24: memref<!tpu.dma_semaphore, #tpu.memory_space<semaphore_mem>>, %arg25: memref<!tpu.dma_semaphore, #tpu.memory_space<semaphore_mem>>) attributes {dimension_semantics = [#tpu.dimension_semantics<core_parallel>, #tpu.dimension_semantics<subcore_parallel>], iteration_bounds = array<i64: 2, 16>, scalar_prefetch = 0 : i64, scratch_operands = 18 : i64, tpu.core_type = #tpu.core_type<sc_vector_subcore>, window_params = [{transform_indices = #map}, {transform_indices = #map}, {transform_indices = #map}, {transform_indices = #map}, {transform_indices = #map}, {transform_indices = #map}]} {
    %mul3A = arith.constant 2 : i32
    %mul3A_0 = arith.muli %arg1, %mul3A : i32
    %add3A = arith.addi %mul3A_0, %arg0 : i32
    "tpu.region"() ({
      %run_scoped3A = tpu.sem_alloc : memref<!tpu.dma_semaphore, #tpu.memory_space<semaphore_mem>>
      tpu.enqueue_dma source(%arg4 : memref<1536xf32, #tpu.memory_space<hbm>>) target(%arg16 : memref<1536xf32, #tpu.memory_space<vmem>>) target_semaphore(%run_scoped3A : memref<!tpu.dma_semaphore, #tpu.memory_space<semaphore_mem>>)
      tpu.wait_dma2 semaphore(%run_scoped3A : memref<!tpu.dma_semaphore, #tpu.memory_space<semaphore_mem>>) src(%arg4 : memref<1536xf32, #tpu.memory_space<hbm>>) dst(%arg16 : memref<1536xf32, #tpu.memory_space<vmem>>)
      tpu.yield
    }) : () -> ()
    "tpu.region"() ({
      %run_scoped3A = tpu.sem_alloc : memref<!tpu.dma_semaphore, #tpu.memory_space<semaphore_mem>>
      tpu.enqueue_dma source(%arg5 : memref<1536xf32, #tpu.memory_space<hbm>>) target(%arg17 : memref<1536xf32, #tpu.memory_space<vmem>>) target_semaphore(%run_scoped3A : memref<!tpu.dma_semaphore, #tpu.memory_space<semaphore_mem>>)
      tpu.wait_dma2 semaphore(%run_scoped3A : memref<!tpu.dma_semaphore, #tpu.memory_space<semaphore_mem>>) src(%arg5 : memref<1536xf32, #tpu.memory_space<hbm>>) dst(%arg17 : memref<1536xf32, #tpu.memory_space<vmem>>)
      tpu.yield
    }) : () -> ()
    %mul3A_1 = arith.constant 25600 : i32
    %mul3A_2 = arith.muli %add3A, %mul3A_1 : i32
    %add3A_3 = arith.constant 0 : i32
    %add3A_4 = arith.addi %mul3A_2, %add3A_3 : i32
    %dma_start3A = tpu.memref_slice %arg2[%add3A_4] : memref<819200xi32, #tpu.memory_space<hbm>> -> memref<6400xi32, #tpu.memory_space<hbm>>
    %dma_start3A_5 = tpu.memref_slice %arg2[%add3A_4] : memref<819200xi32, #tpu.memory_space<hbm>> -> memref<6400xi32, #tpu.memory_space<hbm>>
    tpu.enqueue_dma source(%dma_start3A_5 : memref<6400xi32, #tpu.memory_space<hbm>>) target(%arg8 : memref<6400xi32, #tpu.memory_space<vmem>>) target_semaphore(%arg18 : memref<!tpu.dma_semaphore, #tpu.memory_space<semaphore_mem>>)
    %dma_start3A_6 = tpu.memref_slice %arg3[%add3A_4] : memref<819200xi32, #tpu.memory_space<hbm>> -> memref<6400xi32, #tpu.memory_space<hbm>>
    %dma_start3A_7 = tpu.memref_slice %arg3[%add3A_4] : memref<819200xi32, #tpu.memory_space<hbm>> -> memref<6400xi32, #tpu.memory_space<hbm>>
    tpu.enqueue_dma source(%dma_start3A_7 : memref<6400xi32, #tpu.memory_space<hbm>>) target(%arg10 : memref<6400xi32, #tpu.memory_space<vmem>>) target_semaphore(%arg19 : memref<!tpu.dma_semaphore, #tpu.memory_space<semaphore_mem>>)
    %add3A_8 = arith.constant 6400 : i32
    %add3A_9 = arith.addi %mul3A_2, %add3A_8 : i32
    %dma_start3A_10 = tpu.memref_slice %arg2[%add3A_9] : memref<819200xi32, #tpu.memory_space<hbm>> -> memref<6400xi32, #tpu.memory_space<hbm>>
    %dma_start3A_11 = tpu.memref_slice %arg2[%add3A_9] : memref<819200xi32, #tpu.memory_space<hbm>> -> memref<6400xi32, #tpu.memory_space<hbm>>
    tpu.enqueue_dma source(%dma_start3A_11 : memref<6400xi32, #tpu.memory_space<hbm>>) target(%arg9 : memref<6400xi32, #tpu.memory_space<vmem>>) target_semaphore(%arg20 : memref<!tpu.dma_semaphore, #tpu.memory_space<semaphore_mem>>)
    %dma_start3A_12 = tpu.memref_slice %arg3[%add3A_9] : memref<819200xi32, #tpu.memory_space<hbm>> -> memref<6400xi32, #tpu.memory_space<hbm>>
    %dma_start3A_13 = tpu.memref_slice %arg3[%add3A_9] : memref<819200xi32, #tpu.memory_space<hbm>> -> memref<6400xi32, #tpu.memory_space<hbm>>
    tpu.enqueue_dma source(%dma_start3A_13 : memref<6400xi32, #tpu.memory_space<hbm>>) target(%arg11 : memref<6400xi32, #tpu.memory_space<vmem>>) target_semaphore(%arg21 : memref<!tpu.dma_semaphore, #tpu.memory_space<semaphore_mem>>)
    %dma_wait3A = tpu.memref_slice %arg2[%add3A_4] : memref<819200xi32, #tpu.memory_space<hbm>> -> memref<6400xi32, #tpu.memory_space<hbm>>
    %dma_wait3A_14 = tpu.memref_slice %arg2[%add3A_4] : memref<819200xi32, #tpu.memory_space<hbm>> -> memref<6400xi32, #tpu.memory_space<hbm>>
    tpu.wait_dma2 semaphore(%arg18 : memref<!tpu.dma_semaphore, #tpu.memory_space<semaphore_mem>>) src(%dma_wait3A_14 : memref<6400xi32, #tpu.memory_space<hbm>>) dst(%arg8 : memref<6400xi32, #tpu.memory_space<vmem>>)
    %dma_wait3A_15 = tpu.memref_slice %arg3[%add3A_4] : memref<819200xi32, #tpu.memory_space<hbm>> -> memref<6400xi32, #tpu.memory_space<hbm>>
    %dma_wait3A_16 = tpu.memref_slice %arg3[%add3A_4] : memref<819200xi32, #tpu.memory_space<hbm>> -> memref<6400xi32, #tpu.memory_space<hbm>>
    tpu.wait_dma2 semaphore(%arg19 : memref<!tpu.dma_semaphore, #tpu.memory_space<semaphore_mem>>) src(%dma_wait3A_16 : memref<6400xi32, #tpu.memory_space<hbm>>) dst(%arg10 : memref<6400xi32, #tpu.memory_space<vmem>>)
    %scan3A = arith.constant 0 : i32
    %scan3A_17 = arith.constant 0 : i32
    %scan3A_18 = arith.constant 400 : i32
    %scan3A_19 = arith.addi %scan3A_17, %scan3A_18 : i32
    %scan3A_20 = arith.constant 4 : i32
    scf.for %scan3A_104 = %scan3A_17 to %scan3A_19 step %scan3A_20  : i32 {
      %mul3A_105 = arith.constant 16 : i32
      %mul3A_106 = arith.muli %scan3A_104, %mul3A_105 : i32
      %get3A = arith.index_cast %mul3A_106 : i32 to index
      %get3A_107 = tpu.vector_load %arg8[%get3A] {strides = array<i32>} : memref<6400xi32, #tpu.memory_space<vmem>>, vector<16xi32>,
      %get3A_108 = arith.index_cast %mul3A_106 : i32 to index
      %get3A_109 = tpu.vector_load %arg10[%get3A_108] {strides = array<i32>} : memref<6400xi32, #tpu.memory_space<vmem>>, vector<16xi32>,
      %gather3A = tpu.vector_load_idx %arg16[%get3A_107] : memref<1536xf32, #tpu.memory_space<vmem>>[vector<16xi32>], vector<16xf32>,
      %gather3A_110 = tpu.vector_load_idx %arg16[%get3A_109] : memref<1536xf32, #tpu.memory_space<vmem>>[vector<16xi32>], vector<16xf32>,
      %add3A_111 = arith.addf %gather3A, %gather3A_110 : vector<16xf32>
      %swap3A = arith.index_cast %mul3A_106 : i32 to index
      %swap3A_112 = tpu.vector_load %arg12[%swap3A] {strides = array<i32>} : memref<6400xf32, #tpu.memory_space<vmem>>, vector<16xf32>,
      tpu.vector_store %arg12[%swap3A], %add3A_111 {strides = array<i32>} : memref<6400xf32, #tpu.memory_space<vmem>>, vector<16xf32>,
      %gather3A_113 = tpu.vector_load_idx %arg17[%get3A_107] : memref<1536xf32, #tpu.memory_space<vmem>>[vector<16xi32>], vector<16xf32>,
      %gather3A_114 = tpu.vector_load_idx %arg17[%get3A_109] : memref<1536xf32, #tpu.memory_space<vmem>>[vector<16xi32>], vector<16xf32>,
      %add3A_115 = arith.addf %gather3A_113, %gather3A_114 : vector<16xf32>
      %swap3A_116 = arith.index_cast %mul3A_106 : i32 to index
      %swap3A_117 = tpu.vector_load %arg14[%swap3A_116] {strides = array<i32>} : memref<6400xf32, #tpu.memory_space<vmem>>, vector<16xf32>,
      tpu.vector_store %arg14[%swap3A_116], %add3A_115 {strides = array<i32>} : memref<6400xf32, #tpu.memory_space<vmem>>, vector<16xf32>,
      %scan3A_118 = arith.constant 1 : i32
      %scan3A_119 = arith.addi %scan3A_104, %scan3A_118 : i32
      %mul3A_120 = arith.constant 16 : i32
      %mul3A_121 = arith.muli %scan3A_119, %mul3A_120 : i32
      %get3A_122 = arith.index_cast %mul3A_121 : i32 to index
      %get3A_123 = tpu.vector_load %arg8[%get3A_122] {strides = array<i32>} : memref<6400xi32, #tpu.memory_space<vmem>>, vector<16xi32>,
      %get3A_124 = arith.index_cast %mul3A_121 : i32 to index
      %get3A_125 = tpu.vector_load %arg10[%get3A_124] {strides = array<i32>} : memref<6400xi32, #tpu.memory_space<vmem>>, vector<16xi32>,
      %gather3A_126 = tpu.vector_load_idx %arg16[%get3A_123] : memref<1536xf32, #tpu.memory_space<vmem>>[vector<16xi32>], vector<16xf32>,
      %gather3A_127 = tpu.vector_load_idx %arg16[%get3A_125] : memref<1536xf32, #tpu.memory_space<vmem>>[vector<16xi32>], vector<16xf32>,
      %add3A_128 = arith.addf %gather3A_126, %gather3A_127 : vector<16xf32>
      %swap3A_129 = arith.index_cast %mul3A_121 : i32 to index
      %swap3A_130 = tpu.vector_load %arg12[%swap3A_129] {strides = array<i32>} : memref<6400xf32, #tpu.memory_space<vmem>>, vector<16xf32>,
      tpu.vector_store %arg12[%swap3A_129], %add3A_128 {strides = array<i32>} : memref<6400xf32, #tpu.memory_space<vmem>>, vector<16xf32>,
      %gather3A_131 = tpu.vector_load_idx %arg17[%get3A_123] : memref<1536xf32, #tpu.memory_space<vmem>>[vector<16xi32>], vector<16xf32>,
      %gather3A_132 = tpu.vector_load_idx %arg17[%get3A_125] : memref<1536xf32, #tpu.memory_space<vmem>>[vector<16xi32>], vector<16xf32>,
      %add3A_133 = arith.addf %gather3A_131, %gather3A_132 : vector<16xf32>
      %swap3A_134 = arith.index_cast %mul3A_121 : i32 to index
      %swap3A_135 = tpu.vector_load %arg14[%swap3A_134] {strides = array<i32>} : memref<6400xf32, #tpu.memory_space<vmem>>, vector<16xf32>,
      tpu.vector_store %arg14[%swap3A_134], %add3A_133 {strides = array<i32>} : memref<6400xf32, #tpu.memory_space<vmem>>, vector<16xf32>,
      %scan3A_136 = arith.constant 2 : i32
      %scan3A_137 = arith.addi %scan3A_104, %scan3A_136 : i32
      %mul3A_138 = arith.constant 16 : i32
      %mul3A_139 = arith.muli %scan3A_137, %mul3A_138 : i32
      %get3A_140 = arith.index_cast %mul3A_139 : i32 to index
      %get3A_141 = tpu.vector_load %arg8[%get3A_140] {strides = array<i32>} : memref<6400xi32, #tpu.memory_space<vmem>>, vector<16xi32>,
      %get3A_142 = arith.index_cast %mul3A_139 : i32 to index
      %get3A_143 = tpu.vector_load %arg10[%get3A_142] {strides = array<i32>} : memref<6400xi32, #tpu.memory_space<vmem>>, vector<16xi32>,
      %gather3A_144 = tpu.vector_load_idx %arg16[%get3A_141] : memref<1536xf32, #tpu.memory_space<vmem>>[vector<16xi32>], vector<16xf32>,
      %gather3A_145 = tpu.vector_load_idx %arg16[%get3A_143] : memref<1536xf32, #tpu.memory_space<vmem>>[vector<16xi32>], vector<16xf32>,
      %add3A_146 = arith.addf %gather3A_144, %gather3A_145 : vector<16xf32>
      %swap3A_147 = arith.index_cast %mul3A_139 : i32 to index
      %swap3A_148 = tpu.vector_load %arg12[%swap3A_147] {strides = array<i32>} : memref<6400xf32, #tpu.memory_space<vmem>>, vector<16xf32>,
      tpu.vector_store %arg12[%swap3A_147], %add3A_146 {strides = array<i32>} : memref<6400xf32, #tpu.memory_space<vmem>>, vector<16xf32>,
      %gather3A_149 = tpu.vector_load_idx %arg17[%get3A_141] : memref<1536xf32, #tpu.memory_space<vmem>>[vector<16xi32>], vector<16xf32>,
      %gather3A_150 = tpu.vector_load_idx %arg17[%get3A_143] : memref<1536xf32, #tpu.memory_space<vmem>>[vector<16xi32>], vector<16xf32>,
      %add3A_151 = arith.addf %gather3A_149, %gather3A_150 : vector<16xf32>
      %swap3A_152 = arith.index_cast %mul3A_139 : i32 to index
      %swap3A_153 = tpu.vector_load %arg14[%swap3A_152] {strides = array<i32>} : memref<6400xf32, #tpu.memory_space<vmem>>, vector<16xf32>,
      tpu.vector_store %arg14[%swap3A_152], %add3A_151 {strides = array<i32>} : memref<6400xf32, #tpu.memory_space<vmem>>, vector<16xf32>,
      %scan3A_154 = arith.constant 3 : i32
      %scan3A_155 = arith.addi %scan3A_104, %scan3A_154 : i32
      %mul3A_156 = arith.constant 16 : i32
      %mul3A_157 = arith.muli %scan3A_155, %mul3A_156 : i32
      %get3A_158 = arith.index_cast %mul3A_157 : i32 to index
      %get3A_159 = tpu.vector_load %arg8[%get3A_158] {strides = array<i32>} : memref<6400xi32, #tpu.memory_space<vmem>>, vector<16xi32>,
      %get3A_160 = arith.index_cast %mul3A_157 : i32 to index
      %get3A_161 = tpu.vector_load %arg10[%get3A_160] {strides = array<i32>} : memref<6400xi32, #tpu.memory_space<vmem>>, vector<16xi32>,
      %gather3A_162 = tpu.vector_load_idx %arg16[%get3A_159] : memref<1536xf32, #tpu.memory_space<vmem>>[vector<16xi32>], vector<16xf32>,
      %gather3A_163 = tpu.vector_load_idx %arg16[%get3A_161] : memref<1536xf32, #tpu.memory_space<vmem>>[vector<16xi32>], vector<16xf32>,
      %add3A_164 = arith.addf %gather3A_162, %gather3A_163 : vector<16xf32>
      %swap3A_165 = arith.index_cast %mul3A_157 : i32 to index
      %swap3A_166 = tpu.vector_load %arg12[%swap3A_165] {strides = array<i32>} : memref<6400xf32, #tpu.memory_space<vmem>>, vector<16xf32>,
      tpu.vector_store %arg12[%swap3A_165], %add3A_164 {strides = array<i32>} : memref<6400xf32, #tpu.memory_space<vmem>>, vector<16xf32>,
      %gather3A_167 = tpu.vector_load_idx %arg17[%get3A_159] : memref<1536xf32, #tpu.memory_space<vmem>>[vector<16xi32>], vector<16xf32>,
      %gather3A_168 = tpu.vector_load_idx %arg17[%get3A_161] : memref<1536xf32, #tpu.memory_space<vmem>>[vector<16xi32>], vector<16xf32>,
      %add3A_169 = arith.addf %gather3A_167, %gather3A_168 : vector<16xf32>
      %swap3A_170 = arith.index_cast %mul3A_157 : i32 to index
      %swap3A_171 = tpu.vector_load %arg14[%swap3A_170] {strides = array<i32>} : memref<6400xf32, #tpu.memory_space<vmem>>, vector<16xf32>,
      tpu.vector_store %arg14[%swap3A_170], %add3A_169 {strides = array<i32>} : memref<6400xf32, #tpu.memory_space<vmem>>, vector<16xf32>,
    }
    %scan3A_21 = arith.constant 400 : i32
    %add3A_22 = arith.constant 0 : i32
    %add3A_23 = arith.addi %mul3A_2, %add3A_22 : i32
    %dma_start3A_24 = tpu.memref_slice %arg6[%add3A_23] : memref<819200xf32, #tpu.memory_space<hbm>> -> memref<6400xf32, #tpu.memory_space<hbm>>
    %dma_start3A_25 = tpu.memref_slice %arg6[%add3A_23] : memref<819200xf32, #tpu.memory_space<hbm>> -> memref<6400xf32, #tpu.memory_space<hbm>>
    tpu.enqueue_dma source(%arg12 : memref<6400xf32, #tpu.memory_space<vmem>>) target(%dma_start3A_25 : memref<6400xf32, #tpu.memory_space<hbm>>) target_semaphore(%arg22 : memref<!tpu.dma_semaphore, #tpu.memory_space<semaphore_mem>>)
    %dma_start3A_26 = tpu.memref_slice %arg7[%add3A_23] : memref<819200xf32, #tpu.memory_space<hbm>> -> memref<6400xf32, #tpu.memory_space<hbm>>
    %dma_start3A_27 = tpu.memref_slice %arg7[%add3A_23] : memref<819200xf32, #tpu.memory_space<hbm>> -> memref<6400xf32, #tpu.memory_space<hbm>>
    tpu.enqueue_dma source(%arg14 : memref<6400xf32, #tpu.memory_space<vmem>>) target(%dma_start3A_27 : memref<6400xf32, #tpu.memory_space<hbm>>) target_semaphore(%arg23 : memref<!tpu.dma_semaphore, #tpu.memory_space<semaphore_mem>>)
    %add3A_28 = arith.constant 12800 : i32
    %add3A_29 = arith.addi %mul3A_2, %add3A_28 : i32
    %dma_start3A_30 = tpu.memref_slice %arg2[%add3A_29] : memref<819200xi32, #tpu.memory_space<hbm>> -> memref<6400xi32, #tpu.memory_space<hbm>>
    %dma_start3A_31 = tpu.memref_slice %arg2[%add3A_29] : memref<819200xi32, #tpu.memory_space<hbm>> -> memref<6400xi32, #tpu.memory_space<hbm>>
    tpu.enqueue_dma source(%dma_start3A_31 : memref<6400xi32, #tpu.memory_space<hbm>>) target(%arg8 : memref<6400xi32, #tpu.memory_space<vmem>>) target_semaphore(%arg18 : memref<!tpu.dma_semaphore, #tpu.memory_space<semaphore_mem>>)
    %dma_start3A_32 = tpu.memref_slice %arg3[%add3A_29] : memref<819200xi32, #tpu.memory_space<hbm>> -> memref<6400xi32, #tpu.memory_space<hbm>>
    %dma_start3A_33 = tpu.memref_slice %arg3[%add3A_29] : memref<819200xi32, #tpu.memory_space<hbm>> -> memref<6400xi32, #tpu.memory_space<hbm>>
    tpu.enqueue_dma source(%dma_start3A_33 : memref<6400xi32, #tpu.memory_space<hbm>>) target(%arg10 : memref<6400xi32, #tpu.memory_space<vmem>>) target_semaphore(%arg19 : memref<!tpu.dma_semaphore, #tpu.memory_space<semaphore_mem>>)
    %dma_wait3A_34 = tpu.memref_slice %arg2[%add3A_9] : memref<819200xi32, #tpu.memory_space<hbm>> -> memref<6400xi32, #tpu.memory_space<hbm>>
    %dma_wait3A_35 = tpu.memref_slice %arg2[%add3A_9] : memref<819200xi32, #tpu.memory_space<hbm>> -> memref<6400xi32, #tpu.memory_space<hbm>>
    tpu.wait_dma2 semaphore(%arg20 : memref<!tpu.dma_semaphore, #tpu.memory_space<semaphore_mem>>) src(%dma_wait3A_35 : memref<6400xi32, #tpu.memory_space<hbm>>) dst(%arg9 : memref<6400xi32, #tpu.memory_space<vmem>>)
    %dma_wait3A_36 = tpu.memref_slice %arg3[%add3A_9] : memref<819200xi32, #tpu.memory_space<hbm>> -> memref<6400xi32, #tpu.memory_space<hbm>>
    %dma_wait3A_37 = tpu.memref_slice %arg3[%add3A_9] : memref<819200xi32, #tpu.memory_space<hbm>> -> memref<6400xi32, #tpu.memory_space<hbm>>
    tpu.wait_dma2 semaphore(%arg21 : memref<!tpu.dma_semaphore, #tpu.memory_space<semaphore_mem>>) src(%dma_wait3A_37 : memref<6400xi32, #tpu.memory_space<hbm>>) dst(%arg11 : memref<6400xi32, #tpu.memory_space<vmem>>)
    %scan3A_38 = arith.constant 0 : i32
    %scan3A_39 = arith.constant 0 : i32
    %scan3A_40 = arith.constant 400 : i32
    %scan3A_41 = arith.addi %scan3A_39, %scan3A_40 : i32
    %scan3A_42 = arith.constant 4 : i32
    scf.for %scan3A_104 = %scan3A_39 to %scan3A_41 step %scan3A_42  : i32 {
      %mul3A_105 = arith.constant 16 : i32
      %mul3A_106 = arith.muli %scan3A_104, %mul3A_105 : i32
      %get3A = arith.index_cast %mul3A_106 : i32 to index
      %get3A_107 = tpu.vector_load %arg9[%get3A] {strides = array<i32>} : memref<6400xi32, #tpu.memory_space<vmem>>, vector<16xi32>,
      %get3A_108 = arith.index_cast %mul3A_106 : i32 to index
      %get3A_109 = tpu.vector_load %arg11[%get3A_108] {strides = array<i32>} : memref<6400xi32, #tpu.memory_space<vmem>>, vector<16xi32>,
      %gather3A = tpu.vector_load_idx %arg16[%get3A_107] : memref<1536xf32, #tpu.memory_space<vmem>>[vector<16xi32>], vector<16xf32>,
      %gather3A_110 = tpu.vector_load_idx %arg16[%get3A_109] : memref<1536xf32, #tpu.memory_space<vmem>>[vector<16xi32>], vector<16xf32>,
      %add3A_111 = arith.addf %gather3A, %gather3A_110 : vector<16xf32>
      %swap3A = arith.index_cast %mul3A_106 : i32 to index
      %swap3A_112 = tpu.vector_load %arg13[%swap3A] {strides = array<i32>} : memref<6400xf32, #tpu.memory_space<vmem>>, vector<16xf32>,
      tpu.vector_store %arg13[%swap3A], %add3A_111 {strides = array<i32>} : memref<6400xf32, #tpu.memory_space<vmem>>, vector<16xf32>,
      %gather3A_113 = tpu.vector_load_idx %arg17[%get3A_107] : memref<1536xf32, #tpu.memory_space<vmem>>[vector<16xi32>], vector<16xf32>,
      %gather3A_114 = tpu.vector_load_idx %arg17[%get3A_109] : memref<1536xf32, #tpu.memory_space<vmem>>[vector<16xi32>], vector<16xf32>,
      %add3A_115 = arith.addf %gather3A_113, %gather3A_114 : vector<16xf32>
      %swap3A_116 = arith.index_cast %mul3A_106 : i32 to index
      %swap3A_117 = tpu.vector_load %arg15[%swap3A_116] {strides = array<i32>} : memref<6400xf32, #tpu.memory_space<vmem>>, vector<16xf32>,
      tpu.vector_store %arg15[%swap3A_116], %add3A_115 {strides = array<i32>} : memref<6400xf32, #tpu.memory_space<vmem>>, vector<16xf32>,
      %scan3A_118 = arith.constant 1 : i32
      %scan3A_119 = arith.addi %scan3A_104, %scan3A_118 : i32
      %mul3A_120 = arith.constant 16 : i32
      %mul3A_121 = arith.muli %scan3A_119, %mul3A_120 : i32
      %get3A_122 = arith.index_cast %mul3A_121 : i32 to index
      %get3A_123 = tpu.vector_load %arg9[%get3A_122] {strides = array<i32>} : memref<6400xi32, #tpu.memory_space<vmem>>, vector<16xi32>,
      %get3A_124 = arith.index_cast %mul3A_121 : i32 to index
      %get3A_125 = tpu.vector_load %arg11[%get3A_124] {strides = array<i32>} : memref<6400xi32, #tpu.memory_space<vmem>>, vector<16xi32>,
      %gather3A_126 = tpu.vector_load_idx %arg16[%get3A_123] : memref<1536xf32, #tpu.memory_space<vmem>>[vector<16xi32>], vector<16xf32>,
      %gather3A_127 = tpu.vector_load_idx %arg16[%get3A_125] : memref<1536xf32, #tpu.memory_space<vmem>>[vector<16xi32>], vector<16xf32>,
      %add3A_128 = arith.addf %gather3A_126, %gather3A_127 : vector<16xf32>
      %swap3A_129 = arith.index_cast %mul3A_121 : i32 to index
      %swap3A_130 = tpu.vector_load %arg13[%swap3A_129] {strides = array<i32>} : memref<6400xf32, #tpu.memory_space<vmem>>, vector<16xf32>,
      tpu.vector_store %arg13[%swap3A_129], %add3A_128 {strides = array<i32>} : memref<6400xf32, #tpu.memory_space<vmem>>, vector<16xf32>,
      %gather3A_131 = tpu.vector_load_idx %arg17[%get3A_123] : memref<1536xf32, #tpu.memory_space<vmem>>[vector<16xi32>], vector<16xf32>,
      %gather3A_132 = tpu.vector_load_idx %arg17[%get3A_125] : memref<1536xf32, #tpu.memory_space<vmem>>[vector<16xi32>], vector<16xf32>,
      %add3A_133 = arith.addf %gather3A_131, %gather3A_132 : vector<16xf32>
      %swap3A_134 = arith.index_cast %mul3A_121 : i32 to index
      %swap3A_135 = tpu.vector_load %arg15[%swap3A_134] {strides = array<i32>} : memref<6400xf32, #tpu.memory_space<vmem>>, vector<16xf32>,
      tpu.vector_store %arg15[%swap3A_134], %add3A_133 {strides = array<i32>} : memref<6400xf32, #tpu.memory_space<vmem>>, vector<16xf32>,
      %scan3A_136 = arith.constant 2 : i32
      %scan3A_137 = arith.addi %scan3A_104, %scan3A_136 : i32
      %mul3A_138 = arith.constant 16 : i32
      %mul3A_139 = arith.muli %scan3A_137, %mul3A_138 : i32
      %get3A_140 = arith.index_cast %mul3A_139 : i32 to index
      %get3A_141 = tpu.vector_load %arg9[%get3A_140] {strides = array<i32>} : memref<6400xi32, #tpu.memory_space<vmem>>, vector<16xi32>,
      %get3A_142 = arith.index_cast %mul3A_139 : i32 to index
      %get3A_143 = tpu.vector_load %arg11[%get3A_142] {strides = array<i32>} : memref<6400xi32, #tpu.memory_space<vmem>>, vector<16xi32>,
      %gather3A_144 = tpu.vector_load_idx %arg16[%get3A_141] : memref<1536xf32, #tpu.memory_space<vmem>>[vector<16xi32>], vector<16xf32>,
      %gather3A_145 = tpu.vector_load_idx %arg16[%get3A_143] : memref<1536xf32, #tpu.memory_space<vmem>>[vector<16xi32>], vector<16xf32>,
      %add3A_146 = arith.addf %gather3A_144, %gather3A_145 : vector<16xf32>
      %swap3A_147 = arith.index_cast %mul3A_139 : i32 to index
      %swap3A_148 = tpu.vector_load %arg13[%swap3A_147] {strides = array<i32>} : memref<6400xf32, #tpu.memory_space<vmem>>, vector<16xf32>,
      tpu.vector_store %arg13[%swap3A_147], %add3A_146 {strides = array<i32>} : memref<6400xf32, #tpu.memory_space<vmem>>, vector<16xf32>,
      %gather3A_149 = tpu.vector_load_idx %arg17[%get3A_141] : memref<1536xf32, #tpu.memory_space<vmem>>[vector<16xi32>], vector<16xf32>,
      %gather3A_150 = tpu.vector_load_idx %arg17[%get3A_143] : memref<1536xf32, #tpu.memory_space<vmem>>[vector<16xi32>], vector<16xf32>,
      %add3A_151 = arith.addf %gather3A_149, %gather3A_150 : vector<16xf32>
      %swap3A_152 = arith.index_cast %mul3A_139 : i32 to index
      %swap3A_153 = tpu.vector_load %arg15[%swap3A_152] {strides = array<i32>} : memref<6400xf32, #tpu.memory_space<vmem>>, vector<16xf32>,
      tpu.vector_store %arg15[%swap3A_152], %add3A_151 {strides = array<i32>} : memref<6400xf32, #tpu.memory_space<vmem>>, vector<16xf32>,
      %scan3A_154 = arith.constant 3 : i32
      %scan3A_155 = arith.addi %scan3A_104, %scan3A_154 : i32
      %mul3A_156 = arith.constant 16 : i32
      %mul3A_157 = arith.muli %scan3A_155, %mul3A_156 : i32
      %get3A_158 = arith.index_cast %mul3A_157 : i32 to index
      %get3A_159 = tpu.vector_load %arg9[%get3A_158] {strides = array<i32>} : memref<6400xi32, #tpu.memory_space<vmem>>, vector<16xi32>,
      %get3A_160 = arith.index_cast %mul3A_157 : i32 to index
      %get3A_161 = tpu.vector_load %arg11[%get3A_160] {strides = array<i32>} : memref<6400xi32, #tpu.memory_space<vmem>>, vector<16xi32>,
      %gather3A_162 = tpu.vector_load_idx %arg16[%get3A_159] : memref<1536xf32, #tpu.memory_space<vmem>>[vector<16xi32>], vector<16xf32>,
      %gather3A_163 = tpu.vector_load_idx %arg16[%get3A_161] : memref<1536xf32, #tpu.memory_space<vmem>>[vector<16xi32>], vector<16xf32>,
      %add3A_164 = arith.addf %gather3A_162, %gather3A_163 : vector<16xf32>
      %swap3A_165 = arith.index_cast %mul3A_157 : i32 to index
      %swap3A_166 = tpu.vector_load %arg13[%swap3A_165] {strides = array<i32>} : memref<6400xf32, #tpu.memory_space<vmem>>, vector<16xf32>,
      tpu.vector_store %arg13[%swap3A_165], %add3A_164 {strides = array<i32>} : memref<6400xf32, #tpu.memory_space<vmem>>, vector<16xf32>,
      %gather3A_167 = tpu.vector_load_idx %arg17[%get3A_159] : memref<1536xf32, #tpu.memory_space<vmem>>[vector<16xi32>], vector<16xf32>,
      %gather3A_168 = tpu.vector_load_idx %arg17[%get3A_161] : memref<1536xf32, #tpu.memory_space<vmem>>[vector<16xi32>], vector<16xf32>,
      %add3A_169 = arith.addf %gather3A_167, %gather3A_168 : vector<16xf32>
      %swap3A_170 = arith.index_cast %mul3A_157 : i32 to index
      %swap3A_171 = tpu.vector_load %arg15[%swap3A_170] {strides = array<i32>} : memref<6400xf32, #tpu.memory_space<vmem>>, vector<16xf32>,
      tpu.vector_store %arg15[%swap3A_170], %add3A_169 {strides = array<i32>} : memref<6400xf32, #tpu.memory_space<vmem>>, vector<16xf32>,
    }
    %scan3A_43 = arith.constant 400 : i32
    %add3A_44 = arith.constant 6400 : i32
    %add3A_45 = arith.addi %mul3A_2, %add3A_44 : i32
    %dma_start3A_46 = tpu.memref_slice %arg6[%add3A_45] : memref<819200xf32, #tpu.memory_space<hbm>> -> memref<6400xf32, #tpu.memory_space<hbm>>
    %dma_start3A_47 = tpu.memref_slice %arg6[%add3A_45] : memref<819200xf32, #tpu.memory_space<hbm>> -> memref<6400xf32, #tpu.memory_space<hbm>>
    tpu.enqueue_dma source(%arg13 : memref<6400xf32, #tpu.memory_space<vmem>>) target(%dma_start3A_47 : memref<6400xf32, #tpu.memory_space<hbm>>) target_semaphore(%arg24 : memref<!tpu.dma_semaphore, #tpu.memory_space<semaphore_mem>>)
    %dma_start3A_48 = tpu.memref_slice %arg7[%add3A_45] : memref<819200xf32, #tpu.memory_space<hbm>> -> memref<6400xf32, #tpu.memory_space<hbm>>
    %dma_start3A_49 = tpu.memref_slice %arg7[%add3A_45] : memref<819200xf32, #tpu.memory_space<hbm>> -> memref<6400xf32, #tpu.memory_space<hbm>>
    tpu.enqueue_dma source(%arg15 : memref<6400xf32, #tpu.memory_space<vmem>>) target(%dma_start3A_49 : memref<6400xf32, #tpu.memory_space<hbm>>) target_semaphore(%arg25 : memref<!tpu.dma_semaphore, #tpu.memory_space<semaphore_mem>>)
    %add3A_50 = arith.constant 19200 : i32
    %add3A_51 = arith.addi %mul3A_2, %add3A_50 : i32
    %dma_start3A_52 = tpu.memref_slice %arg2[%add3A_51] : memref<819200xi32, #tpu.memory_space<hbm>> -> memref<6400xi32, #tpu.memory_space<hbm>>
    %dma_start3A_53 = tpu.memref_slice %arg2[%add3A_51] : memref<819200xi32, #tpu.memory_space<hbm>> -> memref<6400xi32, #tpu.memory_space<hbm>>
    tpu.enqueue_dma source(%dma_start3A_53 : memref<6400xi32, #tpu.memory_space<hbm>>) target(%arg9 : memref<6400xi32, #tpu.memory_space<vmem>>) target_semaphore(%arg20 : memref<!tpu.dma_semaphore, #tpu.memory_space<semaphore_mem>>)
    %dma_start3A_54 = tpu.memref_slice %arg3[%add3A_51] : memref<819200xi32, #tpu.memory_space<hbm>> -> memref<6400xi32, #tpu.memory_space<hbm>>
    %dma_start3A_55 = tpu.memref_slice %arg3[%add3A_51] : memref<819200xi32, #tpu.memory_space<hbm>> -> memref<6400xi32, #tpu.memory_space<hbm>>
    tpu.enqueue_dma source(%dma_start3A_55 : memref<6400xi32, #tpu.memory_space<hbm>>) target(%arg11 : memref<6400xi32, #tpu.memory_space<vmem>>) target_semaphore(%arg21 : memref<!tpu.dma_semaphore, #tpu.memory_space<semaphore_mem>>)
    %dma_wait3A_56 = tpu.memref_slice %arg2[%add3A_29] : memref<819200xi32, #tpu.memory_space<hbm>> -> memref<6400xi32, #tpu.memory_space<hbm>>
    %dma_wait3A_57 = tpu.memref_slice %arg2[%add3A_29] : memref<819200xi32, #tpu.memory_space<hbm>> -> memref<6400xi32, #tpu.memory_space<hbm>>
    tpu.wait_dma2 semaphore(%arg18 : memref<!tpu.dma_semaphore, #tpu.memory_space<semaphore_mem>>) src(%dma_wait3A_57 : memref<6400xi32, #tpu.memory_space<hbm>>) dst(%arg8 : memref<6400xi32, #tpu.memory_space<vmem>>)
    %dma_wait3A_58 = tpu.memref_slice %arg3[%add3A_29] : memref<819200xi32, #tpu.memory_space<hbm>> -> memref<6400xi32, #tpu.memory_space<hbm>>
    %dma_wait3A_59 = tpu.memref_slice %arg3[%add3A_29] : memref<819200xi32, #tpu.memory_space<hbm>> -> memref<6400xi32, #tpu.memory_space<hbm>>
    tpu.wait_dma2 semaphore(%arg19 : memref<!tpu.dma_semaphore, #tpu.memory_space<semaphore_mem>>) src(%dma_wait3A_59 : memref<6400xi32, #tpu.memory_space<hbm>>) dst(%arg10 : memref<6400xi32, #tpu.memory_space<vmem>>)
    %dma_wait3A_60 = tpu.memref_slice %arg6[%add3A_23] : memref<819200xf32, #tpu.memory_space<hbm>> -> memref<6400xf32, #tpu.memory_space<hbm>>
    %dma_wait3A_61 = tpu.memref_slice %arg6[%add3A_23] : memref<819200xf32, #tpu.memory_space<hbm>> -> memref<6400xf32, #tpu.memory_space<hbm>>
    tpu.wait_dma2 semaphore(%arg22 : memref<!tpu.dma_semaphore, #tpu.memory_space<semaphore_mem>>) src(%arg12 : memref<6400xf32, #tpu.memory_space<vmem>>) dst(%dma_wait3A_61 : memref<6400xf32, #tpu.memory_space<hbm>>)
    %dma_wait3A_62 = tpu.memref_slice %arg7[%add3A_23] : memref<819200xf32, #tpu.memory_space<hbm>> -> memref<6400xf32, #tpu.memory_space<hbm>>
    %dma_wait3A_63 = tpu.memref_slice %arg7[%add3A_23] : memref<819200xf32, #tpu.memory_space<hbm>> -> memref<6400xf32, #tpu.memory_space<hbm>>
    tpu.wait_dma2 semaphore(%arg23 : memref<!tpu.dma_semaphore, #tpu.memory_space<semaphore_mem>>) src(%arg14 : memref<6400xf32, #tpu.memory_space<vmem>>) dst(%dma_wait3A_63 : memref<6400xf32, #tpu.memory_space<hbm>>)
    %scan3A_64 = arith.constant 0 : i32
    %scan3A_65 = arith.constant 0 : i32
    %scan3A_66 = arith.constant 400 : i32
    %scan3A_67 = arith.addi %scan3A_65, %scan3A_66 : i32
    %scan3A_68 = arith.constant 4 : i32
    scf.for %scan3A_104 = %scan3A_65 to %scan3A_67 step %scan3A_68  : i32 {
      %mul3A_105 = arith.constant 16 : i32
      %mul3A_106 = arith.muli %scan3A_104, %mul3A_105 : i32
      %get3A = arith.index_cast %mul3A_106 : i32 to index
      %get3A_107 = tpu.vector_load %arg8[%get3A] {strides = array<i32>} : memref<6400xi32, #tpu.memory_space<vmem>>, vector<16xi32>,
      %get3A_108 = arith.index_cast %mul3A_106 : i32 to index
      %get3A_109 = tpu.vector_load %arg10[%get3A_108] {strides = array<i32>} : memref<6400xi32, #tpu.memory_space<vmem>>, vector<16xi32>,
      %gather3A = tpu.vector_load_idx %arg16[%get3A_107] : memref<1536xf32, #tpu.memory_space<vmem>>[vector<16xi32>], vector<16xf32>,
      %gather3A_110 = tpu.vector_load_idx %arg16[%get3A_109] : memref<1536xf32, #tpu.memory_space<vmem>>[vector<16xi32>], vector<16xf32>,
      %add3A_111 = arith.addf %gather3A, %gather3A_110 : vector<16xf32>
      %swap3A = arith.index_cast %mul3A_106 : i32 to index
      %swap3A_112 = tpu.vector_load %arg12[%swap3A] {strides = array<i32>} : memref<6400xf32, #tpu.memory_space<vmem>>, vector<16xf32>,
      tpu.vector_store %arg12[%swap3A], %add3A_111 {strides = array<i32>} : memref<6400xf32, #tpu.memory_space<vmem>>, vector<16xf32>,
      %gather3A_113 = tpu.vector_load_idx %arg17[%get3A_107] : memref<1536xf32, #tpu.memory_space<vmem>>[vector<16xi32>], vector<16xf32>,
      %gather3A_114 = tpu.vector_load_idx %arg17[%get3A_109] : memref<1536xf32, #tpu.memory_space<vmem>>[vector<16xi32>], vector<16xf32>,
      %add3A_115 = arith.addf %gather3A_113, %gather3A_114 : vector<16xf32>
      %swap3A_116 = arith.index_cast %mul3A_106 : i32 to index
      %swap3A_117 = tpu.vector_load %arg14[%swap3A_116] {strides = array<i32>} : memref<6400xf32, #tpu.memory_space<vmem>>, vector<16xf32>,
      tpu.vector_store %arg14[%swap3A_116], %add3A_115 {strides = array<i32>} : memref<6400xf32, #tpu.memory_space<vmem>>, vector<16xf32>,
      %scan3A_118 = arith.constant 1 : i32
      %scan3A_119 = arith.addi %scan3A_104, %scan3A_118 : i32
      %mul3A_120 = arith.constant 16 : i32
      %mul3A_121 = arith.muli %scan3A_119, %mul3A_120 : i32
      %get3A_122 = arith.index_cast %mul3A_121 : i32 to index
      %get3A_123 = tpu.vector_load %arg8[%get3A_122] {strides = array<i32>} : memref<6400xi32, #tpu.memory_space<vmem>>, vector<16xi32>,
      %get3A_124 = arith.index_cast %mul3A_121 : i32 to index
      %get3A_125 = tpu.vector_load %arg10[%get3A_124] {strides = array<i32>} : memref<6400xi32, #tpu.memory_space<vmem>>, vector<16xi32>,
      %gather3A_126 = tpu.vector_load_idx %arg16[%get3A_123] : memref<1536xf32, #tpu.memory_space<vmem>>[vector<16xi32>], vector<16xf32>,
      %gather3A_127 = tpu.vector_load_idx %arg16[%get3A_125] : memref<1536xf32, #tpu.memory_space<vmem>>[vector<16xi32>], vector<16xf32>,
      %add3A_128 = arith.addf %gather3A_126, %gather3A_127 : vector<16xf32>
      %swap3A_129 = arith.index_cast %mul3A_121 : i32 to index
      %swap3A_130 = tpu.vector_load %arg12[%swap3A_129] {strides = array<i32>} : memref<6400xf32, #tpu.memory_space<vmem>>, vector<16xf32>,
      tpu.vector_store %arg12[%swap3A_129], %add3A_128 {strides = array<i32>} : memref<6400xf32, #tpu.memory_space<vmem>>, vector<16xf32>,
      %gather3A_131 = tpu.vector_load_idx %arg17[%get3A_123] : memref<1536xf32, #tpu.memory_space<vmem>>[vector<16xi32>], vector<16xf32>,
      %gather3A_132 = tpu.vector_load_idx %arg17[%get3A_125] : memref<1536xf32, #tpu.memory_space<vmem>>[vector<16xi32>], vector<16xf32>,
      %add3A_133 = arith.addf %gather3A_131, %gather3A_132 : vector<16xf32>
      %swap3A_134 = arith.index_cast %mul3A_121 : i32 to index
      %swap3A_135 = tpu.vector_load %arg14[%swap3A_134] {strides = array<i32>} : memref<6400xf32, #tpu.memory_space<vmem>>, vector<16xf32>,
      tpu.vector_store %arg14[%swap3A_134], %add3A_133 {strides = array<i32>} : memref<6400xf32, #tpu.memory_space<vmem>>, vector<16xf32>,
      %scan3A_136 = arith.constant 2 : i32
      %scan3A_137 = arith.addi %scan3A_104, %scan3A_136 : i32
      %mul3A_138 = arith.constant 16 : i32
      %mul3A_139 = arith.muli %scan3A_137, %mul3A_138 : i32
      %get3A_140 = arith.index_cast %mul3A_139 : i32 to index
      %get3A_141 = tpu.vector_load %arg8[%get3A_140] {strides = array<i32>} : memref<6400xi32, #tpu.memory_space<vmem>>, vector<16xi32>,
      %get3A_142 = arith.index_cast %mul3A_139 : i32 to index
      %get3A_143 = tpu.vector_load %arg10[%get3A_142] {strides = array<i32>} : memref<6400xi32, #tpu.memory_space<vmem>>, vector<16xi32>,
      %gather3A_144 = tpu.vector_load_idx %arg16[%get3A_141] : memref<1536xf32, #tpu.memory_space<vmem>>[vector<16xi32>], vector<16xf32>,
      %gather3A_145 = tpu.vector_load_idx %arg16[%get3A_143] : memref<1536xf32, #tpu.memory_space<vmem>>[vector<16xi32>], vector<16xf32>,
      %add3A_146 = arith.addf %gather3A_144, %gather3A_145 : vector<16xf32>
      %swap3A_147 = arith.index_cast %mul3A_139 : i32 to index
      %swap3A_148 = tpu.vector_load %arg12[%swap3A_147] {strides = array<i32>} : memref<6400xf32, #tpu.memory_space<vmem>>, vector<16xf32>,
      tpu.vector_store %arg12[%swap3A_147], %add3A_146 {strides = array<i32>} : memref<6400xf32, #tpu.memory_space<vmem>>, vector<16xf32>,
      %gather3A_149 = tpu.vector_load_idx %arg17[%get3A_141] : memref<1536xf32, #tpu.memory_space<vmem>>[vector<16xi32>], vector<16xf32>,
      %gather3A_150 = tpu.vector_load_idx %arg17[%get3A_143] : memref<1536xf32, #tpu.memory_space<vmem>>[vector<16xi32>], vector<16xf32>,
      %add3A_151 = arith.addf %gather3A_149, %gather3A_150 : vector<16xf32>
      %swap3A_152 = arith.index_cast %mul3A_139 : i32 to index
      %swap3A_153 = tpu.vector_load %arg14[%swap3A_152] {strides = array<i32>} : memref<6400xf32, #tpu.memory_space<vmem>>, vector<16xf32>,
      tpu.vector_store %arg14[%swap3A_152], %add3A_151 {strides = array<i32>} : memref<6400xf32, #tpu.memory_space<vmem>>, vector<16xf32>,
      %scan3A_154 = arith.constant 3 : i32
      %scan3A_155 = arith.addi %scan3A_104, %scan3A_154 : i32
      %mul3A_156 = arith.constant 16 : i32
      %mul3A_157 = arith.muli %scan3A_155, %mul3A_156 : i32
      %get3A_158 = arith.index_cast %mul3A_157 : i32 to index
      %get3A_159 = tpu.vector_load %arg8[%get3A_158] {strides = array<i32>} : memref<6400xi32, #tpu.memory_space<vmem>>, vector<16xi32>,
      %get3A_160 = arith.index_cast %mul3A_157 : i32 to index
      %get3A_161 = tpu.vector_load %arg10[%get3A_160] {strides = array<i32>} : memref<6400xi32, #tpu.memory_space<vmem>>, vector<16xi32>,
      %gather3A_162 = tpu.vector_load_idx %arg16[%get3A_159] : memref<1536xf32, #tpu.memory_space<vmem>>[vector<16xi32>], vector<16xf32>,
      %gather3A_163 = tpu.vector_load_idx %arg16[%get3A_161] : memref<1536xf32, #tpu.memory_space<vmem>>[vector<16xi32>], vector<16xf32>,
      %add3A_164 = arith.addf %gather3A_162, %gather3A_163 : vector<16xf32>
      %swap3A_165 = arith.index_cast %mul3A_157 : i32 to index
      %swap3A_166 = tpu.vector_load %arg12[%swap3A_165] {strides = array<i32>} : memref<6400xf32, #tpu.memory_space<vmem>>, vector<16xf32>,
      tpu.vector_store %arg12[%swap3A_165], %add3A_164 {strides = array<i32>} : memref<6400xf32, #tpu.memory_space<vmem>>, vector<16xf32>,
      %gather3A_167 = tpu.vector_load_idx %arg17[%get3A_159] : memref<1536xf32, #tpu.memory_space<vmem>>[vector<16xi32>], vector<16xf32>,
      %gather3A_168 = tpu.vector_load_idx %arg17[%get3A_161] : memref<1536xf32, #tpu.memory_space<vmem>>[vector<16xi32>], vector<16xf32>,
      %add3A_169 = arith.addf %gather3A_167, %gather3A_168 : vector<16xf32>
      %swap3A_170 = arith.index_cast %mul3A_157 : i32 to index
      %swap3A_171 = tpu.vector_load %arg14[%swap3A_170] {strides = array<i32>} : memref<6400xf32, #tpu.memory_space<vmem>>, vector<16xf32>,
      tpu.vector_store %arg14[%swap3A_170], %add3A_169 {strides = array<i32>} : memref<6400xf32, #tpu.memory_space<vmem>>, vector<16xf32>,
    }
    %scan3A_69 = arith.constant 400 : i32
    %add3A_70 = arith.constant 12800 : i32
    %add3A_71 = arith.addi %mul3A_2, %add3A_70 : i32
    %dma_start3A_72 = tpu.memref_slice %arg6[%add3A_71] : memref<819200xf32, #tpu.memory_space<hbm>> -> memref<6400xf32, #tpu.memory_space<hbm>>
    %dma_start3A_73 = tpu.memref_slice %arg6[%add3A_71] : memref<819200xf32, #tpu.memory_space<hbm>> -> memref<6400xf32, #tpu.memory_space<hbm>>
    tpu.enqueue_dma source(%arg12 : memref<6400xf32, #tpu.memory_space<vmem>>) target(%dma_start3A_73 : memref<6400xf32, #tpu.memory_space<hbm>>) target_semaphore(%arg22 : memref<!tpu.dma_semaphore, #tpu.memory_space<semaphore_mem>>)
    %dma_start3A_74 = tpu.memref_slice %arg7[%add3A_71] : memref<819200xf32, #tpu.memory_space<hbm>> -> memref<6400xf32, #tpu.memory_space<hbm>>
    %dma_start3A_75 = tpu.memref_slice %arg7[%add3A_71] : memref<819200xf32, #tpu.memory_space<hbm>> -> memref<6400xf32, #tpu.memory_space<hbm>>
    tpu.enqueue_dma source(%arg14 : memref<6400xf32, #tpu.memory_space<vmem>>) target(%dma_start3A_75 : memref<6400xf32, #tpu.memory_space<hbm>>) target_semaphore(%arg23 : memref<!tpu.dma_semaphore, #tpu.memory_space<semaphore_mem>>)
    %dma_wait3A_76 = tpu.memref_slice %arg2[%add3A_51] : memref<819200xi32, #tpu.memory_space<hbm>> -> memref<6400xi32, #tpu.memory_space<hbm>>
    %dma_wait3A_77 = tpu.memref_slice %arg2[%add3A_51] : memref<819200xi32, #tpu.memory_space<hbm>> -> memref<6400xi32, #tpu.memory_space<hbm>>
    tpu.wait_dma2 semaphore(%arg20 : memref<!tpu.dma_semaphore, #tpu.memory_space<semaphore_mem>>) src(%dma_wait3A_77 : memref<6400xi32, #tpu.memory_space<hbm>>) dst(%arg9 : memref<6400xi32, #tpu.memory_space<vmem>>)
    %dma_wait3A_78 = tpu.memref_slice %arg3[%add3A_51] : memref<819200xi32, #tpu.memory_space<hbm>> -> memref<6400xi32, #tpu.memory_space<hbm>>
    %dma_wait3A_79 = tpu.memref_slice %arg3[%add3A_51] : memref<819200xi32, #tpu.memory_space<hbm>> -> memref<6400xi32, #tpu.memory_space<hbm>>
    tpu.wait_dma2 semaphore(%arg21 : memref<!tpu.dma_semaphore, #tpu.memory_space<semaphore_mem>>) src(%dma_wait3A_79 : memref<6400xi32, #tpu.memory_space<hbm>>) dst(%arg11 : memref<6400xi32, #tpu.memory_space<vmem>>)
    %dma_wait3A_80 = tpu.memref_slice %arg6[%add3A_45] : memref<819200xf32, #tpu.memory_space<hbm>> -> memref<6400xf32, #tpu.memory_space<hbm>>
    %dma_wait3A_81 = tpu.memref_slice %arg6[%add3A_45] : memref<819200xf32, #tpu.memory_space<hbm>> -> memref<6400xf32, #tpu.memory_space<hbm>>
    tpu.wait_dma2 semaphore(%arg24 : memref<!tpu.dma_semaphore, #tpu.memory_space<semaphore_mem>>) src(%arg13 : memref<6400xf32, #tpu.memory_space<vmem>>) dst(%dma_wait3A_81 : memref<6400xf32, #tpu.memory_space<hbm>>)
    %dma_wait3A_82 = tpu.memref_slice %arg7[%add3A_45] : memref<819200xf32, #tpu.memory_space<hbm>> -> memref<6400xf32, #tpu.memory_space<hbm>>
    %dma_wait3A_83 = tpu.memref_slice %arg7[%add3A_45] : memref<819200xf32, #tpu.memory_space<hbm>> -> memref<6400xf32, #tpu.memory_space<hbm>>
    tpu.wait_dma2 semaphore(%arg25 : memref<!tpu.dma_semaphore, #tpu.memory_space<semaphore_mem>>) src(%arg15 : memref<6400xf32, #tpu.memory_space<vmem>>) dst(%dma_wait3A_83 : memref<6400xf32, #tpu.memory_space<hbm>>)
    %scan3A_84 = arith.constant 0 : i32
    %scan3A_85 = arith.constant 0 : i32
    %scan3A_86 = arith.constant 400 : i32
    %scan3A_87 = arith.addi %scan3A_85, %scan3A_86 : i32
    %scan3A_88 = arith.constant 4 : i32
    scf.for %scan3A_104 = %scan3A_85 to %scan3A_87 step %scan3A_88  : i32 {
      %mul3A_105 = arith.constant 16 : i32
      %mul3A_106 = arith.muli %scan3A_104, %mul3A_105 : i32
      %get3A = arith.index_cast %mul3A_106 : i32 to index
      %get3A_107 = tpu.vector_load %arg9[%get3A] {strides = array<i32>} : memref<6400xi32, #tpu.memory_space<vmem>>, vector<16xi32>,
      %get3A_108 = arith.index_cast %mul3A_106 : i32 to index
      %get3A_109 = tpu.vector_load %arg11[%get3A_108] {strides = array<i32>} : memref<6400xi32, #tpu.memory_space<vmem>>, vector<16xi32>,
      %gather3A = tpu.vector_load_idx %arg16[%get3A_107] : memref<1536xf32, #tpu.memory_space<vmem>>[vector<16xi32>], vector<16xf32>,
      %gather3A_110 = tpu.vector_load_idx %arg16[%get3A_109] : memref<1536xf32, #tpu.memory_space<vmem>>[vector<16xi32>], vector<16xf32>,
      %add3A_111 = arith.addf %gather3A, %gather3A_110 : vector<16xf32>
      %swap3A = arith.index_cast %mul3A_106 : i32 to index
      %swap3A_112 = tpu.vector_load %arg13[%swap3A] {strides = array<i32>} : memref<6400xf32, #tpu.memory_space<vmem>>, vector<16xf32>,
      tpu.vector_store %arg13[%swap3A], %add3A_111 {strides = array<i32>} : memref<6400xf32, #tpu.memory_space<vmem>>, vector<16xf32>,
      %gather3A_113 = tpu.vector_load_idx %arg17[%get3A_107] : memref<1536xf32, #tpu.memory_space<vmem>>[vector<16xi32>], vector<16xf32>,
      %gather3A_114 = tpu.vector_load_idx %arg17[%get3A_109] : memref<1536xf32, #tpu.memory_space<vmem>>[vector<16xi32>], vector<16xf32>,
      %add3A_115 = arith.addf %gather3A_113, %gather3A_114 : vector<16xf32>
      %swap3A_116 = arith.index_cast %mul3A_106 : i32 to index
      %swap3A_117 = tpu.vector_load %arg15[%swap3A_116] {strides = array<i32>} : memref<6400xf32, #tpu.memory_space<vmem>>, vector<16xf32>,
      tpu.vector_store %arg15[%swap3A_116], %add3A_115 {strides = array<i32>} : memref<6400xf32, #tpu.memory_space<vmem>>, vector<16xf32>,
      %scan3A_118 = arith.constant 1 : i32
      %scan3A_119 = arith.addi %scan3A_104, %scan3A_118 : i32
      %mul3A_120 = arith.constant 16 : i32
      %mul3A_121 = arith.muli %scan3A_119, %mul3A_120 : i32
      %get3A_122 = arith.index_cast %mul3A_121 : i32 to index
      %get3A_123 = tpu.vector_load %arg9[%get3A_122] {strides = array<i32>} : memref<6400xi32, #tpu.memory_space<vmem>>, vector<16xi32>,
      %get3A_124 = arith.index_cast %mul3A_121 : i32 to index
      %get3A_125 = tpu.vector_load %arg11[%get3A_124] {strides = array<i32>} : memref<6400xi32, #tpu.memory_space<vmem>>, vector<16xi32>,
      %gather3A_126 = tpu.vector_load_idx %arg16[%get3A_123] : memref<1536xf32, #tpu.memory_space<vmem>>[vector<16xi32>], vector<16xf32>,
      %gather3A_127 = tpu.vector_load_idx %arg16[%get3A_125] : memref<1536xf32, #tpu.memory_space<vmem>>[vector<16xi32>], vector<16xf32>,
      %add3A_128 = arith.addf %gather3A_126, %gather3A_127 : vector<16xf32>
      %swap3A_129 = arith.index_cast %mul3A_121 : i32 to index
      %swap3A_130 = tpu.vector_load %arg13[%swap3A_129] {strides = array<i32>} : memref<6400xf32, #tpu.memory_space<vmem>>, vector<16xf32>,
      tpu.vector_store %arg13[%swap3A_129], %add3A_128 {strides = array<i32>} : memref<6400xf32, #tpu.memory_space<vmem>>, vector<16xf32>,
      %gather3A_131 = tpu.vector_load_idx %arg17[%get3A_123] : memref<1536xf32, #tpu.memory_space<vmem>>[vector<16xi32>], vector<16xf32>,
      %gather3A_132 = tpu.vector_load_idx %arg17[%get3A_125] : memref<1536xf32, #tpu.memory_space<vmem>>[vector<16xi32>], vector<16xf32>,
      %add3A_133 = arith.addf %gather3A_131, %gather3A_132 : vector<16xf32>
      %swap3A_134 = arith.index_cast %mul3A_121 : i32 to index
      %swap3A_135 = tpu.vector_load %arg15[%swap3A_134] {strides = array<i32>} : memref<6400xf32, #tpu.memory_space<vmem>>, vector<16xf32>,
      tpu.vector_store %arg15[%swap3A_134], %add3A_133 {strides = array<i32>} : memref<6400xf32, #tpu.memory_space<vmem>>, vector<16xf32>,
      %scan3A_136 = arith.constant 2 : i32
      %scan3A_137 = arith.addi %scan3A_104, %scan3A_136 : i32
      %mul3A_138 = arith.constant 16 : i32
      %mul3A_139 = arith.muli %scan3A_137, %mul3A_138 : i32
      %get3A_140 = arith.index_cast %mul3A_139 : i32 to index
      %get3A_141 = tpu.vector_load %arg9[%get3A_140] {strides = array<i32>} : memref<6400xi32, #tpu.memory_space<vmem>>, vector<16xi32>,
      %get3A_142 = arith.index_cast %mul3A_139 : i32 to index
      %get3A_143 = tpu.vector_load %arg11[%get3A_142] {strides = array<i32>} : memref<6400xi32, #tpu.memory_space<vmem>>, vector<16xi32>,
      %gather3A_144 = tpu.vector_load_idx %arg16[%get3A_141] : memref<1536xf32, #tpu.memory_space<vmem>>[vector<16xi32>], vector<16xf32>,
      %gather3A_145 = tpu.vector_load_idx %arg16[%get3A_143] : memref<1536xf32, #tpu.memory_space<vmem>>[vector<16xi32>], vector<16xf32>,
      %add3A_146 = arith.addf %gather3A_144, %gather3A_145 : vector<16xf32>
      %swap3A_147 = arith.index_cast %mul3A_139 : i32 to index
      %swap3A_148 = tpu.vector_load %arg13[%swap3A_147] {strides = array<i32>} : memref<6400xf32, #tpu.memory_space<vmem>>, vector<16xf32>,
      tpu.vector_store %arg13[%swap3A_147], %add3A_146 {strides = array<i32>} : memref<6400xf32, #tpu.memory_space<vmem>>, vector<16xf32>,
      %gather3A_149 = tpu.vector_load_idx %arg17[%get3A_141] : memref<1536xf32, #tpu.memory_space<vmem>>[vector<16xi32>], vector<16xf32>,
      %gather3A_150 = tpu.vector_load_idx %arg17[%get3A_143] : memref<1536xf32, #tpu.memory_space<vmem>>[vector<16xi32>], vector<16xf32>,
      %add3A_151 = arith.addf %gather3A_149, %gather3A_150 : vector<16xf32>
      %swap3A_152 = arith.index_cast %mul3A_139 : i32 to index
      %swap3A_153 = tpu.vector_load %arg15[%swap3A_152] {strides = array<i32>} : memref<6400xf32, #tpu.memory_space<vmem>>, vector<16xf32>,
      tpu.vector_store %arg15[%swap3A_152], %add3A_151 {strides = array<i32>} : memref<6400xf32, #tpu.memory_space<vmem>>, vector<16xf32>,
      %scan3A_154 = arith.constant 3 : i32
      %scan3A_155 = arith.addi %scan3A_104, %scan3A_154 : i32
      %mul3A_156 = arith.constant 16 : i32
      %mul3A_157 = arith.muli %scan3A_155, %mul3A_156 : i32
      %get3A_158 = arith.index_cast %mul3A_157 : i32 to index
      %get3A_159 = tpu.vector_load %arg9[%get3A_158] {strides = array<i32>} : memref<6400xi32, #tpu.memory_space<vmem>>, vector<16xi32>,
      %get3A_160 = arith.index_cast %mul3A_157 : i32 to index
      %get3A_161 = tpu.vector_load %arg11[%get3A_160] {strides = array<i32>} : memref<6400xi32, #tpu.memory_space<vmem>>, vector<16xi32>,
      %gather3A_162 = tpu.vector_load_idx %arg16[%get3A_159] : memref<1536xf32, #tpu.memory_space<vmem>>[vector<16xi32>], vector<16xf32>,
      %gather3A_163 = tpu.vector_load_idx %arg16[%get3A_161] : memref<1536xf32, #tpu.memory_space<vmem>>[vector<16xi32>], vector<16xf32>,
      %add3A_164 = arith.addf %gather3A_162, %gather3A_163 : vector<16xf32>
      %swap3A_165 = arith.index_cast %mul3A_157 : i32 to index
      %swap3A_166 = tpu.vector_load %arg13[%swap3A_165] {strides = array<i32>} : memref<6400xf32, #tpu.memory_space<vmem>>, vector<16xf32>,
      tpu.vector_store %arg13[%swap3A_165], %add3A_164 {strides = array<i32>} : memref<6400xf32, #tpu.memory_space<vmem>>, vector<16xf32>,
      %gather3A_167 = tpu.vector_load_idx %arg17[%get3A_159] : memref<1536xf32, #tpu.memory_space<vmem>>[vector<16xi32>], vector<16xf32>,
      %gather3A_168 = tpu.vector_load_idx %arg17[%get3A_161] : memref<1536xf32, #tpu.memory_space<vmem>>[vector<16xi32>], vector<16xf32>,
      %add3A_169 = arith.addf %gather3A_167, %gather3A_168 : vector<16xf32>
      %swap3A_170 = arith.index_cast %mul3A_157 : i32 to index
      %swap3A_171 = tpu.vector_load %arg15[%swap3A_170] {strides = array<i32>} : memref<6400xf32, #tpu.memory_space<vmem>>, vector<16xf32>,
      tpu.vector_store %arg15[%swap3A_170], %add3A_169 {strides = array<i32>} : memref<6400xf32, #tpu.memory_space<vmem>>, vector<16xf32>,
    }
    %scan3A_89 = arith.constant 400 : i32
    %add3A_90 = arith.constant 19200 : i32
    %add3A_91 = arith.addi %mul3A_2, %add3A_90 : i32
    %dma_start3A_92 = tpu.memref_slice %arg6[%add3A_91] : memref<819200xf32, #tpu.memory_space<hbm>> -> memref<6400xf32, #tpu.memory_space<hbm>>
    %dma_start3A_93 = tpu.memref_slice %arg6[%add3A_91] : memref<819200xf32, #tpu.memory_space<hbm>> -> memref<6400xf32, #tpu.memory_space<hbm>>
    tpu.enqueue_dma source(%arg13 : memref<6400xf32, #tpu.memory_space<vmem>>) target(%dma_start3A_93 : memref<6400xf32, #tpu.memory_space<hbm>>) target_semaphore(%arg24 : memref<!tpu.dma_semaphore, #tpu.memory_space<semaphore_mem>>)
    %dma_start3A_94 = tpu.memref_slice %arg7[%add3A_91] : memref<819200xf32, #tpu.memory_space<hbm>> -> memref<6400xf32, #tpu.memory_space<hbm>>
    %dma_start3A_95 = tpu.memref_slice %arg7[%add3A_91] : memref<819200xf32, #tpu.memory_space<hbm>> -> memref<6400xf32, #tpu.memory_space<hbm>>
    tpu.enqueue_dma source(%arg15 : memref<6400xf32, #tpu.memory_space<vmem>>) target(%dma_start3A_95 : memref<6400xf32, #tpu.memory_space<hbm>>) target_semaphore(%arg25 : memref<!tpu.dma_semaphore, #tpu.memory_space<semaphore_mem>>)
    %dma_wait3A_96 = tpu.memref_slice %arg6[%add3A_71] : memref<819200xf32, #tpu.memory_space<hbm>> -> memref<6400xf32, #tpu.memory_space<hbm>>
    %dma_wait3A_97 = tpu.memref_slice %arg6[%add3A_71] : memref<819200xf32, #tpu.memory_space<hbm>> -> memref<6400xf32, #tpu.memory_space<hbm>>
    tpu.wait_dma2 semaphore(%arg22 : memref<!tpu.dma_semaphore, #tpu.memory_space<semaphore_mem>>) src(%arg12 : memref<6400xf32, #tpu.memory_space<vmem>>) dst(%dma_wait3A_97 : memref<6400xf32, #tpu.memory_space<hbm>>)
    %dma_wait3A_98 = tpu.memref_slice %arg7[%add3A_71] : memref<819200xf32, #tpu.memory_space<hbm>> -> memref<6400xf32, #tpu.memory_space<hbm>>
    %dma_wait3A_99 = tpu.memref_slice %arg7[%add3A_71] : memref<819200xf32, #tpu.memory_space<hbm>> -> memref<6400xf32, #tpu.memory_space<hbm>>
    tpu.wait_dma2 semaphore(%arg23 : memref<!tpu.dma_semaphore, #tpu.memory_space<semaphore_mem>>) src(%arg14 : memref<6400xf32, #tpu.memory_space<vmem>>) dst(%dma_wait3A_99 : memref<6400xf32, #tpu.memory_space<hbm>>)
    %dma_wait3A_100 = tpu.memref_slice %arg6[%add3A_91] : memref<819200xf32, #tpu.memory_space<hbm>> -> memref<6400xf32, #tpu.memory_space<hbm>>
    %dma_wait3A_101 = tpu.memref_slice %arg6[%add3A_91] : memref<819200xf32, #tpu.memory_space<hbm>> -> memref<6400xf32, #tpu.memory_space<hbm>>
    tpu.wait_dma2 semaphore(%arg24 : memref<!tpu.dma_semaphore, #tpu.memory_space<semaphore_mem>>) src(%arg13 : memref<6400xf32, #tpu.memory_space<vmem>>) dst(%dma_wait3A_101 : memref<6400xf32, #tpu.memory_space<hbm>>)
    %dma_wait3A_102 = tpu.memref_slice %arg7[%add3A_91] : memref<819200xf32, #tpu.memory_space<hbm>> -> memref<6400xf32, #tpu.memory_space<hbm>>
    %dma_wait3A_103 = tpu.memref_slice %arg7[%add3A_91] : memref<819200xf32, #tpu.memory_space<hbm>> -> memref<6400xf32, #tpu.memory_space<hbm>>
    tpu.wait_dma2 semaphore(%arg25 : memref<!tpu.dma_semaphore, #tpu.memory_space<semaphore_mem>>) src(%arg15 : memref<6400xf32, #tpu.memory_space<vmem>>) dst(%dma_wait3A_103 : memref<6400xf32, #tpu.memory_space<hbm>>)
    return
  }
}

#map = affine_map<(d0, d1) -> (0)>
module attributes {stable_mosaic.version = 14 : i64} {
  func.func @sc_kernel(%arg0: i32, %arg1: i32, %arg2: memref<294400xi32, #tpu.memory_space<hbm>>, %arg3: memref<294400xi32, #tpu.memory_space<hbm>>, %arg4: memref<1536xf32, #tpu.memory_space<hbm>>, %arg5: memref<1536xf32, #tpu.memory_space<hbm>>, %arg6: memref<294400xf32, #tpu.memory_space<hbm>>, %arg7: memref<294400xf32, #tpu.memory_space<hbm>>, %arg8: memref<9200xi32, #tpu.memory_space<vmem>>, %arg9: memref<9200xi32, #tpu.memory_space<vmem>>, %arg10: memref<9200xi32, #tpu.memory_space<vmem>>, %arg11: memref<9200xi32, #tpu.memory_space<vmem>>, %arg12: memref<9200xf32, #tpu.memory_space<vmem>>, %arg13: memref<9200xf32, #tpu.memory_space<vmem>>, %arg14: memref<9200xf32, #tpu.memory_space<vmem>>, %arg15: memref<9200xf32, #tpu.memory_space<vmem>>, %arg16: memref<1536xf32, #tpu.memory_space<vmem>>, %arg17: memref<1536xf32, #tpu.memory_space<vmem>>, %arg18: memref<!tpu.dma_semaphore, #tpu.memory_space<semaphore_mem>>, %arg19: memref<!tpu.dma_semaphore, #tpu.memory_space<semaphore_mem>>, %arg20: memref<!tpu.dma_semaphore, #tpu.memory_space<semaphore_mem>>, %arg21: memref<!tpu.dma_semaphore, #tpu.memory_space<semaphore_mem>>, %arg22: memref<!tpu.dma_semaphore, #tpu.memory_space<semaphore_mem>>, %arg23: memref<!tpu.dma_semaphore, #tpu.memory_space<semaphore_mem>>, %arg24: memref<!tpu.dma_semaphore, #tpu.memory_space<semaphore_mem>>, %arg25: memref<!tpu.dma_semaphore, #tpu.memory_space<semaphore_mem>>) attributes {dimension_semantics = [#tpu.dimension_semantics<core_parallel>, #tpu.dimension_semantics<subcore_parallel>], iteration_bounds = array<i64: 2, 16>, scalar_prefetch = 0 : i64, scratch_operands = 18 : i64, tpu.core_type = #tpu.core_type<sc_vector_subcore>, window_params = [{transform_indices = #map}, {transform_indices = #map}, {transform_indices = #map}, {transform_indices = #map}, {transform_indices = #map}, {transform_indices = #map}]} {
    %mul3A = arith.constant 2 : i32
    %mul3A_0 = arith.muli %arg1, %mul3A : i32
    %add3A = arith.addi %mul3A_0, %arg0 : i32
    "tpu.region"() ({
      %run_scoped3A = tpu.sem_alloc : memref<!tpu.dma_semaphore, #tpu.memory_space<semaphore_mem>>
      tpu.enqueue_dma source(%arg4 : memref<1536xf32, #tpu.memory_space<hbm>>) target(%arg16 : memref<1536xf32, #tpu.memory_space<vmem>>) target_semaphore(%run_scoped3A : memref<!tpu.dma_semaphore, #tpu.memory_space<semaphore_mem>>)
      tpu.wait_dma2 semaphore(%run_scoped3A : memref<!tpu.dma_semaphore, #tpu.memory_space<semaphore_mem>>) src(%arg4 : memref<1536xf32, #tpu.memory_space<hbm>>) dst(%arg16 : memref<1536xf32, #tpu.memory_space<vmem>>)
      tpu.yield
    }) : () -> ()
    "tpu.region"() ({
      %run_scoped3A = tpu.sem_alloc : memref<!tpu.dma_semaphore, #tpu.memory_space<semaphore_mem>>
      tpu.enqueue_dma source(%arg5 : memref<1536xf32, #tpu.memory_space<hbm>>) target(%arg17 : memref<1536xf32, #tpu.memory_space<vmem>>) target_semaphore(%run_scoped3A : memref<!tpu.dma_semaphore, #tpu.memory_space<semaphore_mem>>)
      tpu.wait_dma2 semaphore(%run_scoped3A : memref<!tpu.dma_semaphore, #tpu.memory_space<semaphore_mem>>) src(%arg5 : memref<1536xf32, #tpu.memory_space<hbm>>) dst(%arg17 : memref<1536xf32, #tpu.memory_space<vmem>>)
      tpu.yield
    }) : () -> ()
    %mul3A_1 = arith.constant 9200 : i32
    %mul3A_2 = arith.muli %add3A, %mul3A_1 : i32
    %add3A_3 = arith.constant 0 : i32
    %add3A_4 = arith.addi %mul3A_2, %add3A_3 : i32
    %dma_start3A = tpu.memref_slice %arg2[%add3A_4] : memref<294400xi32, #tpu.memory_space<hbm>> -> memref<9200xi32, #tpu.memory_space<hbm>>
    %dma_start3A_5 = tpu.memref_slice %arg2[%add3A_4] : memref<294400xi32, #tpu.memory_space<hbm>> -> memref<9200xi32, #tpu.memory_space<hbm>>
    tpu.enqueue_dma source(%dma_start3A_5 : memref<9200xi32, #tpu.memory_space<hbm>>) target(%arg8 : memref<9200xi32, #tpu.memory_space<vmem>>) target_semaphore(%arg18 : memref<!tpu.dma_semaphore, #tpu.memory_space<semaphore_mem>>)
    %dma_start3A_6 = tpu.memref_slice %arg3[%add3A_4] : memref<294400xi32, #tpu.memory_space<hbm>> -> memref<9200xi32, #tpu.memory_space<hbm>>
    %dma_start3A_7 = tpu.memref_slice %arg3[%add3A_4] : memref<294400xi32, #tpu.memory_space<hbm>> -> memref<9200xi32, #tpu.memory_space<hbm>>
    tpu.enqueue_dma source(%dma_start3A_7 : memref<9200xi32, #tpu.memory_space<hbm>>) target(%arg10 : memref<9200xi32, #tpu.memory_space<vmem>>) target_semaphore(%arg19 : memref<!tpu.dma_semaphore, #tpu.memory_space<semaphore_mem>>)
    %dma_wait3A = tpu.memref_slice %arg2[%add3A_4] : memref<294400xi32, #tpu.memory_space<hbm>> -> memref<9200xi32, #tpu.memory_space<hbm>>
    %dma_wait3A_8 = tpu.memref_slice %arg2[%add3A_4] : memref<294400xi32, #tpu.memory_space<hbm>> -> memref<9200xi32, #tpu.memory_space<hbm>>
    tpu.wait_dma2 semaphore(%arg18 : memref<!tpu.dma_semaphore, #tpu.memory_space<semaphore_mem>>) src(%dma_wait3A_8 : memref<9200xi32, #tpu.memory_space<hbm>>) dst(%arg8 : memref<9200xi32, #tpu.memory_space<vmem>>)
    %dma_wait3A_9 = tpu.memref_slice %arg3[%add3A_4] : memref<294400xi32, #tpu.memory_space<hbm>> -> memref<9200xi32, #tpu.memory_space<hbm>>
    %dma_wait3A_10 = tpu.memref_slice %arg3[%add3A_4] : memref<294400xi32, #tpu.memory_space<hbm>> -> memref<9200xi32, #tpu.memory_space<hbm>>
    tpu.wait_dma2 semaphore(%arg19 : memref<!tpu.dma_semaphore, #tpu.memory_space<semaphore_mem>>) src(%dma_wait3A_10 : memref<9200xi32, #tpu.memory_space<hbm>>) dst(%arg10 : memref<9200xi32, #tpu.memory_space<vmem>>)
    %scan3A = arith.constant 0 : i32
    %scan3A_11 = arith.constant 0 : i32
    %scan3A_12 = arith.constant 572 : i32
    %scan3A_13 = arith.addi %scan3A_11, %scan3A_12 : i32
    %scan3A_14 = arith.constant 4 : i32
    scf.for %scan3A_77 = %scan3A_11 to %scan3A_13 step %scan3A_14  : i32 {
      %mul3A_78 = arith.constant 16 : i32
      %mul3A_79 = arith.muli %scan3A_77, %mul3A_78 : i32
      %get3A_80 = arith.index_cast %mul3A_79 : i32 to index
      %get3A_81 = tpu.vector_load %arg8[%get3A_80] {strides = array<i32>} : memref<9200xi32, #tpu.memory_space<vmem>>, vector<16xi32>,
      %get3A_82 = arith.index_cast %mul3A_79 : i32 to index
      %get3A_83 = tpu.vector_load %arg10[%get3A_82] {strides = array<i32>} : memref<9200xi32, #tpu.memory_space<vmem>>, vector<16xi32>,
      %gather3A_84 = tpu.vector_load_idx %arg16[%get3A_81] : memref<1536xf32, #tpu.memory_space<vmem>>[vector<16xi32>], vector<16xf32>,
      %gather3A_85 = tpu.vector_load_idx %arg16[%get3A_83] : memref<1536xf32, #tpu.memory_space<vmem>>[vector<16xi32>], vector<16xf32>,
      %add3A_86 = arith.addf %gather3A_84, %gather3A_85 : vector<16xf32>
      %swap3A_87 = arith.index_cast %mul3A_79 : i32 to index
      %swap3A_88 = tpu.vector_load %arg12[%swap3A_87] {strides = array<i32>} : memref<9200xf32, #tpu.memory_space<vmem>>, vector<16xf32>,
      tpu.vector_store %arg12[%swap3A_87], %add3A_86 {strides = array<i32>} : memref<9200xf32, #tpu.memory_space<vmem>>, vector<16xf32>,
      %gather3A_89 = tpu.vector_load_idx %arg17[%get3A_81] : memref<1536xf32, #tpu.memory_space<vmem>>[vector<16xi32>], vector<16xf32>,
      %gather3A_90 = tpu.vector_load_idx %arg17[%get3A_83] : memref<1536xf32, #tpu.memory_space<vmem>>[vector<16xi32>], vector<16xf32>,
      %add3A_91 = arith.addf %gather3A_89, %gather3A_90 : vector<16xf32>
      %swap3A_92 = arith.index_cast %mul3A_79 : i32 to index
      %swap3A_93 = tpu.vector_load %arg14[%swap3A_92] {strides = array<i32>} : memref<9200xf32, #tpu.memory_space<vmem>>, vector<16xf32>,
      tpu.vector_store %arg14[%swap3A_92], %add3A_91 {strides = array<i32>} : memref<9200xf32, #tpu.memory_space<vmem>>, vector<16xf32>,
      %scan3A_94 = arith.constant 1 : i32
      %scan3A_95 = arith.addi %scan3A_77, %scan3A_94 : i32
      %mul3A_96 = arith.constant 16 : i32
      %mul3A_97 = arith.muli %scan3A_95, %mul3A_96 : i32
      %get3A_98 = arith.index_cast %mul3A_97 : i32 to index
      %get3A_99 = tpu.vector_load %arg8[%get3A_98] {strides = array<i32>} : memref<9200xi32, #tpu.memory_space<vmem>>, vector<16xi32>,
      %get3A_100 = arith.index_cast %mul3A_97 : i32 to index
      %get3A_101 = tpu.vector_load %arg10[%get3A_100] {strides = array<i32>} : memref<9200xi32, #tpu.memory_space<vmem>>, vector<16xi32>,
      %gather3A_102 = tpu.vector_load_idx %arg16[%get3A_99] : memref<1536xf32, #tpu.memory_space<vmem>>[vector<16xi32>], vector<16xf32>,
      %gather3A_103 = tpu.vector_load_idx %arg16[%get3A_101] : memref<1536xf32, #tpu.memory_space<vmem>>[vector<16xi32>], vector<16xf32>,
      %add3A_104 = arith.addf %gather3A_102, %gather3A_103 : vector<16xf32>
      %swap3A_105 = arith.index_cast %mul3A_97 : i32 to index
      %swap3A_106 = tpu.vector_load %arg12[%swap3A_105] {strides = array<i32>} : memref<9200xf32, #tpu.memory_space<vmem>>, vector<16xf32>,
      tpu.vector_store %arg12[%swap3A_105], %add3A_104 {strides = array<i32>} : memref<9200xf32, #tpu.memory_space<vmem>>, vector<16xf32>,
      %gather3A_107 = tpu.vector_load_idx %arg17[%get3A_99] : memref<1536xf32, #tpu.memory_space<vmem>>[vector<16xi32>], vector<16xf32>,
      %gather3A_108 = tpu.vector_load_idx %arg17[%get3A_101] : memref<1536xf32, #tpu.memory_space<vmem>>[vector<16xi32>], vector<16xf32>,
      %add3A_109 = arith.addf %gather3A_107, %gather3A_108 : vector<16xf32>
      %swap3A_110 = arith.index_cast %mul3A_97 : i32 to index
      %swap3A_111 = tpu.vector_load %arg14[%swap3A_110] {strides = array<i32>} : memref<9200xf32, #tpu.memory_space<vmem>>, vector<16xf32>,
      tpu.vector_store %arg14[%swap3A_110], %add3A_109 {strides = array<i32>} : memref<9200xf32, #tpu.memory_space<vmem>>, vector<16xf32>,
      %scan3A_112 = arith.constant 2 : i32
      %scan3A_113 = arith.addi %scan3A_77, %scan3A_112 : i32
      %mul3A_114 = arith.constant 16 : i32
      %mul3A_115 = arith.muli %scan3A_113, %mul3A_114 : i32
      %get3A_116 = arith.index_cast %mul3A_115 : i32 to index
      %get3A_117 = tpu.vector_load %arg8[%get3A_116] {strides = array<i32>} : memref<9200xi32, #tpu.memory_space<vmem>>, vector<16xi32>,
      %get3A_118 = arith.index_cast %mul3A_115 : i32 to index
      %get3A_119 = tpu.vector_load %arg10[%get3A_118] {strides = array<i32>} : memref<9200xi32, #tpu.memory_space<vmem>>, vector<16xi32>,
      %gather3A_120 = tpu.vector_load_idx %arg16[%get3A_117] : memref<1536xf32, #tpu.memory_space<vmem>>[vector<16xi32>], vector<16xf32>,
      %gather3A_121 = tpu.vector_load_idx %arg16[%get3A_119] : memref<1536xf32, #tpu.memory_space<vmem>>[vector<16xi32>], vector<16xf32>,
      %add3A_122 = arith.addf %gather3A_120, %gather3A_121 : vector<16xf32>
      %swap3A_123 = arith.index_cast %mul3A_115 : i32 to index
      %swap3A_124 = tpu.vector_load %arg12[%swap3A_123] {strides = array<i32>} : memref<9200xf32, #tpu.memory_space<vmem>>, vector<16xf32>,
      tpu.vector_store %arg12[%swap3A_123], %add3A_122 {strides = array<i32>} : memref<9200xf32, #tpu.memory_space<vmem>>, vector<16xf32>,
      %gather3A_125 = tpu.vector_load_idx %arg17[%get3A_117] : memref<1536xf32, #tpu.memory_space<vmem>>[vector<16xi32>], vector<16xf32>,
      %gather3A_126 = tpu.vector_load_idx %arg17[%get3A_119] : memref<1536xf32, #tpu.memory_space<vmem>>[vector<16xi32>], vector<16xf32>,
      %add3A_127 = arith.addf %gather3A_125, %gather3A_126 : vector<16xf32>
      %swap3A_128 = arith.index_cast %mul3A_115 : i32 to index
      %swap3A_129 = tpu.vector_load %arg14[%swap3A_128] {strides = array<i32>} : memref<9200xf32, #tpu.memory_space<vmem>>, vector<16xf32>,
      tpu.vector_store %arg14[%swap3A_128], %add3A_127 {strides = array<i32>} : memref<9200xf32, #tpu.memory_space<vmem>>, vector<16xf32>,
      %scan3A_130 = arith.constant 3 : i32
      %scan3A_131 = arith.addi %scan3A_77, %scan3A_130 : i32
      %mul3A_132 = arith.constant 16 : i32
      %mul3A_133 = arith.muli %scan3A_131, %mul3A_132 : i32
      %get3A_134 = arith.index_cast %mul3A_133 : i32 to index
      %get3A_135 = tpu.vector_load %arg8[%get3A_134] {strides = array<i32>} : memref<9200xi32, #tpu.memory_space<vmem>>, vector<16xi32>,
      %get3A_136 = arith.index_cast %mul3A_133 : i32 to index
      %get3A_137 = tpu.vector_load %arg10[%get3A_136] {strides = array<i32>} : memref<9200xi32, #tpu.memory_space<vmem>>, vector<16xi32>,
      %gather3A_138 = tpu.vector_load_idx %arg16[%get3A_135] : memref<1536xf32, #tpu.memory_space<vmem>>[vector<16xi32>], vector<16xf32>,
      %gather3A_139 = tpu.vector_load_idx %arg16[%get3A_137] : memref<1536xf32, #tpu.memory_space<vmem>>[vector<16xi32>], vector<16xf32>,
      %add3A_140 = arith.addf %gather3A_138, %gather3A_139 : vector<16xf32>
      %swap3A_141 = arith.index_cast %mul3A_133 : i32 to index
      %swap3A_142 = tpu.vector_load %arg12[%swap3A_141] {strides = array<i32>} : memref<9200xf32, #tpu.memory_space<vmem>>, vector<16xf32>,
      tpu.vector_store %arg12[%swap3A_141], %add3A_140 {strides = array<i32>} : memref<9200xf32, #tpu.memory_space<vmem>>, vector<16xf32>,
      %gather3A_143 = tpu.vector_load_idx %arg17[%get3A_135] : memref<1536xf32, #tpu.memory_space<vmem>>[vector<16xi32>], vector<16xf32>,
      %gather3A_144 = tpu.vector_load_idx %arg17[%get3A_137] : memref<1536xf32, #tpu.memory_space<vmem>>[vector<16xi32>], vector<16xf32>,
      %add3A_145 = arith.addf %gather3A_143, %gather3A_144 : vector<16xf32>
      %swap3A_146 = arith.index_cast %mul3A_133 : i32 to index
      %swap3A_147 = tpu.vector_load %arg14[%swap3A_146] {strides = array<i32>} : memref<9200xf32, #tpu.memory_space<vmem>>, vector<16xf32>,
      tpu.vector_store %arg14[%swap3A_146], %add3A_145 {strides = array<i32>} : memref<9200xf32, #tpu.memory_space<vmem>>, vector<16xf32>,
    }
    %scan3A_15 = arith.constant 572 : i32
    %scan3A_16 = arith.addi %scan3A_11, %scan3A_15 : i32
    %mul3A_17 = arith.constant 16 : i32
    %mul3A_18 = arith.muli %scan3A_16, %mul3A_17 : i32
    %get3A = arith.index_cast %mul3A_18 : i32 to index
    %get3A_19 = tpu.vector_load %arg8[%get3A] {strides = array<i32>} : memref<9200xi32, #tpu.memory_space<vmem>>, vector<16xi32>,
    %get3A_20 = arith.index_cast %mul3A_18 : i32 to index
    %get3A_21 = tpu.vector_load %arg10[%get3A_20] {strides = array<i32>} : memref<9200xi32, #tpu.memory_space<vmem>>, vector<16xi32>,
    %gather3A = tpu.vector_load_idx %arg16[%get3A_19] : memref<1536xf32, #tpu.memory_space<vmem>>[vector<16xi32>], vector<16xf32>,
    %gather3A_22 = tpu.vector_load_idx %arg16[%get3A_21] : memref<1536xf32, #tpu.memory_space<vmem>>[vector<16xi32>], vector<16xf32>,
    %add3A_23 = arith.addf %gather3A, %gather3A_22 : vector<16xf32>
    %swap3A = arith.index_cast %mul3A_18 : i32 to index
    %swap3A_24 = tpu.vector_load %arg12[%swap3A] {strides = array<i32>} : memref<9200xf32, #tpu.memory_space<vmem>>, vector<16xf32>,
    tpu.vector_store %arg12[%swap3A], %add3A_23 {strides = array<i32>} : memref<9200xf32, #tpu.memory_space<vmem>>, vector<16xf32>,
    %gather3A_25 = tpu.vector_load_idx %arg17[%get3A_19] : memref<1536xf32, #tpu.memory_space<vmem>>[vector<16xi32>], vector<16xf32>,
    %gather3A_26 = tpu.vector_load_idx %arg17[%get3A_21] : memref<1536xf32, #tpu.memory_space<vmem>>[vector<16xi32>], vector<16xf32>,
    %add3A_27 = arith.addf %gather3A_25, %gather3A_26 : vector<16xf32>
    %swap3A_28 = arith.index_cast %mul3A_18 : i32 to index
    %swap3A_29 = tpu.vector_load %arg14[%swap3A_28] {strides = array<i32>} : memref<9200xf32, #tpu.memory_space<vmem>>, vector<16xf32>,
    tpu.vector_store %arg14[%swap3A_28], %add3A_27 {strides = array<i32>} : memref<9200xf32, #tpu.memory_space<vmem>>, vector<16xf32>,
    %scan3A_30 = arith.constant 573 : i32
    %scan3A_31 = arith.addi %scan3A_11, %scan3A_30 : i32
    %mul3A_32 = arith.constant 16 : i32
    %mul3A_33 = arith.muli %scan3A_31, %mul3A_32 : i32
    %get3A_34 = arith.index_cast %mul3A_33 : i32 to index
    %get3A_35 = tpu.vector_load %arg8[%get3A_34] {strides = array<i32>} : memref<9200xi32, #tpu.memory_space<vmem>>, vector<16xi32>,
    %get3A_36 = arith.index_cast %mul3A_33 : i32 to index
    %get3A_37 = tpu.vector_load %arg10[%get3A_36] {strides = array<i32>} : memref<9200xi32, #tpu.memory_space<vmem>>, vector<16xi32>,
    %gather3A_38 = tpu.vector_load_idx %arg16[%get3A_35] : memref<1536xf32, #tpu.memory_space<vmem>>[vector<16xi32>], vector<16xf32>,
    %gather3A_39 = tpu.vector_load_idx %arg16[%get3A_37] : memref<1536xf32, #tpu.memory_space<vmem>>[vector<16xi32>], vector<16xf32>,
    %add3A_40 = arith.addf %gather3A_38, %gather3A_39 : vector<16xf32>
    %swap3A_41 = arith.index_cast %mul3A_33 : i32 to index
    %swap3A_42 = tpu.vector_load %arg12[%swap3A_41] {strides = array<i32>} : memref<9200xf32, #tpu.memory_space<vmem>>, vector<16xf32>,
    tpu.vector_store %arg12[%swap3A_41], %add3A_40 {strides = array<i32>} : memref<9200xf32, #tpu.memory_space<vmem>>, vector<16xf32>,
    %gather3A_43 = tpu.vector_load_idx %arg17[%get3A_35] : memref<1536xf32, #tpu.memory_space<vmem>>[vector<16xi32>], vector<16xf32>,
    %gather3A_44 = tpu.vector_load_idx %arg17[%get3A_37] : memref<1536xf32, #tpu.memory_space<vmem>>[vector<16xi32>], vector<16xf32>,
    %add3A_45 = arith.addf %gather3A_43, %gather3A_44 : vector<16xf32>
    %swap3A_46 = arith.index_cast %mul3A_33 : i32 to index
    %swap3A_47 = tpu.vector_load %arg14[%swap3A_46] {strides = array<i32>} : memref<9200xf32, #tpu.memory_space<vmem>>, vector<16xf32>,
    tpu.vector_store %arg14[%swap3A_46], %add3A_45 {strides = array<i32>} : memref<9200xf32, #tpu.memory_space<vmem>>, vector<16xf32>,
    %scan3A_48 = arith.constant 574 : i32
    %scan3A_49 = arith.addi %scan3A_11, %scan3A_48 : i32
    %mul3A_50 = arith.constant 16 : i32
    %mul3A_51 = arith.muli %scan3A_49, %mul3A_50 : i32
    %get3A_52 = arith.index_cast %mul3A_51 : i32 to index
    %get3A_53 = tpu.vector_load %arg8[%get3A_52] {strides = array<i32>} : memref<9200xi32, #tpu.memory_space<vmem>>, vector<16xi32>,
    %get3A_54 = arith.index_cast %mul3A_51 : i32 to index
    %get3A_55 = tpu.vector_load %arg10[%get3A_54] {strides = array<i32>} : memref<9200xi32, #tpu.memory_space<vmem>>, vector<16xi32>,
    %gather3A_56 = tpu.vector_load_idx %arg16[%get3A_53] : memref<1536xf32, #tpu.memory_space<vmem>>[vector<16xi32>], vector<16xf32>,
    %gather3A_57 = tpu.vector_load_idx %arg16[%get3A_55] : memref<1536xf32, #tpu.memory_space<vmem>>[vector<16xi32>], vector<16xf32>,
    %add3A_58 = arith.addf %gather3A_56, %gather3A_57 : vector<16xf32>
    %swap3A_59 = arith.index_cast %mul3A_51 : i32 to index
    %swap3A_60 = tpu.vector_load %arg12[%swap3A_59] {strides = array<i32>} : memref<9200xf32, #tpu.memory_space<vmem>>, vector<16xf32>,
    tpu.vector_store %arg12[%swap3A_59], %add3A_58 {strides = array<i32>} : memref<9200xf32, #tpu.memory_space<vmem>>, vector<16xf32>,
    %gather3A_61 = tpu.vector_load_idx %arg17[%get3A_53] : memref<1536xf32, #tpu.memory_space<vmem>>[vector<16xi32>], vector<16xf32>,
    %gather3A_62 = tpu.vector_load_idx %arg17[%get3A_55] : memref<1536xf32, #tpu.memory_space<vmem>>[vector<16xi32>], vector<16xf32>,
    %add3A_63 = arith.addf %gather3A_61, %gather3A_62 : vector<16xf32>
    %swap3A_64 = arith.index_cast %mul3A_51 : i32 to index
    %swap3A_65 = tpu.vector_load %arg14[%swap3A_64] {strides = array<i32>} : memref<9200xf32, #tpu.memory_space<vmem>>, vector<16xf32>,
    tpu.vector_store %arg14[%swap3A_64], %add3A_63 {strides = array<i32>} : memref<9200xf32, #tpu.memory_space<vmem>>, vector<16xf32>,
    %scan3A_66 = arith.constant 575 : i32
    %add3A_67 = arith.constant 0 : i32
    %add3A_68 = arith.addi %mul3A_2, %add3A_67 : i32
    %dma_start3A_69 = tpu.memref_slice %arg6[%add3A_68] : memref<294400xf32, #tpu.memory_space<hbm>> -> memref<9200xf32, #tpu.memory_space<hbm>>
    %dma_start3A_70 = tpu.memref_slice %arg6[%add3A_68] : memref<294400xf32, #tpu.memory_space<hbm>> -> memref<9200xf32, #tpu.memory_space<hbm>>
    tpu.enqueue_dma source(%arg12 : memref<9200xf32, #tpu.memory_space<vmem>>) target(%dma_start3A_70 : memref<9200xf32, #tpu.memory_space<hbm>>) target_semaphore(%arg22 : memref<!tpu.dma_semaphore, #tpu.memory_space<semaphore_mem>>)
    %dma_start3A_71 = tpu.memref_slice %arg7[%add3A_68] : memref<294400xf32, #tpu.memory_space<hbm>> -> memref<9200xf32, #tpu.memory_space<hbm>>
    %dma_start3A_72 = tpu.memref_slice %arg7[%add3A_68] : memref<294400xf32, #tpu.memory_space<hbm>> -> memref<9200xf32, #tpu.memory_space<hbm>>
    tpu.enqueue_dma source(%arg14 : memref<9200xf32, #tpu.memory_space<vmem>>) target(%dma_start3A_72 : memref<9200xf32, #tpu.memory_space<hbm>>) target_semaphore(%arg23 : memref<!tpu.dma_semaphore, #tpu.memory_space<semaphore_mem>>)
    %dma_wait3A_73 = tpu.memref_slice %arg6[%add3A_68] : memref<294400xf32, #tpu.memory_space<hbm>> -> memref<9200xf32, #tpu.memory_space<hbm>>
    %dma_wait3A_74 = tpu.memref_slice %arg6[%add3A_68] : memref<294400xf32, #tpu.memory_space<hbm>> -> memref<9200xf32, #tpu.memory_space<hbm>>
    tpu.wait_dma2 semaphore(%arg22 : memref<!tpu.dma_semaphore, #tpu.memory_space<semaphore_mem>>) src(%arg12 : memref<9200xf32, #tpu.memory_space<vmem>>) dst(%dma_wait3A_74 : memref<9200xf32, #tpu.memory_space<hbm>>)
    %dma_wait3A_75 = tpu.memref_slice %arg7[%add3A_68] : memref<294400xf32, #tpu.memory_space<hbm>> -> memref<9200xf32, #tpu.memory_space<hbm>>
    %dma_wait3A_76 = tpu.memref_slice %arg7[%add3A_68] : memref<294400xf32, #tpu.memory_space<hbm>> -> memref<9200xf32, #tpu.memory_space<hbm>>
    tpu.wait_dma2 semaphore(%arg23 : memref<!tpu.dma_semaphore, #tpu.memory_space<semaphore_mem>>) src(%arg14 : memref<9200xf32, #tpu.memory_space<vmem>>) dst(%dma_wait3A_76 : memref<9200xf32, #tpu.memory_space<hbm>>)
    return
  }
}

module attributes {stable_mosaic.version = 14 : i64} {
  func.func @_tc_body(%arg0: i32, %arg1: memref<1x12800xf32, #tpu.memory_space<vmem>>, %arg2: memref<1x12800xf32, #tpu.memory_space<vmem>>, %arg3: memref<1x12800xf32, #tpu.memory_space<vmem>>, %arg4: memref<16x1xf32, #tpu.memory_space<vmem>>, %arg5: memref<16x12800xf32, #tpu.memory_space<vmem>>) attributes {dimension_semantics = [#tpu.dimension_semantics<arbitrary>], iteration_bounds = array<i64: 23>, scalar_prefetch = 0 : i64, scratch_operands = 0 : i64, tpu.core_type = #tpu.core_type<tc>, window_params = [{transform_indices = @transform_0, window_bounds = array<i64: 1, 12800>}, {transform_indices = @transform_1, window_bounds = array<i64: 1, 12800>}, {transform_indices = @transform_2, window_bounds = array<i64: 1, 12800>}, {pipeline_mode = #tpu.pipeline_mode<synchronous>, transform_indices = @transform_3, window_bounds = array<i64: 16, 1>}, {transform_indices = @transform_4, window_bounds = array<i64: 16, 12800>}]} {
    %get3A = arith.constant 0 : index
    %get3A_0 = arith.constant 0 : index
    %get3A_1 = vector.load %arg4[%get3A, %get3A_0] : memref<16x1xf32, #tpu.memory_space<vmem>>, vector<16x1xf32>
    %scan3A = arith.constant 0 : i32
    %scan3A_2 = arith.constant 25 : i32
    %scan3A_3 = arith.addi %scan3A, %scan3A_2 : i32
    %scan3A_4 = arith.constant 5 : i32
    scf.for %scan3A_6 = %scan3A to %scan3A_3 step %scan3A_4  : i32 {
      %mul3A = arith.constant 512 : i32
      %mul3A_7 = arith.muli %scan3A_6, %mul3A : i32
      %get3A_8 = arith.constant 0 : index
      %get3A_9 = arith.index_cast %mul3A_7 : i32 to index
      %get3A_10 = vector.load %arg1[%get3A_8, %get3A_9] : memref<1x12800xf32, #tpu.memory_space<vmem>>, vector<1x512xf32>
      %get3A_11 = arith.constant 0 : index
      %get3A_12 = arith.index_cast %mul3A_7 : i32 to index
      %get3A_13 = vector.load %arg2[%get3A_11, %get3A_12] : memref<1x12800xf32, #tpu.memory_space<vmem>>, vector<1x512xf32>
      %div3A = arith.divf %get3A_13, %get3A_10 : vector<1x512xf32>
      %mul3A_14 = vector.broadcast %get3A_1 : vector<16x1xf32> to vector<16x512xf32>
      %mul3A_15 = vector.broadcast %get3A_10 : vector<1x512xf32> to vector<16x512xf32>
      %mul3A_16 = arith.mulf %mul3A_14, %mul3A_15 : vector<16x512xf32>
      %add3A = arith.constant 5.000000e-01 : f32
      %add3A_17 = vector.broadcast %add3A : f32 to vector<16x512xf32>
      %add3A_18 = arith.addf %mul3A_16, %add3A_17 : vector<16x512xf32>
      %floor3A = math.floor %add3A_18 : vector<16x512xf32>
      %sub3A = arith.subf %mul3A_16, %floor3A : vector<16x512xf32>
      %mul3A_19 = arith.mulf %sub3A, %sub3A : vector<16x512xf32>
      %mul3A_20 = arith.constant -12.2688599 : f32
      %mul3A_21 = vector.broadcast %mul3A_20 : f32 to vector<16x512xf32>
      %mul3A_22 = arith.mulf %mul3A_21, %mul3A_19 : vector<16x512xf32>
      %add3A_23 = arith.constant 41.203743 : f32
      %add3A_24 = vector.broadcast %add3A_23 : f32 to vector<16x512xf32>
      %add3A_25 = arith.addf %mul3A_22, %add3A_24 : vector<16x512xf32>
      %mul3A_26 = arith.mulf %add3A_25, %mul3A_19 : vector<16x512xf32>
      %add3A_27 = arith.constant -76.579689 : f32
      %add3A_28 = vector.broadcast %add3A_27 : f32 to vector<16x512xf32>
      %add3A_29 = arith.addf %mul3A_26, %add3A_28 : vector<16x512xf32>
      %mul3A_30 = arith.mulf %add3A_29, %mul3A_19 : vector<16x512xf32>
      %add3A_31 = arith.constant 81.596138 : f32
      %add3A_32 = vector.broadcast %add3A_31 : f32 to vector<16x512xf32>
      %add3A_33 = arith.addf %mul3A_30, %add3A_32 : vector<16x512xf32>
      %mul3A_34 = arith.mulf %add3A_33, %mul3A_19 : vector<16x512xf32>
      %add3A_35 = arith.constant -41.3414192 : f32
      %add3A_36 = vector.broadcast %add3A_35 : f32 to vector<16x512xf32>
      %add3A_37 = arith.addf %mul3A_34, %add3A_36 : vector<16x512xf32>
      %mul3A_38 = arith.mulf %add3A_37, %mul3A_19 : vector<16x512xf32>
      %add3A_39 = arith.constant 6.28318262 : f32
      %add3A_40 = vector.broadcast %add3A_39 : f32 to vector<16x512xf32>
      %add3A_41 = arith.addf %mul3A_38, %add3A_40 : vector<16x512xf32>
      %mul3A_42 = arith.mulf %add3A_41, %sub3A : vector<16x512xf32>
      %mul3A_43 = vector.broadcast %div3A : vector<1x512xf32> to vector<16x512xf32>
      %mul3A_44 = arith.mulf %mul3A_43, %mul3A_42 : vector<16x512xf32>
      %get3A_45 = arith.constant 0 : index
      %get3A_46 = arith.index_cast %mul3A_7 : i32 to index
      %get3A_47 = vector.load %arg3[%get3A_45, %get3A_46] : memref<1x12800xf32, #tpu.memory_space<vmem>>, vector<1x512xf32>
      %add3A_48 = vector.broadcast %get3A_47 : vector<1x512xf32> to vector<16x512xf32>
      %add3A_49 = arith.addf %mul3A_44, %add3A_48 : vector<16x512xf32>
      %swap3A = arith.constant 0 : index
      %swap3A_50 = arith.index_cast %mul3A_7 : i32 to index
      %swap3A_51 = vector.load %arg5[%swap3A, %swap3A_50] : memref<16x12800xf32, #tpu.memory_space<vmem>>, vector<16x512xf32>
      tpu.vector_store %arg5[%swap3A, %swap3A_50], %add3A_49 {strides = array<i32>} : memref<16x12800xf32, #tpu.memory_space<vmem>>, vector<16x512xf32>,
      %scan3A_52 = arith.constant 1 : i32
      %scan3A_53 = arith.addi %scan3A_6, %scan3A_52 : i32
      %mul3A_54 = arith.constant 512 : i32
      %mul3A_55 = arith.muli %scan3A_53, %mul3A_54 : i32
      %get3A_56 = arith.constant 0 : index
      %get3A_57 = arith.index_cast %mul3A_55 : i32 to index
      %get3A_58 = vector.load %arg1[%get3A_56, %get3A_57] : memref<1x12800xf32, #tpu.memory_space<vmem>>, vector<1x512xf32>
      %get3A_59 = arith.constant 0 : index
      %get3A_60 = arith.index_cast %mul3A_55 : i32 to index
      %get3A_61 = vector.load %arg2[%get3A_59, %get3A_60] : memref<1x12800xf32, #tpu.memory_space<vmem>>, vector<1x512xf32>
      %div3A_62 = arith.divf %get3A_61, %get3A_58 : vector<1x512xf32>
      %mul3A_63 = vector.broadcast %get3A_1 : vector<16x1xf32> to vector<16x512xf32>
      %mul3A_64 = vector.broadcast %get3A_58 : vector<1x512xf32> to vector<16x512xf32>
      %mul3A_65 = arith.mulf %mul3A_63, %mul3A_64 : vector<16x512xf32>
      %add3A_66 = arith.constant 5.000000e-01 : f32
      %add3A_67 = vector.broadcast %add3A_66 : f32 to vector<16x512xf32>
      %add3A_68 = arith.addf %mul3A_65, %add3A_67 : vector<16x512xf32>
      %floor3A_69 = math.floor %add3A_68 : vector<16x512xf32>
      %sub3A_70 = arith.subf %mul3A_65, %floor3A_69 : vector<16x512xf32>
      %mul3A_71 = arith.mulf %sub3A_70, %sub3A_70 : vector<16x512xf32>
      %mul3A_72 = arith.constant -12.2688599 : f32
      %mul3A_73 = vector.broadcast %mul3A_72 : f32 to vector<16x512xf32>
      %mul3A_74 = arith.mulf %mul3A_73, %mul3A_71 : vector<16x512xf32>
      %add3A_75 = arith.constant 41.203743 : f32
      %add3A_76 = vector.broadcast %add3A_75 : f32 to vector<16x512xf32>
      %add3A_77 = arith.addf %mul3A_74, %add3A_76 : vector<16x512xf32>
      %mul3A_78 = arith.mulf %add3A_77, %mul3A_71 : vector<16x512xf32>
      %add3A_79 = arith.constant -76.579689 : f32
      %add3A_80 = vector.broadcast %add3A_79 : f32 to vector<16x512xf32>
      %add3A_81 = arith.addf %mul3A_78, %add3A_80 : vector<16x512xf32>
      %mul3A_82 = arith.mulf %add3A_81, %mul3A_71 : vector<16x512xf32>
      %add3A_83 = arith.constant 81.596138 : f32
      %add3A_84 = vector.broadcast %add3A_83 : f32 to vector<16x512xf32>
      %add3A_85 = arith.addf %mul3A_82, %add3A_84 : vector<16x512xf32>
      %mul3A_86 = arith.mulf %add3A_85, %mul3A_71 : vector<16x512xf32>
      %add3A_87 = arith.constant -41.3414192 : f32
      %add3A_88 = vector.broadcast %add3A_87 : f32 to vector<16x512xf32>
      %add3A_89 = arith.addf %mul3A_86, %add3A_88 : vector<16x512xf32>
      %mul3A_90 = arith.mulf %add3A_89, %mul3A_71 : vector<16x512xf32>
      %add3A_91 = arith.constant 6.28318262 : f32
      %add3A_92 = vector.broadcast %add3A_91 : f32 to vector<16x512xf32>
      %add3A_93 = arith.addf %mul3A_90, %add3A_92 : vector<16x512xf32>
      %mul3A_94 = arith.mulf %add3A_93, %sub3A_70 : vector<16x512xf32>
      %mul3A_95 = vector.broadcast %div3A_62 : vector<1x512xf32> to vector<16x512xf32>
      %mul3A_96 = arith.mulf %mul3A_95, %mul3A_94 : vector<16x512xf32>
      %get3A_97 = arith.constant 0 : index
      %get3A_98 = arith.index_cast %mul3A_55 : i32 to index
      %get3A_99 = vector.load %arg3[%get3A_97, %get3A_98] : memref<1x12800xf32, #tpu.memory_space<vmem>>, vector<1x512xf32>
      %add3A_100 = vector.broadcast %get3A_99 : vector<1x512xf32> to vector<16x512xf32>
      %add3A_101 = arith.addf %mul3A_96, %add3A_100 : vector<16x512xf32>
      %swap3A_102 = arith.constant 0 : index
      %swap3A_103 = arith.index_cast %mul3A_55 : i32 to index
      %swap3A_104 = vector.load %arg5[%swap3A_102, %swap3A_103] : memref<16x12800xf32, #tpu.memory_space<vmem>>, vector<16x512xf32>
      tpu.vector_store %arg5[%swap3A_102, %swap3A_103], %add3A_101 {strides = array<i32>} : memref<16x12800xf32, #tpu.memory_space<vmem>>, vector<16x512xf32>,
      %scan3A_105 = arith.constant 2 : i32
      %scan3A_106 = arith.addi %scan3A_6, %scan3A_105 : i32
      %mul3A_107 = arith.constant 512 : i32
      %mul3A_108 = arith.muli %scan3A_106, %mul3A_107 : i32
      %get3A_109 = arith.constant 0 : index
      %get3A_110 = arith.index_cast %mul3A_108 : i32 to index
      %get3A_111 = vector.load %arg1[%get3A_109, %get3A_110] : memref<1x12800xf32, #tpu.memory_space<vmem>>, vector<1x512xf32>
      %get3A_112 = arith.constant 0 : index
      %get3A_113 = arith.index_cast %mul3A_108 : i32 to index
      %get3A_114 = vector.load %arg2[%get3A_112, %get3A_113] : memref<1x12800xf32, #tpu.memory_space<vmem>>, vector<1x512xf32>
      %div3A_115 = arith.divf %get3A_114, %get3A_111 : vector<1x512xf32>
      %mul3A_116 = vector.broadcast %get3A_1 : vector<16x1xf32> to vector<16x512xf32>
      %mul3A_117 = vector.broadcast %get3A_111 : vector<1x512xf32> to vector<16x512xf32>
      %mul3A_118 = arith.mulf %mul3A_116, %mul3A_117 : vector<16x512xf32>
      %add3A_119 = arith.constant 5.000000e-01 : f32
      %add3A_120 = vector.broadcast %add3A_119 : f32 to vector<16x512xf32>
      %add3A_121 = arith.addf %mul3A_118, %add3A_120 : vector<16x512xf32>
      %floor3A_122 = math.floor %add3A_121 : vector<16x512xf32>
      %sub3A_123 = arith.subf %mul3A_118, %floor3A_122 : vector<16x512xf32>
      %mul3A_124 = arith.mulf %sub3A_123, %sub3A_123 : vector<16x512xf32>
      %mul3A_125 = arith.constant -12.2688599 : f32
      %mul3A_126 = vector.broadcast %mul3A_125 : f32 to vector<16x512xf32>
      %mul3A_127 = arith.mulf %mul3A_126, %mul3A_124 : vector<16x512xf32>
      %add3A_128 = arith.constant 41.203743 : f32
      %add3A_129 = vector.broadcast %add3A_128 : f32 to vector<16x512xf32>
      %add3A_130 = arith.addf %mul3A_127, %add3A_129 : vector<16x512xf32>
      %mul3A_131 = arith.mulf %add3A_130, %mul3A_124 : vector<16x512xf32>
      %add3A_132 = arith.constant -76.579689 : f32
      %add3A_133 = vector.broadcast %add3A_132 : f32 to vector<16x512xf32>
      %add3A_134 = arith.addf %mul3A_131, %add3A_133 : vector<16x512xf32>
      %mul3A_135 = arith.mulf %add3A_134, %mul3A_124 : vector<16x512xf32>
      %add3A_136 = arith.constant 81.596138 : f32
      %add3A_137 = vector.broadcast %add3A_136 : f32 to vector<16x512xf32>
      %add3A_138 = arith.addf %mul3A_135, %add3A_137 : vector<16x512xf32>
      %mul3A_139 = arith.mulf %add3A_138, %mul3A_124 : vector<16x512xf32>
      %add3A_140 = arith.constant -41.3414192 : f32
      %add3A_141 = vector.broadcast %add3A_140 : f32 to vector<16x512xf32>
      %add3A_142 = arith.addf %mul3A_139, %add3A_141 : vector<16x512xf32>
      %mul3A_143 = arith.mulf %add3A_142, %mul3A_124 : vector<16x512xf32>
      %add3A_144 = arith.constant 6.28318262 : f32
      %add3A_145 = vector.broadcast %add3A_144 : f32 to vector<16x512xf32>
      %add3A_146 = arith.addf %mul3A_143, %add3A_145 : vector<16x512xf32>
      %mul3A_147 = arith.mulf %add3A_146, %sub3A_123 : vector<16x512xf32>
      %mul3A_148 = vector.broadcast %div3A_115 : vector<1x512xf32> to vector<16x512xf32>
      %mul3A_149 = arith.mulf %mul3A_148, %mul3A_147 : vector<16x512xf32>
      %get3A_150 = arith.constant 0 : index
      %get3A_151 = arith.index_cast %mul3A_108 : i32 to index
      %get3A_152 = vector.load %arg3[%get3A_150, %get3A_151] : memref<1x12800xf32, #tpu.memory_space<vmem>>, vector<1x512xf32>
      %add3A_153 = vector.broadcast %get3A_152 : vector<1x512xf32> to vector<16x512xf32>
      %add3A_154 = arith.addf %mul3A_149, %add3A_153 : vector<16x512xf32>
      %swap3A_155 = arith.constant 0 : index
      %swap3A_156 = arith.index_cast %mul3A_108 : i32 to index
      %swap3A_157 = vector.load %arg5[%swap3A_155, %swap3A_156] : memref<16x12800xf32, #tpu.memory_space<vmem>>, vector<16x512xf32>
      tpu.vector_store %arg5[%swap3A_155, %swap3A_156], %add3A_154 {strides = array<i32>} : memref<16x12800xf32, #tpu.memory_space<vmem>>, vector<16x512xf32>,
      %scan3A_158 = arith.constant 3 : i32
      %scan3A_159 = arith.addi %scan3A_6, %scan3A_158 : i32
      %mul3A_160 = arith.constant 512 : i32
      %mul3A_161 = arith.muli %scan3A_159, %mul3A_160 : i32
      %get3A_162 = arith.constant 0 : index
      %get3A_163 = arith.index_cast %mul3A_161 : i32 to index
      %get3A_164 = vector.load %arg1[%get3A_162, %get3A_163] : memref<1x12800xf32, #tpu.memory_space<vmem>>, vector<1x512xf32>
      %get3A_165 = arith.constant 0 : index
      %get3A_166 = arith.index_cast %mul3A_161 : i32 to index
      %get3A_167 = vector.load %arg2[%get3A_165, %get3A_166] : memref<1x12800xf32, #tpu.memory_space<vmem>>, vector<1x512xf32>
      %div3A_168 = arith.divf %get3A_167, %get3A_164 : vector<1x512xf32>
      %mul3A_169 = vector.broadcast %get3A_1 : vector<16x1xf32> to vector<16x512xf32>
      %mul3A_170 = vector.broadcast %get3A_164 : vector<1x512xf32> to vector<16x512xf32>
      %mul3A_171 = arith.mulf %mul3A_169, %mul3A_170 : vector<16x512xf32>
      %add3A_172 = arith.constant 5.000000e-01 : f32
      %add3A_173 = vector.broadcast %add3A_172 : f32 to vector<16x512xf32>
      %add3A_174 = arith.addf %mul3A_171, %add3A_173 : vector<16x512xf32>
      %floor3A_175 = math.floor %add3A_174 : vector<16x512xf32>
      %sub3A_176 = arith.subf %mul3A_171, %floor3A_175 : vector<16x512xf32>
      %mul3A_177 = arith.mulf %sub3A_176, %sub3A_176 : vector<16x512xf32>
      %mul3A_178 = arith.constant -12.2688599 : f32
      %mul3A_179 = vector.broadcast %mul3A_178 : f32 to vector<16x512xf32>
      %mul3A_180 = arith.mulf %mul3A_179, %mul3A_177 : vector<16x512xf32>
      %add3A_181 = arith.constant 41.203743 : f32
      %add3A_182 = vector.broadcast %add3A_181 : f32 to vector<16x512xf32>
      %add3A_183 = arith.addf %mul3A_180, %add3A_182 : vector<16x512xf32>
      %mul3A_184 = arith.mulf %add3A_183, %mul3A_177 : vector<16x512xf32>
      %add3A_185 = arith.constant -76.579689 : f32
      %add3A_186 = vector.broadcast %add3A_185 : f32 to vector<16x512xf32>
      %add3A_187 = arith.addf %mul3A_184, %add3A_186 : vector<16x512xf32>
      %mul3A_188 = arith.mulf %add3A_187, %mul3A_177 : vector<16x512xf32>
      %add3A_189 = arith.constant 81.596138 : f32
      %add3A_190 = vector.broadcast %add3A_189 : f32 to vector<16x512xf32>
      %add3A_191 = arith.addf %mul3A_188, %add3A_190 : vector<16x512xf32>
      %mul3A_192 = arith.mulf %add3A_191, %mul3A_177 : vector<16x512xf32>
      %add3A_193 = arith.constant -41.3414192 : f32
      %add3A_194 = vector.broadcast %add3A_193 : f32 to vector<16x512xf32>
      %add3A_195 = arith.addf %mul3A_192, %add3A_194 : vector<16x512xf32>
      %mul3A_196 = arith.mulf %add3A_195, %mul3A_177 : vector<16x512xf32>
      %add3A_197 = arith.constant 6.28318262 : f32
      %add3A_198 = vector.broadcast %add3A_197 : f32 to vector<16x512xf32>
      %add3A_199 = arith.addf %mul3A_196, %add3A_198 : vector<16x512xf32>
      %mul3A_200 = arith.mulf %add3A_199, %sub3A_176 : vector<16x512xf32>
      %mul3A_201 = vector.broadcast %div3A_168 : vector<1x512xf32> to vector<16x512xf32>
      %mul3A_202 = arith.mulf %mul3A_201, %mul3A_200 : vector<16x512xf32>
      %get3A_203 = arith.constant 0 : index
      %get3A_204 = arith.index_cast %mul3A_161 : i32 to index
      %get3A_205 = vector.load %arg3[%get3A_203, %get3A_204] : memref<1x12800xf32, #tpu.memory_space<vmem>>, vector<1x512xf32>
      %add3A_206 = vector.broadcast %get3A_205 : vector<1x512xf32> to vector<16x512xf32>
      %add3A_207 = arith.addf %mul3A_202, %add3A_206 : vector<16x512xf32>
      %swap3A_208 = arith.constant 0 : index
      %swap3A_209 = arith.index_cast %mul3A_161 : i32 to index
      %swap3A_210 = vector.load %arg5[%swap3A_208, %swap3A_209] : memref<16x12800xf32, #tpu.memory_space<vmem>>, vector<16x512xf32>
      tpu.vector_store %arg5[%swap3A_208, %swap3A_209], %add3A_207 {strides = array<i32>} : memref<16x12800xf32, #tpu.memory_space<vmem>>, vector<16x512xf32>,
      %scan3A_211 = arith.constant 4 : i32
      %scan3A_212 = arith.addi %scan3A_6, %scan3A_211 : i32
      %mul3A_213 = arith.constant 512 : i32
      %mul3A_214 = arith.muli %scan3A_212, %mul3A_213 : i32
      %get3A_215 = arith.constant 0 : index
      %get3A_216 = arith.index_cast %mul3A_214 : i32 to index
      %get3A_217 = vector.load %arg1[%get3A_215, %get3A_216] : memref<1x12800xf32, #tpu.memory_space<vmem>>, vector<1x512xf32>
      %get3A_218 = arith.constant 0 : index
      %get3A_219 = arith.index_cast %mul3A_214 : i32 to index
      %get3A_220 = vector.load %arg2[%get3A_218, %get3A_219] : memref<1x12800xf32, #tpu.memory_space<vmem>>, vector<1x512xf32>
      %div3A_221 = arith.divf %get3A_220, %get3A_217 : vector<1x512xf32>
      %mul3A_222 = vector.broadcast %get3A_1 : vector<16x1xf32> to vector<16x512xf32>
      %mul3A_223 = vector.broadcast %get3A_217 : vector<1x512xf32> to vector<16x512xf32>
      %mul3A_224 = arith.mulf %mul3A_222, %mul3A_223 : vector<16x512xf32>
      %add3A_225 = arith.constant 5.000000e-01 : f32
      %add3A_226 = vector.broadcast %add3A_225 : f32 to vector<16x512xf32>
      %add3A_227 = arith.addf %mul3A_224, %add3A_226 : vector<16x512xf32>
      %floor3A_228 = math.floor %add3A_227 : vector<16x512xf32>
      %sub3A_229 = arith.subf %mul3A_224, %floor3A_228 : vector<16x512xf32>
      %mul3A_230 = arith.mulf %sub3A_229, %sub3A_229 : vector<16x512xf32>
      %mul3A_231 = arith.constant -12.2688599 : f32
      %mul3A_232 = vector.broadcast %mul3A_231 : f32 to vector<16x512xf32>
      %mul3A_233 = arith.mulf %mul3A_232, %mul3A_230 : vector<16x512xf32>
      %add3A_234 = arith.constant 41.203743 : f32
      %add3A_235 = vector.broadcast %add3A_234 : f32 to vector<16x512xf32>
      %add3A_236 = arith.addf %mul3A_233, %add3A_235 : vector<16x512xf32>
      %mul3A_237 = arith.mulf %add3A_236, %mul3A_230 : vector<16x512xf32>
      %add3A_238 = arith.constant -76.579689 : f32
      %add3A_239 = vector.broadcast %add3A_238 : f32 to vector<16x512xf32>
      %add3A_240 = arith.addf %mul3A_237, %add3A_239 : vector<16x512xf32>
      %mul3A_241 = arith.mulf %add3A_240, %mul3A_230 : vector<16x512xf32>
      %add3A_242 = arith.constant 81.596138 : f32
      %add3A_243 = vector.broadcast %add3A_242 : f32 to vector<16x512xf32>
      %add3A_244 = arith.addf %mul3A_241, %add3A_243 : vector<16x512xf32>
      %mul3A_245 = arith.mulf %add3A_244, %mul3A_230 : vector<16x512xf32>
      %add3A_246 = arith.constant -41.3414192 : f32
      %add3A_247 = vector.broadcast %add3A_246 : f32 to vector<16x512xf32>
      %add3A_248 = arith.addf %mul3A_245, %add3A_247 : vector<16x512xf32>
      %mul3A_249 = arith.mulf %add3A_248, %mul3A_230 : vector<16x512xf32>
      %add3A_250 = arith.constant 6.28318262 : f32
      %add3A_251 = vector.broadcast %add3A_250 : f32 to vector<16x512xf32>
      %add3A_252 = arith.addf %mul3A_249, %add3A_251 : vector<16x512xf32>
      %mul3A_253 = arith.mulf %add3A_252, %sub3A_229 : vector<16x512xf32>
      %mul3A_254 = vector.broadcast %div3A_221 : vector<1x512xf32> to vector<16x512xf32>
      %mul3A_255 = arith.mulf %mul3A_254, %mul3A_253 : vector<16x512xf32>
      %get3A_256 = arith.constant 0 : index
      %get3A_257 = arith.index_cast %mul3A_214 : i32 to index
      %get3A_258 = vector.load %arg3[%get3A_256, %get3A_257] : memref<1x12800xf32, #tpu.memory_space<vmem>>, vector<1x512xf32>
      %add3A_259 = vector.broadcast %get3A_258 : vector<1x512xf32> to vector<16x512xf32>
      %add3A_260 = arith.addf %mul3A_255, %add3A_259 : vector<16x512xf32>
      %swap3A_261 = arith.constant 0 : index
      %swap3A_262 = arith.index_cast %mul3A_214 : i32 to index
      %swap3A_263 = vector.load %arg5[%swap3A_261, %swap3A_262] : memref<16x12800xf32, #tpu.memory_space<vmem>>, vector<16x512xf32>
      tpu.vector_store %arg5[%swap3A_261, %swap3A_262], %add3A_260 {strides = array<i32>} : memref<16x12800xf32, #tpu.memory_space<vmem>>, vector<16x512xf32>,
    }
    %scan3A_5 = arith.constant 25 : i32
    return
  }
  func.func @transform_0(%arg0: i32) -> (i32, i32) {
    %c0_i32 = arith.constant 0 : i32
    %c0_i32_0 = arith.constant 0 : i32
    return %c0_i32, %arg0 : i32, i32
  }
  func.func @transform_1(%arg0: i32) -> (i32, i32) {
    %c0_i32 = arith.constant 0 : i32
    %c0_i32_0 = arith.constant 0 : i32
    return %c0_i32, %arg0 : i32, i32
  }
  func.func @transform_2(%arg0: i32) -> (i32, i32) {
    %c0_i32 = arith.constant 0 : i32
    %c0_i32_0 = arith.constant 0 : i32
    return %c0_i32, %arg0 : i32, i32
  }
  func.func @transform_3(%arg0: i32) -> (i32, i32) {
    %c0_i32 = arith.constant 0 : i32
    %c0_i32_0 = arith.constant 0 : i32
    %c0_i32_1 = arith.constant 0 : i32
    return %c0_i32, %c0_i32_0 : i32, i32
  }
  func.func @transform_4(%arg0: i32) -> (i32, i32) {
    %add3A = arith.constant 0 : i32
    %add3A_0 = arith.addi %arg0, %add3A : i32
    %c0_i32 = arith.constant 0 : i32
    %c0_i32_1 = arith.constant 0 : i32
    return %c0_i32, %add3A_0 : i32, i32
  }
}

module attributes {stable_mosaic.version = 14 : i64} {
  func.func @_tc_body_prev(%arg0: i32, %arg1: memref<1x12800xf32, #tpu.memory_space<vmem>>, %arg2: memref<1x12800xf32, #tpu.memory_space<vmem>>, %arg3: memref<1x12800xf32, #tpu.memory_space<vmem>>, %arg4: memref<16x1xf32, #tpu.memory_space<vmem>>, %arg5: memref<16x1600000xf32, #tpu.memory_space<any>>, %arg6: memref<16x12800xf32, #tpu.memory_space<vmem>>) attributes {dimension_semantics = [#tpu.dimension_semantics<arbitrary>], iteration_bounds = array<i64: 38>, scalar_prefetch = 0 : i64, scratch_operands = 0 : i64, tpu.core_type = #tpu.core_type<tc>, window_params = [{transform_indices = @transform_0, window_bounds = array<i64: 1, 12800>}, {transform_indices = @transform_1, window_bounds = array<i64: 1, 12800>}, {transform_indices = @transform_2, window_bounds = array<i64: 1, 12800>}, {pipeline_mode = #tpu.pipeline_mode<synchronous>, transform_indices = @transform_3, window_bounds = array<i64: 16, 1>}, {}, {transform_indices = @transform_5, window_bounds = array<i64: 16, 12800>}]} {
    %get3A = arith.constant 0 : index
    %get3A_0 = arith.constant 0 : index
    %get3A_1 = vector.load %arg4[%get3A, %get3A_0] : memref<16x1xf32, #tpu.memory_space<vmem>>, vector<16x1xf32>
    %scan3A = arith.constant 0 : i32
    %scan3A_2 = arith.constant 25 : i32
    %scan3A_3 = arith.addi %scan3A, %scan3A_2 : i32
    %scan3A_4 = arith.constant 5 : i32
    scf.for %scan3A_6 = %scan3A to %scan3A_3 step %scan3A_4  : i32 {
      %mul3A = arith.constant 512 : i32
      %mul3A_7 = arith.muli %scan3A_6, %mul3A : i32
      %get3A_8 = arith.constant 0 : index
      %get3A_9 = arith.index_cast %mul3A_7 : i32 to index
      %get3A_10 = vector.load %arg1[%get3A_8, %get3A_9] : memref<1x12800xf32, #tpu.memory_space<vmem>>, vector<1x512xf32>
      %get3A_11 = arith.constant 0 : index
      %get3A_12 = arith.index_cast %mul3A_7 : i32 to index
      %get3A_13 = vector.load %arg2[%get3A_11, %get3A_12] : memref<1x12800xf32, #tpu.memory_space<vmem>>, vector<1x512xf32>
      %div3A = arith.divf %get3A_13, %get3A_10 : vector<1x512xf32>
      %mul3A_14 = vector.broadcast %get3A_1 : vector<16x1xf32> to vector<16x512xf32>
      %mul3A_15 = vector.broadcast %get3A_10 : vector<1x512xf32> to vector<16x512xf32>
      %mul3A_16 = arith.mulf %mul3A_14, %mul3A_15 : vector<16x512xf32>
      %add3A = arith.constant 5.000000e-01 : f32
      %add3A_17 = vector.broadcast %add3A : f32 to vector<16x512xf32>
      %add3A_18 = arith.addf %mul3A_16, %add3A_17 : vector<16x512xf32>
      %floor3A = math.floor %add3A_18 : vector<16x512xf32>
      %sub3A = arith.subf %mul3A_16, %floor3A : vector<16x512xf32>
      %mul3A_19 = arith.mulf %sub3A, %sub3A : vector<16x512xf32>
      %mul3A_20 = arith.constant -12.2688599 : f32
      %mul3A_21 = vector.broadcast %mul3A_20 : f32 to vector<16x512xf32>
      %mul3A_22 = arith.mulf %mul3A_21, %mul3A_19 : vector<16x512xf32>
      %add3A_23 = arith.constant 41.203743 : f32
      %add3A_24 = vector.broadcast %add3A_23 : f32 to vector<16x512xf32>
      %add3A_25 = arith.addf %mul3A_22, %add3A_24 : vector<16x512xf32>
      %mul3A_26 = arith.mulf %add3A_25, %mul3A_19 : vector<16x512xf32>
      %add3A_27 = arith.constant -76.579689 : f32
      %add3A_28 = vector.broadcast %add3A_27 : f32 to vector<16x512xf32>
      %add3A_29 = arith.addf %mul3A_26, %add3A_28 : vector<16x512xf32>
      %mul3A_30 = arith.mulf %add3A_29, %mul3A_19 : vector<16x512xf32>
      %add3A_31 = arith.constant 81.596138 : f32
      %add3A_32 = vector.broadcast %add3A_31 : f32 to vector<16x512xf32>
      %add3A_33 = arith.addf %mul3A_30, %add3A_32 : vector<16x512xf32>
      %mul3A_34 = arith.mulf %add3A_33, %mul3A_19 : vector<16x512xf32>
      %add3A_35 = arith.constant -41.3414192 : f32
      %add3A_36 = vector.broadcast %add3A_35 : f32 to vector<16x512xf32>
      %add3A_37 = arith.addf %mul3A_34, %add3A_36 : vector<16x512xf32>
      %mul3A_38 = arith.mulf %add3A_37, %mul3A_19 : vector<16x512xf32>
      %add3A_39 = arith.constant 6.28318262 : f32
      %add3A_40 = vector.broadcast %add3A_39 : f32 to vector<16x512xf32>
      %add3A_41 = arith.addf %mul3A_38, %add3A_40 : vector<16x512xf32>
      %mul3A_42 = arith.mulf %add3A_41, %sub3A : vector<16x512xf32>
      %mul3A_43 = vector.broadcast %div3A : vector<1x512xf32> to vector<16x512xf32>
      %mul3A_44 = arith.mulf %mul3A_43, %mul3A_42 : vector<16x512xf32>
      %get3A_45 = arith.constant 0 : index
      %get3A_46 = arith.index_cast %mul3A_7 : i32 to index
      %get3A_47 = vector.load %arg3[%get3A_45, %get3A_46] : memref<1x12800xf32, #tpu.memory_space<vmem>>, vector<1x512xf32>
      %add3A_48 = vector.broadcast %get3A_47 : vector<1x512xf32> to vector<16x512xf32>
      %add3A_49 = arith.addf %mul3A_44, %add3A_48 : vector<16x512xf32>
      %swap3A = arith.constant 0 : index
      %swap3A_50 = arith.index_cast %mul3A_7 : i32 to index
      %swap3A_51 = vector.load %arg6[%swap3A, %swap3A_50] : memref<16x12800xf32, #tpu.memory_space<vmem>>, vector<16x512xf32>
      tpu.vector_store %arg6[%swap3A, %swap3A_50], %add3A_49 {strides = array<i32>} : memref<16x12800xf32, #tpu.memory_space<vmem>>, vector<16x512xf32>,
      %scan3A_52 = arith.constant 1 : i32
      %scan3A_53 = arith.addi %scan3A_6, %scan3A_52 : i32
      %mul3A_54 = arith.constant 512 : i32
      %mul3A_55 = arith.muli %scan3A_53, %mul3A_54 : i32
      %get3A_56 = arith.constant 0 : index
      %get3A_57 = arith.index_cast %mul3A_55 : i32 to index
      %get3A_58 = vector.load %arg1[%get3A_56, %get3A_57] : memref<1x12800xf32, #tpu.memory_space<vmem>>, vector<1x512xf32>
      %get3A_59 = arith.constant 0 : index
      %get3A_60 = arith.index_cast %mul3A_55 : i32 to index
      %get3A_61 = vector.load %arg2[%get3A_59, %get3A_60] : memref<1x12800xf32, #tpu.memory_space<vmem>>, vector<1x512xf32>
      %div3A_62 = arith.divf %get3A_61, %get3A_58 : vector<1x512xf32>
      %mul3A_63 = vector.broadcast %get3A_1 : vector<16x1xf32> to vector<16x512xf32>
      %mul3A_64 = vector.broadcast %get3A_58 : vector<1x512xf32> to vector<16x512xf32>
      %mul3A_65 = arith.mulf %mul3A_63, %mul3A_64 : vector<16x512xf32>
      %add3A_66 = arith.constant 5.000000e-01 : f32
      %add3A_67 = vector.broadcast %add3A_66 : f32 to vector<16x512xf32>
      %add3A_68 = arith.addf %mul3A_65, %add3A_67 : vector<16x512xf32>
      %floor3A_69 = math.floor %add3A_68 : vector<16x512xf32>
      %sub3A_70 = arith.subf %mul3A_65, %floor3A_69 : vector<16x512xf32>
      %mul3A_71 = arith.mulf %sub3A_70, %sub3A_70 : vector<16x512xf32>
      %mul3A_72 = arith.constant -12.2688599 : f32
      %mul3A_73 = vector.broadcast %mul3A_72 : f32 to vector<16x512xf32>
      %mul3A_74 = arith.mulf %mul3A_73, %mul3A_71 : vector<16x512xf32>
      %add3A_75 = arith.constant 41.203743 : f32
      %add3A_76 = vector.broadcast %add3A_75 : f32 to vector<16x512xf32>
      %add3A_77 = arith.addf %mul3A_74, %add3A_76 : vector<16x512xf32>
      %mul3A_78 = arith.mulf %add3A_77, %mul3A_71 : vector<16x512xf32>
      %add3A_79 = arith.constant -76.579689 : f32
      %add3A_80 = vector.broadcast %add3A_79 : f32 to vector<16x512xf32>
      %add3A_81 = arith.addf %mul3A_78, %add3A_80 : vector<16x512xf32>
      %mul3A_82 = arith.mulf %add3A_81, %mul3A_71 : vector<16x512xf32>
      %add3A_83 = arith.constant 81.596138 : f32
      %add3A_84 = vector.broadcast %add3A_83 : f32 to vector<16x512xf32>
      %add3A_85 = arith.addf %mul3A_82, %add3A_84 : vector<16x512xf32>
      %mul3A_86 = arith.mulf %add3A_85, %mul3A_71 : vector<16x512xf32>
      %add3A_87 = arith.constant -41.3414192 : f32
      %add3A_88 = vector.broadcast %add3A_87 : f32 to vector<16x512xf32>
      %add3A_89 = arith.addf %mul3A_86, %add3A_88 : vector<16x512xf32>
      %mul3A_90 = arith.mulf %add3A_89, %mul3A_71 : vector<16x512xf32>
      %add3A_91 = arith.constant 6.28318262 : f32
      %add3A_92 = vector.broadcast %add3A_91 : f32 to vector<16x512xf32>
      %add3A_93 = arith.addf %mul3A_90, %add3A_92 : vector<16x512xf32>
      %mul3A_94 = arith.mulf %add3A_93, %sub3A_70 : vector<16x512xf32>
      %mul3A_95 = vector.broadcast %div3A_62 : vector<1x512xf32> to vector<16x512xf32>
      %mul3A_96 = arith.mulf %mul3A_95, %mul3A_94 : vector<16x512xf32>
      %get3A_97 = arith.constant 0 : index
      %get3A_98 = arith.index_cast %mul3A_55 : i32 to index
      %get3A_99 = vector.load %arg3[%get3A_97, %get3A_98] : memref<1x12800xf32, #tpu.memory_space<vmem>>, vector<1x512xf32>
      %add3A_100 = vector.broadcast %get3A_99 : vector<1x512xf32> to vector<16x512xf32>
      %add3A_101 = arith.addf %mul3A_96, %add3A_100 : vector<16x512xf32>
      %swap3A_102 = arith.constant 0 : index
      %swap3A_103 = arith.index_cast %mul3A_55 : i32 to index
      %swap3A_104 = vector.load %arg6[%swap3A_102, %swap3A_103] : memref<16x12800xf32, #tpu.memory_space<vmem>>, vector<16x512xf32>
      tpu.vector_store %arg6[%swap3A_102, %swap3A_103], %add3A_101 {strides = array<i32>} : memref<16x12800xf32, #tpu.memory_space<vmem>>, vector<16x512xf32>,
      %scan3A_105 = arith.constant 2 : i32
      %scan3A_106 = arith.addi %scan3A_6, %scan3A_105 : i32
      %mul3A_107 = arith.constant 512 : i32
      %mul3A_108 = arith.muli %scan3A_106, %mul3A_107 : i32
      %get3A_109 = arith.constant 0 : index
      %get3A_110 = arith.index_cast %mul3A_108 : i32 to index
      %get3A_111 = vector.load %arg1[%get3A_109, %get3A_110] : memref<1x12800xf32, #tpu.memory_space<vmem>>, vector<1x512xf32>
      %get3A_112 = arith.constant 0 : index
      %get3A_113 = arith.index_cast %mul3A_108 : i32 to index
      %get3A_114 = vector.load %arg2[%get3A_112, %get3A_113] : memref<1x12800xf32, #tpu.memory_space<vmem>>, vector<1x512xf32>
      %div3A_115 = arith.divf %get3A_114, %get3A_111 : vector<1x512xf32>
      %mul3A_116 = vector.broadcast %get3A_1 : vector<16x1xf32> to vector<16x512xf32>
      %mul3A_117 = vector.broadcast %get3A_111 : vector<1x512xf32> to vector<16x512xf32>
      %mul3A_118 = arith.mulf %mul3A_116, %mul3A_117 : vector<16x512xf32>
      %add3A_119 = arith.constant 5.000000e-01 : f32
      %add3A_120 = vector.broadcast %add3A_119 : f32 to vector<16x512xf32>
      %add3A_121 = arith.addf %mul3A_118, %add3A_120 : vector<16x512xf32>
      %floor3A_122 = math.floor %add3A_121 : vector<16x512xf32>
      %sub3A_123 = arith.subf %mul3A_118, %floor3A_122 : vector<16x512xf32>
      %mul3A_124 = arith.mulf %sub3A_123, %sub3A_123 : vector<16x512xf32>
      %mul3A_125 = arith.constant -12.2688599 : f32
      %mul3A_126 = vector.broadcast %mul3A_125 : f32 to vector<16x512xf32>
      %mul3A_127 = arith.mulf %mul3A_126, %mul3A_124 : vector<16x512xf32>
      %add3A_128 = arith.constant 41.203743 : f32
      %add3A_129 = vector.broadcast %add3A_128 : f32 to vector<16x512xf32>
      %add3A_130 = arith.addf %mul3A_127, %add3A_129 : vector<16x512xf32>
      %mul3A_131 = arith.mulf %add3A_130, %mul3A_124 : vector<16x512xf32>
      %add3A_132 = arith.constant -76.579689 : f32
      %add3A_133 = vector.broadcast %add3A_132 : f32 to vector<16x512xf32>
      %add3A_134 = arith.addf %mul3A_131, %add3A_133 : vector<16x512xf32>
      %mul3A_135 = arith.mulf %add3A_134, %mul3A_124 : vector<16x512xf32>
      %add3A_136 = arith.constant 81.596138 : f32
      %add3A_137 = vector.broadcast %add3A_136 : f32 to vector<16x512xf32>
      %add3A_138 = arith.addf %mul3A_135, %add3A_137 : vector<16x512xf32>
      %mul3A_139 = arith.mulf %add3A_138, %mul3A_124 : vector<16x512xf32>
      %add3A_140 = arith.constant -41.3414192 : f32
      %add3A_141 = vector.broadcast %add3A_140 : f32 to vector<16x512xf32>
      %add3A_142 = arith.addf %mul3A_139, %add3A_141 : vector<16x512xf32>
      %mul3A_143 = arith.mulf %add3A_142, %mul3A_124 : vector<16x512xf32>
      %add3A_144 = arith.constant 6.28318262 : f32
      %add3A_145 = vector.broadcast %add3A_144 : f32 to vector<16x512xf32>
      %add3A_146 = arith.addf %mul3A_143, %add3A_145 : vector<16x512xf32>
      %mul3A_147 = arith.mulf %add3A_146, %sub3A_123 : vector<16x512xf32>
      %mul3A_148 = vector.broadcast %div3A_115 : vector<1x512xf32> to vector<16x512xf32>
      %mul3A_149 = arith.mulf %mul3A_148, %mul3A_147 : vector<16x512xf32>
      %get3A_150 = arith.constant 0 : index
      %get3A_151 = arith.index_cast %mul3A_108 : i32 to index
      %get3A_152 = vector.load %arg3[%get3A_150, %get3A_151] : memref<1x12800xf32, #tpu.memory_space<vmem>>, vector<1x512xf32>
      %add3A_153 = vector.broadcast %get3A_152 : vector<1x512xf32> to vector<16x512xf32>
      %add3A_154 = arith.addf %mul3A_149, %add3A_153 : vector<16x512xf32>
      %swap3A_155 = arith.constant 0 : index
      %swap3A_156 = arith.index_cast %mul3A_108 : i32 to index
      %swap3A_157 = vector.load %arg6[%swap3A_155, %swap3A_156] : memref<16x12800xf32, #tpu.memory_space<vmem>>, vector<16x512xf32>
      tpu.vector_store %arg6[%swap3A_155, %swap3A_156], %add3A_154 {strides = array<i32>} : memref<16x12800xf32, #tpu.memory_space<vmem>>, vector<16x512xf32>,
      %scan3A_158 = arith.constant 3 : i32
      %scan3A_159 = arith.addi %scan3A_6, %scan3A_158 : i32
      %mul3A_160 = arith.constant 512 : i32
      %mul3A_161 = arith.muli %scan3A_159, %mul3A_160 : i32
      %get3A_162 = arith.constant 0 : index
      %get3A_163 = arith.index_cast %mul3A_161 : i32 to index
      %get3A_164 = vector.load %arg1[%get3A_162, %get3A_163] : memref<1x12800xf32, #tpu.memory_space<vmem>>, vector<1x512xf32>
      %get3A_165 = arith.constant 0 : index
      %get3A_166 = arith.index_cast %mul3A_161 : i32 to index
      %get3A_167 = vector.load %arg2[%get3A_165, %get3A_166] : memref<1x12800xf32, #tpu.memory_space<vmem>>, vector<1x512xf32>
      %div3A_168 = arith.divf %get3A_167, %get3A_164 : vector<1x512xf32>
      %mul3A_169 = vector.broadcast %get3A_1 : vector<16x1xf32> to vector<16x512xf32>
      %mul3A_170 = vector.broadcast %get3A_164 : vector<1x512xf32> to vector<16x512xf32>
      %mul3A_171 = arith.mulf %mul3A_169, %mul3A_170 : vector<16x512xf32>
      %add3A_172 = arith.constant 5.000000e-01 : f32
      %add3A_173 = vector.broadcast %add3A_172 : f32 to vector<16x512xf32>
      %add3A_174 = arith.addf %mul3A_171, %add3A_173 : vector<16x512xf32>
      %floor3A_175 = math.floor %add3A_174 : vector<16x512xf32>
      %sub3A_176 = arith.subf %mul3A_171, %floor3A_175 : vector<16x512xf32>
      %mul3A_177 = arith.mulf %sub3A_176, %sub3A_176 : vector<16x512xf32>
      %mul3A_178 = arith.constant -12.2688599 : f32
      %mul3A_179 = vector.broadcast %mul3A_178 : f32 to vector<16x512xf32>
      %mul3A_180 = arith.mulf %mul3A_179, %mul3A_177 : vector<16x512xf32>
      %add3A_181 = arith.constant 41.203743 : f32
      %add3A_182 = vector.broadcast %add3A_181 : f32 to vector<16x512xf32>
      %add3A_183 = arith.addf %mul3A_180, %add3A_182 : vector<16x512xf32>
      %mul3A_184 = arith.mulf %add3A_183, %mul3A_177 : vector<16x512xf32>
      %add3A_185 = arith.constant -76.579689 : f32
      %add3A_186 = vector.broadcast %add3A_185 : f32 to vector<16x512xf32>
      %add3A_187 = arith.addf %mul3A_184, %add3A_186 : vector<16x512xf32>
      %mul3A_188 = arith.mulf %add3A_187, %mul3A_177 : vector<16x512xf32>
      %add3A_189 = arith.constant 81.596138 : f32
      %add3A_190 = vector.broadcast %add3A_189 : f32 to vector<16x512xf32>
      %add3A_191 = arith.addf %mul3A_188, %add3A_190 : vector<16x512xf32>
      %mul3A_192 = arith.mulf %add3A_191, %mul3A_177 : vector<16x512xf32>
      %add3A_193 = arith.constant -41.3414192 : f32
      %add3A_194 = vector.broadcast %add3A_193 : f32 to vector<16x512xf32>
      %add3A_195 = arith.addf %mul3A_192, %add3A_194 : vector<16x512xf32>
      %mul3A_196 = arith.mulf %add3A_195, %mul3A_177 : vector<16x512xf32>
      %add3A_197 = arith.constant 6.28318262 : f32
      %add3A_198 = vector.broadcast %add3A_197 : f32 to vector<16x512xf32>
      %add3A_199 = arith.addf %mul3A_196, %add3A_198 : vector<16x512xf32>
      %mul3A_200 = arith.mulf %add3A_199, %sub3A_176 : vector<16x512xf32>
      %mul3A_201 = vector.broadcast %div3A_168 : vector<1x512xf32> to vector<16x512xf32>
      %mul3A_202 = arith.mulf %mul3A_201, %mul3A_200 : vector<16x512xf32>
      %get3A_203 = arith.constant 0 : index
      %get3A_204 = arith.index_cast %mul3A_161 : i32 to index
      %get3A_205 = vector.load %arg3[%get3A_203, %get3A_204] : memref<1x12800xf32, #tpu.memory_space<vmem>>, vector<1x512xf32>
      %add3A_206 = vector.broadcast %get3A_205 : vector<1x512xf32> to vector<16x512xf32>
      %add3A_207 = arith.addf %mul3A_202, %add3A_206 : vector<16x512xf32>
      %swap3A_208 = arith.constant 0 : index
      %swap3A_209 = arith.index_cast %mul3A_161 : i32 to index
      %swap3A_210 = vector.load %arg6[%swap3A_208, %swap3A_209] : memref<16x12800xf32, #tpu.memory_space<vmem>>, vector<16x512xf32>
      tpu.vector_store %arg6[%swap3A_208, %swap3A_209], %add3A_207 {strides = array<i32>} : memref<16x12800xf32, #tpu.memory_space<vmem>>, vector<16x512xf32>,
      %scan3A_211 = arith.constant 4 : i32
      %scan3A_212 = arith.addi %scan3A_6, %scan3A_211 : i32
      %mul3A_213 = arith.constant 512 : i32
      %mul3A_214 = arith.muli %scan3A_212, %mul3A_213 : i32
      %get3A_215 = arith.constant 0 : index
      %get3A_216 = arith.index_cast %mul3A_214 : i32 to index
      %get3A_217 = vector.load %arg1[%get3A_215, %get3A_216] : memref<1x12800xf32, #tpu.memory_space<vmem>>, vector<1x512xf32>
      %get3A_218 = arith.constant 0 : index
      %get3A_219 = arith.index_cast %mul3A_214 : i32 to index
      %get3A_220 = vector.load %arg2[%get3A_218, %get3A_219] : memref<1x12800xf32, #tpu.memory_space<vmem>>, vector<1x512xf32>
      %div3A_221 = arith.divf %get3A_220, %get3A_217 : vector<1x512xf32>
      %mul3A_222 = vector.broadcast %get3A_1 : vector<16x1xf32> to vector<16x512xf32>
      %mul3A_223 = vector.broadcast %get3A_217 : vector<1x512xf32> to vector<16x512xf32>
      %mul3A_224 = arith.mulf %mul3A_222, %mul3A_223 : vector<16x512xf32>
      %add3A_225 = arith.constant 5.000000e-01 : f32
      %add3A_226 = vector.broadcast %add3A_225 : f32 to vector<16x512xf32>
      %add3A_227 = arith.addf %mul3A_224, %add3A_226 : vector<16x512xf32>
      %floor3A_228 = math.floor %add3A_227 : vector<16x512xf32>
      %sub3A_229 = arith.subf %mul3A_224, %floor3A_228 : vector<16x512xf32>
      %mul3A_230 = arith.mulf %sub3A_229, %sub3A_229 : vector<16x512xf32>
      %mul3A_231 = arith.constant -12.2688599 : f32
      %mul3A_232 = vector.broadcast %mul3A_231 : f32 to vector<16x512xf32>
      %mul3A_233 = arith.mulf %mul3A_232, %mul3A_230 : vector<16x512xf32>
      %add3A_234 = arith.constant 41.203743 : f32
      %add3A_235 = vector.broadcast %add3A_234 : f32 to vector<16x512xf32>
      %add3A_236 = arith.addf %mul3A_233, %add3A_235 : vector<16x512xf32>
      %mul3A_237 = arith.mulf %add3A_236, %mul3A_230 : vector<16x512xf32>
      %add3A_238 = arith.constant -76.579689 : f32
      %add3A_239 = vector.broadcast %add3A_238 : f32 to vector<16x512xf32>
      %add3A_240 = arith.addf %mul3A_237, %add3A_239 : vector<16x512xf32>
      %mul3A_241 = arith.mulf %add3A_240, %mul3A_230 : vector<16x512xf32>
      %add3A_242 = arith.constant 81.596138 : f32
      %add3A_243 = vector.broadcast %add3A_242 : f32 to vector<16x512xf32>
      %add3A_244 = arith.addf %mul3A_241, %add3A_243 : vector<16x512xf32>
      %mul3A_245 = arith.mulf %add3A_244, %mul3A_230 : vector<16x512xf32>
      %add3A_246 = arith.constant -41.3414192 : f32
      %add3A_247 = vector.broadcast %add3A_246 : f32 to vector<16x512xf32>
      %add3A_248 = arith.addf %mul3A_245, %add3A_247 : vector<16x512xf32>
      %mul3A_249 = arith.mulf %add3A_248, %mul3A_230 : vector<16x512xf32>
      %add3A_250 = arith.constant 6.28318262 : f32
      %add3A_251 = vector.broadcast %add3A_250 : f32 to vector<16x512xf32>
      %add3A_252 = arith.addf %mul3A_249, %add3A_251 : vector<16x512xf32>
      %mul3A_253 = arith.mulf %add3A_252, %sub3A_229 : vector<16x512xf32>
      %mul3A_254 = vector.broadcast %div3A_221 : vector<1x512xf32> to vector<16x512xf32>
      %mul3A_255 = arith.mulf %mul3A_254, %mul3A_253 : vector<16x512xf32>
      %get3A_256 = arith.constant 0 : index
      %get3A_257 = arith.index_cast %mul3A_214 : i32 to index
      %get3A_258 = vector.load %arg3[%get3A_256, %get3A_257] : memref<1x12800xf32, #tpu.memory_space<vmem>>, vector<1x512xf32>
      %add3A_259 = vector.broadcast %get3A_258 : vector<1x512xf32> to vector<16x512xf32>
      %add3A_260 = arith.addf %mul3A_255, %add3A_259 : vector<16x512xf32>
      %swap3A_261 = arith.constant 0 : index
      %swap3A_262 = arith.index_cast %mul3A_214 : i32 to index
      %swap3A_263 = vector.load %arg6[%swap3A_261, %swap3A_262] : memref<16x12800xf32, #tpu.memory_space<vmem>>, vector<16x512xf32>
      tpu.vector_store %arg6[%swap3A_261, %swap3A_262], %add3A_260 {strides = array<i32>} : memref<16x12800xf32, #tpu.memory_space<vmem>>, vector<16x512xf32>,
    }
    %scan3A_5 = arith.constant 25 : i32
    return
  }
  func.func @transform_0(%arg0: i32) -> (i32, i32) {
    %c0_i32 = arith.constant 0 : i32
    %c0_i32_0 = arith.constant 0 : i32
    return %c0_i32, %arg0 : i32, i32
  }
  func.func @transform_1(%arg0: i32) -> (i32, i32) {
    %c0_i32 = arith.constant 0 : i32
    %c0_i32_0 = arith.constant 0 : i32
    return %c0_i32, %arg0 : i32, i32
  }
  func.func @transform_2(%arg0: i32) -> (i32, i32) {
    %c0_i32 = arith.constant 0 : i32
    %c0_i32_0 = arith.constant 0 : i32
    return %c0_i32, %arg0 : i32, i32
  }
  func.func @transform_3(%arg0: i32) -> (i32, i32) {
    %c0_i32 = arith.constant 0 : i32
    %c0_i32_0 = arith.constant 0 : i32
    %c0_i32_1 = arith.constant 0 : i32
    return %c0_i32, %c0_i32_0 : i32, i32
  }
  func.func @transform_5(%arg0: i32) -> (i32, i32) {
    %add3A = arith.constant 23 : i32
    %add3A_0 = arith.addi %arg0, %add3A : i32
    %c0_i32 = arith.constant 0 : i32
    %c0_i32_1 = arith.constant 0 : i32
    return %c0_i32, %add3A_0 : i32, i32
  }
}

module attributes {stable_mosaic.version = 14 : i64} {
  func.func @_tc_body_prev(%arg0: i32, %arg1: memref<1x12800xf32, #tpu.memory_space<vmem>>, %arg2: memref<1x12800xf32, #tpu.memory_space<vmem>>, %arg3: memref<1x12800xf32, #tpu.memory_space<vmem>>, %arg4: memref<16x1xf32, #tpu.memory_space<vmem>>, %arg5: memref<16x1600000xf32, #tpu.memory_space<any>>, %arg6: memref<16x12800xf32, #tpu.memory_space<vmem>>) attributes {dimension_semantics = [#tpu.dimension_semantics<arbitrary>], iteration_bounds = array<i64: 64>, scalar_prefetch = 0 : i64, scratch_operands = 0 : i64, tpu.core_type = #tpu.core_type<tc>, window_params = [{transform_indices = @transform_0, window_bounds = array<i64: 1, 12800>}, {transform_indices = @transform_1, window_bounds = array<i64: 1, 12800>}, {transform_indices = @transform_2, window_bounds = array<i64: 1, 12800>}, {pipeline_mode = #tpu.pipeline_mode<synchronous>, transform_indices = @transform_3, window_bounds = array<i64: 16, 1>}, {}, {transform_indices = @transform_5, window_bounds = array<i64: 16, 12800>}]} {
    %get3A = arith.constant 0 : index
    %get3A_0 = arith.constant 0 : index
    %get3A_1 = vector.load %arg4[%get3A, %get3A_0] : memref<16x1xf32, #tpu.memory_space<vmem>>, vector<16x1xf32>
    %scan3A = arith.constant 0 : i32
    %scan3A_2 = arith.constant 25 : i32
    %scan3A_3 = arith.addi %scan3A, %scan3A_2 : i32
    %scan3A_4 = arith.constant 5 : i32
    scf.for %scan3A_6 = %scan3A to %scan3A_3 step %scan3A_4  : i32 {
      %mul3A = arith.constant 512 : i32
      %mul3A_7 = arith.muli %scan3A_6, %mul3A : i32
      %get3A_8 = arith.constant 0 : index
      %get3A_9 = arith.index_cast %mul3A_7 : i32 to index
      %get3A_10 = vector.load %arg1[%get3A_8, %get3A_9] : memref<1x12800xf32, #tpu.memory_space<vmem>>, vector<1x512xf32>
      %get3A_11 = arith.constant 0 : index
      %get3A_12 = arith.index_cast %mul3A_7 : i32 to index
      %get3A_13 = vector.load %arg2[%get3A_11, %get3A_12] : memref<1x12800xf32, #tpu.memory_space<vmem>>, vector<1x512xf32>
      %div3A = arith.divf %get3A_13, %get3A_10 : vector<1x512xf32>
      %mul3A_14 = vector.broadcast %get3A_1 : vector<16x1xf32> to vector<16x512xf32>
      %mul3A_15 = vector.broadcast %get3A_10 : vector<1x512xf32> to vector<16x512xf32>
      %mul3A_16 = arith.mulf %mul3A_14, %mul3A_15 : vector<16x512xf32>
      %add3A = arith.constant 5.000000e-01 : f32
      %add3A_17 = vector.broadcast %add3A : f32 to vector<16x512xf32>
      %add3A_18 = arith.addf %mul3A_16, %add3A_17 : vector<16x512xf32>
      %floor3A = math.floor %add3A_18 : vector<16x512xf32>
      %sub3A = arith.subf %mul3A_16, %floor3A : vector<16x512xf32>
      %mul3A_19 = arith.mulf %sub3A, %sub3A : vector<16x512xf32>
      %mul3A_20 = arith.constant -12.2688599 : f32
      %mul3A_21 = vector.broadcast %mul3A_20 : f32 to vector<16x512xf32>
      %mul3A_22 = arith.mulf %mul3A_21, %mul3A_19 : vector<16x512xf32>
      %add3A_23 = arith.constant 41.203743 : f32
      %add3A_24 = vector.broadcast %add3A_23 : f32 to vector<16x512xf32>
      %add3A_25 = arith.addf %mul3A_22, %add3A_24 : vector<16x512xf32>
      %mul3A_26 = arith.mulf %add3A_25, %mul3A_19 : vector<16x512xf32>
      %add3A_27 = arith.constant -76.579689 : f32
      %add3A_28 = vector.broadcast %add3A_27 : f32 to vector<16x512xf32>
      %add3A_29 = arith.addf %mul3A_26, %add3A_28 : vector<16x512xf32>
      %mul3A_30 = arith.mulf %add3A_29, %mul3A_19 : vector<16x512xf32>
      %add3A_31 = arith.constant 81.596138 : f32
      %add3A_32 = vector.broadcast %add3A_31 : f32 to vector<16x512xf32>
      %add3A_33 = arith.addf %mul3A_30, %add3A_32 : vector<16x512xf32>
      %mul3A_34 = arith.mulf %add3A_33, %mul3A_19 : vector<16x512xf32>
      %add3A_35 = arith.constant -41.3414192 : f32
      %add3A_36 = vector.broadcast %add3A_35 : f32 to vector<16x512xf32>
      %add3A_37 = arith.addf %mul3A_34, %add3A_36 : vector<16x512xf32>
      %mul3A_38 = arith.mulf %add3A_37, %mul3A_19 : vector<16x512xf32>
      %add3A_39 = arith.constant 6.28318262 : f32
      %add3A_40 = vector.broadcast %add3A_39 : f32 to vector<16x512xf32>
      %add3A_41 = arith.addf %mul3A_38, %add3A_40 : vector<16x512xf32>
      %mul3A_42 = arith.mulf %add3A_41, %sub3A : vector<16x512xf32>
      %mul3A_43 = vector.broadcast %div3A : vector<1x512xf32> to vector<16x512xf32>
      %mul3A_44 = arith.mulf %mul3A_43, %mul3A_42 : vector<16x512xf32>
      %get3A_45 = arith.constant 0 : index
      %get3A_46 = arith.index_cast %mul3A_7 : i32 to index
      %get3A_47 = vector.load %arg3[%get3A_45, %get3A_46] : memref<1x12800xf32, #tpu.memory_space<vmem>>, vector<1x512xf32>
      %add3A_48 = vector.broadcast %get3A_47 : vector<1x512xf32> to vector<16x512xf32>
      %add3A_49 = arith.addf %mul3A_44, %add3A_48 : vector<16x512xf32>
      %swap3A = arith.constant 0 : index
      %swap3A_50 = arith.index_cast %mul3A_7 : i32 to index
      %swap3A_51 = vector.load %arg6[%swap3A, %swap3A_50] : memref<16x12800xf32, #tpu.memory_space<vmem>>, vector<16x512xf32>
      tpu.vector_store %arg6[%swap3A, %swap3A_50], %add3A_49 {strides = array<i32>} : memref<16x12800xf32, #tpu.memory_space<vmem>>, vector<16x512xf32>,
      %scan3A_52 = arith.constant 1 : i32
      %scan3A_53 = arith.addi %scan3A_6, %scan3A_52 : i32
      %mul3A_54 = arith.constant 512 : i32
      %mul3A_55 = arith.muli %scan3A_53, %mul3A_54 : i32
      %get3A_56 = arith.constant 0 : index
      %get3A_57 = arith.index_cast %mul3A_55 : i32 to index
      %get3A_58 = vector.load %arg1[%get3A_56, %get3A_57] : memref<1x12800xf32, #tpu.memory_space<vmem>>, vector<1x512xf32>
      %get3A_59 = arith.constant 0 : index
      %get3A_60 = arith.index_cast %mul3A_55 : i32 to index
      %get3A_61 = vector.load %arg2[%get3A_59, %get3A_60] : memref<1x12800xf32, #tpu.memory_space<vmem>>, vector<1x512xf32>
      %div3A_62 = arith.divf %get3A_61, %get3A_58 : vector<1x512xf32>
      %mul3A_63 = vector.broadcast %get3A_1 : vector<16x1xf32> to vector<16x512xf32>
      %mul3A_64 = vector.broadcast %get3A_58 : vector<1x512xf32> to vector<16x512xf32>
      %mul3A_65 = arith.mulf %mul3A_63, %mul3A_64 : vector<16x512xf32>
      %add3A_66 = arith.constant 5.000000e-01 : f32
      %add3A_67 = vector.broadcast %add3A_66 : f32 to vector<16x512xf32>
      %add3A_68 = arith.addf %mul3A_65, %add3A_67 : vector<16x512xf32>
      %floor3A_69 = math.floor %add3A_68 : vector<16x512xf32>
      %sub3A_70 = arith.subf %mul3A_65, %floor3A_69 : vector<16x512xf32>
      %mul3A_71 = arith.mulf %sub3A_70, %sub3A_70 : vector<16x512xf32>
      %mul3A_72 = arith.constant -12.2688599 : f32
      %mul3A_73 = vector.broadcast %mul3A_72 : f32 to vector<16x512xf32>
      %mul3A_74 = arith.mulf %mul3A_73, %mul3A_71 : vector<16x512xf32>
      %add3A_75 = arith.constant 41.203743 : f32
      %add3A_76 = vector.broadcast %add3A_75 : f32 to vector<16x512xf32>
      %add3A_77 = arith.addf %mul3A_74, %add3A_76 : vector<16x512xf32>
      %mul3A_78 = arith.mulf %add3A_77, %mul3A_71 : vector<16x512xf32>
      %add3A_79 = arith.constant -76.579689 : f32
      %add3A_80 = vector.broadcast %add3A_79 : f32 to vector<16x512xf32>
      %add3A_81 = arith.addf %mul3A_78, %add3A_80 : vector<16x512xf32>
      %mul3A_82 = arith.mulf %add3A_81, %mul3A_71 : vector<16x512xf32>
      %add3A_83 = arith.constant 81.596138 : f32
      %add3A_84 = vector.broadcast %add3A_83 : f32 to vector<16x512xf32>
      %add3A_85 = arith.addf %mul3A_82, %add3A_84 : vector<16x512xf32>
      %mul3A_86 = arith.mulf %add3A_85, %mul3A_71 : vector<16x512xf32>
      %add3A_87 = arith.constant -41.3414192 : f32
      %add3A_88 = vector.broadcast %add3A_87 : f32 to vector<16x512xf32>
      %add3A_89 = arith.addf %mul3A_86, %add3A_88 : vector<16x512xf32>
      %mul3A_90 = arith.mulf %add3A_89, %mul3A_71 : vector<16x512xf32>
      %add3A_91 = arith.constant 6.28318262 : f32
      %add3A_92 = vector.broadcast %add3A_91 : f32 to vector<16x512xf32>
      %add3A_93 = arith.addf %mul3A_90, %add3A_92 : vector<16x512xf32>
      %mul3A_94 = arith.mulf %add3A_93, %sub3A_70 : vector<16x512xf32>
      %mul3A_95 = vector.broadcast %div3A_62 : vector<1x512xf32> to vector<16x512xf32>
      %mul3A_96 = arith.mulf %mul3A_95, %mul3A_94 : vector<16x512xf32>
      %get3A_97 = arith.constant 0 : index
      %get3A_98 = arith.index_cast %mul3A_55 : i32 to index
      %get3A_99 = vector.load %arg3[%get3A_97, %get3A_98] : memref<1x12800xf32, #tpu.memory_space<vmem>>, vector<1x512xf32>
      %add3A_100 = vector.broadcast %get3A_99 : vector<1x512xf32> to vector<16x512xf32>
      %add3A_101 = arith.addf %mul3A_96, %add3A_100 : vector<16x512xf32>
      %swap3A_102 = arith.constant 0 : index
      %swap3A_103 = arith.index_cast %mul3A_55 : i32 to index
      %swap3A_104 = vector.load %arg6[%swap3A_102, %swap3A_103] : memref<16x12800xf32, #tpu.memory_space<vmem>>, vector<16x512xf32>
      tpu.vector_store %arg6[%swap3A_102, %swap3A_103], %add3A_101 {strides = array<i32>} : memref<16x12800xf32, #tpu.memory_space<vmem>>, vector<16x512xf32>,
      %scan3A_105 = arith.constant 2 : i32
      %scan3A_106 = arith.addi %scan3A_6, %scan3A_105 : i32
      %mul3A_107 = arith.constant 512 : i32
      %mul3A_108 = arith.muli %scan3A_106, %mul3A_107 : i32
      %get3A_109 = arith.constant 0 : index
      %get3A_110 = arith.index_cast %mul3A_108 : i32 to index
      %get3A_111 = vector.load %arg1[%get3A_109, %get3A_110] : memref<1x12800xf32, #tpu.memory_space<vmem>>, vector<1x512xf32>
      %get3A_112 = arith.constant 0 : index
      %get3A_113 = arith.index_cast %mul3A_108 : i32 to index
      %get3A_114 = vector.load %arg2[%get3A_112, %get3A_113] : memref<1x12800xf32, #tpu.memory_space<vmem>>, vector<1x512xf32>
      %div3A_115 = arith.divf %get3A_114, %get3A_111 : vector<1x512xf32>
      %mul3A_116 = vector.broadcast %get3A_1 : vector<16x1xf32> to vector<16x512xf32>
      %mul3A_117 = vector.broadcast %get3A_111 : vector<1x512xf32> to vector<16x512xf32>
      %mul3A_118 = arith.mulf %mul3A_116, %mul3A_117 : vector<16x512xf32>
      %add3A_119 = arith.constant 5.000000e-01 : f32
      %add3A_120 = vector.broadcast %add3A_119 : f32 to vector<16x512xf32>
      %add3A_121 = arith.addf %mul3A_118, %add3A_120 : vector<16x512xf32>
      %floor3A_122 = math.floor %add3A_121 : vector<16x512xf32>
      %sub3A_123 = arith.subf %mul3A_118, %floor3A_122 : vector<16x512xf32>
      %mul3A_124 = arith.mulf %sub3A_123, %sub3A_123 : vector<16x512xf32>
      %mul3A_125 = arith.constant -12.2688599 : f32
      %mul3A_126 = vector.broadcast %mul3A_125 : f32 to vector<16x512xf32>
      %mul3A_127 = arith.mulf %mul3A_126, %mul3A_124 : vector<16x512xf32>
      %add3A_128 = arith.constant 41.203743 : f32
      %add3A_129 = vector.broadcast %add3A_128 : f32 to vector<16x512xf32>
      %add3A_130 = arith.addf %mul3A_127, %add3A_129 : vector<16x512xf32>
      %mul3A_131 = arith.mulf %add3A_130, %mul3A_124 : vector<16x512xf32>
      %add3A_132 = arith.constant -76.579689 : f32
      %add3A_133 = vector.broadcast %add3A_132 : f32 to vector<16x512xf32>
      %add3A_134 = arith.addf %mul3A_131, %add3A_133 : vector<16x512xf32>
      %mul3A_135 = arith.mulf %add3A_134, %mul3A_124 : vector<16x512xf32>
      %add3A_136 = arith.constant 81.596138 : f32
      %add3A_137 = vector.broadcast %add3A_136 : f32 to vector<16x512xf32>
      %add3A_138 = arith.addf %mul3A_135, %add3A_137 : vector<16x512xf32>
      %mul3A_139 = arith.mulf %add3A_138, %mul3A_124 : vector<16x512xf32>
      %add3A_140 = arith.constant -41.3414192 : f32
      %add3A_141 = vector.broadcast %add3A_140 : f32 to vector<16x512xf32>
      %add3A_142 = arith.addf %mul3A_139, %add3A_141 : vector<16x512xf32>
      %mul3A_143 = arith.mulf %add3A_142, %mul3A_124 : vector<16x512xf32>
      %add3A_144 = arith.constant 6.28318262 : f32
      %add3A_145 = vector.broadcast %add3A_144 : f32 to vector<16x512xf32>
      %add3A_146 = arith.addf %mul3A_143, %add3A_145 : vector<16x512xf32>
      %mul3A_147 = arith.mulf %add3A_146, %sub3A_123 : vector<16x512xf32>
      %mul3A_148 = vector.broadcast %div3A_115 : vector<1x512xf32> to vector<16x512xf32>
      %mul3A_149 = arith.mulf %mul3A_148, %mul3A_147 : vector<16x512xf32>
      %get3A_150 = arith.constant 0 : index
      %get3A_151 = arith.index_cast %mul3A_108 : i32 to index
      %get3A_152 = vector.load %arg3[%get3A_150, %get3A_151] : memref<1x12800xf32, #tpu.memory_space<vmem>>, vector<1x512xf32>
      %add3A_153 = vector.broadcast %get3A_152 : vector<1x512xf32> to vector<16x512xf32>
      %add3A_154 = arith.addf %mul3A_149, %add3A_153 : vector<16x512xf32>
      %swap3A_155 = arith.constant 0 : index
      %swap3A_156 = arith.index_cast %mul3A_108 : i32 to index
      %swap3A_157 = vector.load %arg6[%swap3A_155, %swap3A_156] : memref<16x12800xf32, #tpu.memory_space<vmem>>, vector<16x512xf32>
      tpu.vector_store %arg6[%swap3A_155, %swap3A_156], %add3A_154 {strides = array<i32>} : memref<16x12800xf32, #tpu.memory_space<vmem>>, vector<16x512xf32>,
      %scan3A_158 = arith.constant 3 : i32
      %scan3A_159 = arith.addi %scan3A_6, %scan3A_158 : i32
      %mul3A_160 = arith.constant 512 : i32
      %mul3A_161 = arith.muli %scan3A_159, %mul3A_160 : i32
      %get3A_162 = arith.constant 0 : index
      %get3A_163 = arith.index_cast %mul3A_161 : i32 to index
      %get3A_164 = vector.load %arg1[%get3A_162, %get3A_163] : memref<1x12800xf32, #tpu.memory_space<vmem>>, vector<1x512xf32>
      %get3A_165 = arith.constant 0 : index
      %get3A_166 = arith.index_cast %mul3A_161 : i32 to index
      %get3A_167 = vector.load %arg2[%get3A_165, %get3A_166] : memref<1x12800xf32, #tpu.memory_space<vmem>>, vector<1x512xf32>
      %div3A_168 = arith.divf %get3A_167, %get3A_164 : vector<1x512xf32>
      %mul3A_169 = vector.broadcast %get3A_1 : vector<16x1xf32> to vector<16x512xf32>
      %mul3A_170 = vector.broadcast %get3A_164 : vector<1x512xf32> to vector<16x512xf32>
      %mul3A_171 = arith.mulf %mul3A_169, %mul3A_170 : vector<16x512xf32>
      %add3A_172 = arith.constant 5.000000e-01 : f32
      %add3A_173 = vector.broadcast %add3A_172 : f32 to vector<16x512xf32>
      %add3A_174 = arith.addf %mul3A_171, %add3A_173 : vector<16x512xf32>
      %floor3A_175 = math.floor %add3A_174 : vector<16x512xf32>
      %sub3A_176 = arith.subf %mul3A_171, %floor3A_175 : vector<16x512xf32>
      %mul3A_177 = arith.mulf %sub3A_176, %sub3A_176 : vector<16x512xf32>
      %mul3A_178 = arith.constant -12.2688599 : f32
      %mul3A_179 = vector.broadcast %mul3A_178 : f32 to vector<16x512xf32>
      %mul3A_180 = arith.mulf %mul3A_179, %mul3A_177 : vector<16x512xf32>
      %add3A_181 = arith.constant 41.203743 : f32
      %add3A_182 = vector.broadcast %add3A_181 : f32 to vector<16x512xf32>
      %add3A_183 = arith.addf %mul3A_180, %add3A_182 : vector<16x512xf32>
      %mul3A_184 = arith.mulf %add3A_183, %mul3A_177 : vector<16x512xf32>
      %add3A_185 = arith.constant -76.579689 : f32
      %add3A_186 = vector.broadcast %add3A_185 : f32 to vector<16x512xf32>
      %add3A_187 = arith.addf %mul3A_184, %add3A_186 : vector<16x512xf32>
      %mul3A_188 = arith.mulf %add3A_187, %mul3A_177 : vector<16x512xf32>
      %add3A_189 = arith.constant 81.596138 : f32
      %add3A_190 = vector.broadcast %add3A_189 : f32 to vector<16x512xf32>
      %add3A_191 = arith.addf %mul3A_188, %add3A_190 : vector<16x512xf32>
      %mul3A_192 = arith.mulf %add3A_191, %mul3A_177 : vector<16x512xf32>
      %add3A_193 = arith.constant -41.3414192 : f32
      %add3A_194 = vector.broadcast %add3A_193 : f32 to vector<16x512xf32>
      %add3A_195 = arith.addf %mul3A_192, %add3A_194 : vector<16x512xf32>
      %mul3A_196 = arith.mulf %add3A_195, %mul3A_177 : vector<16x512xf32>
      %add3A_197 = arith.constant 6.28318262 : f32
      %add3A_198 = vector.broadcast %add3A_197 : f32 to vector<16x512xf32>
      %add3A_199 = arith.addf %mul3A_196, %add3A_198 : vector<16x512xf32>
      %mul3A_200 = arith.mulf %add3A_199, %sub3A_176 : vector<16x512xf32>
      %mul3A_201 = vector.broadcast %div3A_168 : vector<1x512xf32> to vector<16x512xf32>
      %mul3A_202 = arith.mulf %mul3A_201, %mul3A_200 : vector<16x512xf32>
      %get3A_203 = arith.constant 0 : index
      %get3A_204 = arith.index_cast %mul3A_161 : i32 to index
      %get3A_205 = vector.load %arg3[%get3A_203, %get3A_204] : memref<1x12800xf32, #tpu.memory_space<vmem>>, vector<1x512xf32>
      %add3A_206 = vector.broadcast %get3A_205 : vector<1x512xf32> to vector<16x512xf32>
      %add3A_207 = arith.addf %mul3A_202, %add3A_206 : vector<16x512xf32>
      %swap3A_208 = arith.constant 0 : index
      %swap3A_209 = arith.index_cast %mul3A_161 : i32 to index
      %swap3A_210 = vector.load %arg6[%swap3A_208, %swap3A_209] : memref<16x12800xf32, #tpu.memory_space<vmem>>, vector<16x512xf32>
      tpu.vector_store %arg6[%swap3A_208, %swap3A_209], %add3A_207 {strides = array<i32>} : memref<16x12800xf32, #tpu.memory_space<vmem>>, vector<16x512xf32>,
      %scan3A_211 = arith.constant 4 : i32
      %scan3A_212 = arith.addi %scan3A_6, %scan3A_211 : i32
      %mul3A_213 = arith.constant 512 : i32
      %mul3A_214 = arith.muli %scan3A_212, %mul3A_213 : i32
      %get3A_215 = arith.constant 0 : index
      %get3A_216 = arith.index_cast %mul3A_214 : i32 to index
      %get3A_217 = vector.load %arg1[%get3A_215, %get3A_216] : memref<1x12800xf32, #tpu.memory_space<vmem>>, vector<1x512xf32>
      %get3A_218 = arith.constant 0 : index
      %get3A_219 = arith.index_cast %mul3A_214 : i32 to index
      %get3A_220 = vector.load %arg2[%get3A_218, %get3A_219] : memref<1x12800xf32, #tpu.memory_space<vmem>>, vector<1x512xf32>
      %div3A_221 = arith.divf %get3A_220, %get3A_217 : vector<1x512xf32>
      %mul3A_222 = vector.broadcast %get3A_1 : vector<16x1xf32> to vector<16x512xf32>
      %mul3A_223 = vector.broadcast %get3A_217 : vector<1x512xf32> to vector<16x512xf32>
      %mul3A_224 = arith.mulf %mul3A_222, %mul3A_223 : vector<16x512xf32>
      %add3A_225 = arith.constant 5.000000e-01 : f32
      %add3A_226 = vector.broadcast %add3A_225 : f32 to vector<16x512xf32>
      %add3A_227 = arith.addf %mul3A_224, %add3A_226 : vector<16x512xf32>
      %floor3A_228 = math.floor %add3A_227 : vector<16x512xf32>
      %sub3A_229 = arith.subf %mul3A_224, %floor3A_228 : vector<16x512xf32>
      %mul3A_230 = arith.mulf %sub3A_229, %sub3A_229 : vector<16x512xf32>
      %mul3A_231 = arith.constant -12.2688599 : f32
      %mul3A_232 = vector.broadcast %mul3A_231 : f32 to vector<16x512xf32>
      %mul3A_233 = arith.mulf %mul3A_232, %mul3A_230 : vector<16x512xf32>
      %add3A_234 = arith.constant 41.203743 : f32
      %add3A_235 = vector.broadcast %add3A_234 : f32 to vector<16x512xf32>
      %add3A_236 = arith.addf %mul3A_233, %add3A_235 : vector<16x512xf32>
      %mul3A_237 = arith.mulf %add3A_236, %mul3A_230 : vector<16x512xf32>
      %add3A_238 = arith.constant -76.579689 : f32
      %add3A_239 = vector.broadcast %add3A_238 : f32 to vector<16x512xf32>
      %add3A_240 = arith.addf %mul3A_237, %add3A_239 : vector<16x512xf32>
      %mul3A_241 = arith.mulf %add3A_240, %mul3A_230 : vector<16x512xf32>
      %add3A_242 = arith.constant 81.596138 : f32
      %add3A_243 = vector.broadcast %add3A_242 : f32 to vector<16x512xf32>
      %add3A_244 = arith.addf %mul3A_241, %add3A_243 : vector<16x512xf32>
      %mul3A_245 = arith.mulf %add3A_244, %mul3A_230 : vector<16x512xf32>
      %add3A_246 = arith.constant -41.3414192 : f32
      %add3A_247 = vector.broadcast %add3A_246 : f32 to vector<16x512xf32>
      %add3A_248 = arith.addf %mul3A_245, %add3A_247 : vector<16x512xf32>
      %mul3A_249 = arith.mulf %add3A_248, %mul3A_230 : vector<16x512xf32>
      %add3A_250 = arith.constant 6.28318262 : f32
      %add3A_251 = vector.broadcast %add3A_250 : f32 to vector<16x512xf32>
      %add3A_252 = arith.addf %mul3A_249, %add3A_251 : vector<16x512xf32>
      %mul3A_253 = arith.mulf %add3A_252, %sub3A_229 : vector<16x512xf32>
      %mul3A_254 = vector.broadcast %div3A_221 : vector<1x512xf32> to vector<16x512xf32>
      %mul3A_255 = arith.mulf %mul3A_254, %mul3A_253 : vector<16x512xf32>
      %get3A_256 = arith.constant 0 : index
      %get3A_257 = arith.index_cast %mul3A_214 : i32 to index
      %get3A_258 = vector.load %arg3[%get3A_256, %get3A_257] : memref<1x12800xf32, #tpu.memory_space<vmem>>, vector<1x512xf32>
      %add3A_259 = vector.broadcast %get3A_258 : vector<1x512xf32> to vector<16x512xf32>
      %add3A_260 = arith.addf %mul3A_255, %add3A_259 : vector<16x512xf32>
      %swap3A_261 = arith.constant 0 : index
      %swap3A_262 = arith.index_cast %mul3A_214 : i32 to index
      %swap3A_263 = vector.load %arg6[%swap3A_261, %swap3A_262] : memref<16x12800xf32, #tpu.memory_space<vmem>>, vector<16x512xf32>
      tpu.vector_store %arg6[%swap3A_261, %swap3A_262], %add3A_260 {strides = array<i32>} : memref<16x12800xf32, #tpu.memory_space<vmem>>, vector<16x512xf32>,
    }
    %scan3A_5 = arith.constant 25 : i32
    return
  }
  func.func @transform_0(%arg0: i32) -> (i32, i32) {
    %c0_i32 = arith.constant 0 : i32
    %c0_i32_0 = arith.constant 0 : i32
    return %c0_i32, %arg0 : i32, i32
  }
  func.func @transform_1(%arg0: i32) -> (i32, i32) {
    %c0_i32 = arith.constant 0 : i32
    %c0_i32_0 = arith.constant 0 : i32
    return %c0_i32, %arg0 : i32, i32
  }
  func.func @transform_2(%arg0: i32) -> (i32, i32) {
    %c0_i32 = arith.constant 0 : i32
    %c0_i32_0 = arith.constant 0 : i32
    return %c0_i32, %arg0 : i32, i32
  }
  func.func @transform_3(%arg0: i32) -> (i32, i32) {
    %c0_i32 = arith.constant 0 : i32
    %c0_i32_0 = arith.constant 0 : i32
    %c0_i32_1 = arith.constant 0 : i32
    return %c0_i32, %c0_i32_0 : i32, i32
  }
  func.func @transform_5(%arg0: i32) -> (i32, i32) {
    %add3A = arith.constant 61 : i32
    %add3A_0 = arith.addi %arg0, %add3A : i32
    %c0_i32 = arith.constant 0 : i32
    %c0_i32_1 = arith.constant 0 : i32
    return %c0_i32, %add3A_0 : i32, i32
  }
}

</mosaic_0001>

<sc_bundles>
// kernel: kernel.11.cloned.1.call-start
scs
__scs_entry_jumppad:
0x0: {  	(pc) =	sbr.rel $0x88, $3  }
0x1: {  	(tag) =	ssettag $0x0;
	lr =	simm.s32 $0x1  }
0x2: {  	[smem:$0x3F9B] =	sst lr;
	_ =	strace $0xD0000000  }
0x3: {  	_ = 	snop  }
0x4: {  	_ = 	snop  }
0x5: {  	_ = 	snop  }
0x6: {  	_ = 	snop  }
0x7: {  	_ = 	snop  }
__scs_overlays_trampoline_lowered:
0x8: {  	[smem:$0x3FAA] =	sst s0  }
0x9: {  	[smem:$0x3FAB] =	sst s1  }
0xa: {  	[smem:$0x3FAC] =	sst s2  }
0xb: {  	[smem:$0x3FAD] =	sst s3  }
0xc: {  	[smem:$0x3FAE] =	sst s4  }
0xd: {  	[smem:$0x3FAF] =	sst s5  }
0xe: {  	[smem:$0x3FB0] =	sst s6  }
0xf: {  	[smem:$0x3FB1] =	sst s7  }
0x10: {  	[smem:$0x3FB2] =	sst s8  }
0x11: {  	[smem:$0x3FB3] =	sst s9;
	s0 =	simm.s32 @!p0 $0x0  }
0x12: {  	s1 =	sld [smem:$0x3F99];
	s0 =	simm.s32 @p0 $0x1  }
0x13: {  	[smem:$0x3FB4] =	sst s0;
	s0 =	simm.s32 @!p1 $0x0  }
0x14: {  	s2 =	sld [smem:$0x3F98];
	s0 =	simm.s32 @p1 $0x1  }
0x15: {  	[smem:$0x3FB5] =	sst s0;
	s0 =	simm.s32 @!p2 $0x0  }
0x16: {  	s3 =	sld [smem:$0x3FDB];
	s0 =	simm.s32 @p2 $0x1  }
0x17: {  	s4 =	simm.s32 $0x1BF5;
	[smem:$0x3FB7] =	sst s0  }
0x18: {  	s0 =	sld [smem:$0x3F9A];
	_ =	swait.ge [sflag:s4], $0x0  }
0x19: {  	s7 =	sld [smem:$0x3F9B]  }
0x1a: {  	s8 =	sadd.s32 $0xFFFFE003, lr  }
0x1b: {  	s9 =	sadd.s32 $0xFFFFFEF7, lr;
	s5 =	simm.s32 $0xFFFFFFFF;
	p2 =	slt.u32 s8, $0xFFFFF086  }
0x1c: {  	p1 =	slt.u32 s9, $0xF7A;
	s5 =	simm.s32 @!p2 $0x0  }
0x1d: {  	s5 =	simm.s32 @p1 $0x1;
	p0 =	seq.s32 s7, s2  }
0x1e: {  	s7 =	smul.u32 @!p0 $0xF7A, s2;
	p2 =	seq.s32 @!p0 s5, $0x0  }
0x1f: {  	s9 =	smul.u32 $0xF7A, s1;
	s8 =	simm.s32 @!p0 $0x1BF5;
	p2 =	por !p2, p0  }
0x20: {  	[sflag:s8] =	ssyncset.s32 @!p0 $0xFFFFF086;
	s6 =	sadd.s32 @!p0 s3, s7;
	s7 =	simm.s32 @!p0 $0x108  }
0x21: {  	s3 =	sadd.s32 s3, s9;
	s6 =	sadd.s32 @!p0 $0x88, s6;
	s7 =	simm.s32 @p2 $0x1082  }
0x22: {  	[simem:s7], [sflag:s8] =	dma.local @!p0 [hbm:s6], $0xF7A  }
0x23: {  	s9 =	sor.u32 $0xD0000000, s2;
	s6 =	simm.s32 $0x108;
	_ =	swait.ge @!p0 [sflag:s8], $0x0  }
0x24: {  	s3 =	sadd.s32 $0x88, s3;
	s6 =	simm.s32 @!p1 $0x1082;
	[sflag:s4] =	ssyncset.s32 $0xFFFFF086  }
0x25: {  	[simem:s6], [sflag:s4] =	dma.local [hbm:s3], $0xF7A  }
0x26: {  	[smem:$0x3F9B] =	sst s1;
	(tag) =	ssettag s2;
	_ =	strace s9  }
0x27: {  	s1 =	sld [smem:$0x3FAB]  }
0x28: {  	s2 =	sld [smem:$0x3FAC]  }
0x29: {  	s4 =	sld [smem:$0x3FAE]  }
0x2a: {  	p0 =	seq.s32 s5, $0x0;
	s5 =	sld [smem:$0x3FAF]  }
0x2b: {  	s6 =	sld [smem:$0x3FB0]  }
0x2c: {  	s7 =	sld [smem:$0x3FB1]  }
0x2d: {  	s3 =	simm.s32 $0x108;
	s8 =	sld [smem:$0x3FB2]  }
0x2e: {  	s3 =	simm.s32 @!p0 $0x1082;
	s9 =	sld [smem:$0x3FB3]  }
0x2f: {  	lr =	sadd.s32 s0, s3;
	s0 =	sld [smem:$0x3FAA]  }
0x30: {  	s3 =	sld [smem:$0x3FAD]  }
0x31: {  	[smem:$0x3FB6] =	sst s10  }
0x32: {  	s10 =	sld [smem:$0x3FB4];
	_ =	sdelay $0x3  }
0x33: {  	p0 =	seq.s32 s10, $0x1;
	s10 =	sld [smem:$0x3FB6];
	_ =	sdelay $0x3  }
0x34: {  	[smem:$0x3FB6] =	sst s10  }
0x35: {  	s10 =	sld [smem:$0x3FB5];
	_ =	sdelay $0x3  }
0x36: {  	p1 =	seq.s32 s10, $0x1;
	s10 =	sld [smem:$0x3FB6];
	_ =	sdelay $0x3  }
0x37: {  	[smem:$0x3FB6] =	sst s10  }
0x38: {  	s10 =	sld [smem:$0x3FB7]  }
0x39: {  	_ = 	snop;
	(pc) =	sbr.ind lr, $3  }
0x3a: {  	_ = 	snop  }
0x3b: {  	_ = 	snop  }
0x3c: {  	p2 =	seq.s32 s10, $0x1;
	s10 =	sld [smem:$0x3FB6]  }
0x3d: {  	_ =	shalt  }
0x3e: {  	_ =	shalt  }
0x3f: {  	_ =	shalt  }
0x40: {  	_ =	shalt  }
0x41: {  	_ =	shalt  }
0x42: {  	_ =	shalt  }
0x43: {  	_ =	shalt  }
0x44: {  	_ =	shalt  }
0x45: {  	_ =	shalt  }
0x46: {  	_ =	shalt  }
0x47: {  	_ =	shalt  }
0x48: {  	_ =	shalt  }
0x49: {  	_ =	shalt  }
0x4a: {  	_ =	shalt  }
0x4b: {  	_ =	shalt  }
0x4c: {  	_ =	shalt  }
0x4d: {  	_ =	shalt  }
0x4e: {  	_ =	shalt  }
0x4f: {  	_ =	shalt  }
0x50: {  	_ =	shalt  }
0x51: {  	_ =	shalt  }
0x52: {  	_ =	shalt  }
0x53: {  	_ =	shalt  }
0x54: {  	_ =	shalt  }
0x55: {  	_ =	shalt  }
0x56: {  	_ =	shalt  }
0x57: {  	_ =	shalt  }
0x58: {  	_ =	shalt  }
0x59: {  	_ =	shalt  }
0x5a: {  	_ =	shalt  }
0x5b: {  	_ =	shalt  }
0x5c: {  	_ =	shalt  }
0x5d: {  	_ =	shalt  }
0x5e: {  	_ =	shalt  }
0x5f: {  	_ =	shalt  }
0x60: {  	_ =	shalt  }
0x61: {  	_ =	shalt  }
0x62: {  	_ =	shalt  }
0x63: {  	_ =	shalt  }
0x64: {  	_ =	shalt  }
0x65: {  	_ =	shalt  }
0x66: {  	_ =	shalt  }
0x67: {  	_ =	shalt  }
0x68: {  	_ =	shalt  }
0x69: {  	_ =	shalt  }
0x6a: {  	_ =	shalt  }
0x6b: {  	_ =	shalt  }
0x6c: {  	_ =	shalt  }
0x6d: {  	_ =	shalt  }
0x6e: {  	_ =	shalt  }
0x6f: {  	_ =	shalt  }
0x70: {  	_ =	shalt  }
0x71: {  	_ =	shalt  }
0x72: {  	_ =	shalt  }
0x73: {  	_ =	shalt  }
0x74: {  	_ =	shalt  }
0x75: {  	_ =	shalt  }
0x76: {  	_ =	shalt  }
0x77: {  	_ =	shalt  }
0x78: {  	_ =	shalt  }
0x79: {  	_ =	shalt  }
0x7a: {  	_ =	shalt  }
0x7b: {  	_ =	shalt  }
0x7c: {  	_ =	shalt  }
0x7d: {  	_ =	shalt  }
0x7e: {  	_ =	shalt  }
0x7f: {  	_ =	shalt  }
0x80: {  	_ =	shalt  }
0x81: {  	_ =	shalt  }
0x82: {  	_ =	shalt  }
0x83: {  	_ =	shalt  }
0x84: {  	_ =	shalt  }
0x85: {  	_ =	shalt  }
0x86: {  	_ =	shalt  }
0x87: {  	_ =	shalt  }
.Lfunc_end0:
.L_simem_size_0:
called_computation.1_lowered:
.L_overlay_start_0:
0x88: {  	s2 =	sld [smem:$0x3FD9]  }
0x89: {  	s3 =	sld [smem:$0x3FFE];
	_ =	sdelay $0x1  }
0x8a: {  	s1 =	srdreg.scid  }
0x8b: {  	s0 =	sand.u32 $0x1, s1  }
0x8c: {  	s17 =	sshll.u32 s0, $0xA;
	s2 =	sadd.s32 s3, s2  }
0x8d: {  	s2 =	sadd.s32 s2, s17  }
0x8e: {  	[smem:$0x3FC2] =	sst s2  }
0x8f: {  	_ = 	snop  }
0x90: {  	(tm) =	ssettm $0x1  }
0x91: {  	s18 =	sld [smem:$0x3FFB];
	_ =	sdelay $0x3  }
0x92: {  	_ =	strace s18  }
0x93: {  	s2 =	sld [smem:$0x3FFC];
	_ =	sdelay $0x3  }
0x94: {  	_ =	strace s2  }
0x95: {  	s2 =	sld [smem:$0x3FFD];
	_ =	sdelay $0x3  }
0x96: {  	_ =	strace s2  }
0x97: {  	_ =	strace $0x8FFFFFFF  }
0x98: {  	s19 =	sld [smem:$0x3FDB];
	_ =	sdelay $0x1  }
0x99: {  	s20 =	simm.s32 $_scs_section_size  }
0x9a: {  	s4 =	simm.s32 $_size__tile_overlayer_lowered;
	s5 =	simm.s32 $_tile_overlayer_lowered  }
0x9b: {  	s6 =	simm.s32 $0x1BFF;
	s21 =	sshll.u32 s5, $0x1;
	s3 =	sadd.s32 s20, s19  }
0x9c: {  	s22 =	simm.s32 $0x0;
	s4 =	sshll.u32 s4, $0x1;
	s5 =	sadd.s32 s21, s3  }
0x9d: {  	[timem:s22], [sflag:s6] =	dma.local [hbm:s5], s4  }
0x9e: {  	_ =	swait.ge [sflag:s6], s4  }
0x9f: {  	s4 =	ssub.s32 $0x0, s4;
	[sflag:s6] =	ssyncset.done $0x0  }
0xa0: {  	[sflag:s6] =	ssyncadd.s32 s4;
	_ =	sdelay $0x1  }
0xa1: {  	s23 =	simm.s32 $0x1B8B  }
0xa2: {  	_ =	swait.ge [sflag:s23], $0x1  }
0xa3: {  	[sflag:s23] =	ssyncset.done $0x0  }
0xa4: {  	[sflag:s23] =	ssyncadd.s32 $0xFFFFFFFF  }
0xa5: {  	s4 =	sld [smem:$0x0]  }
0xa6: {  	s5 =	sand.u32 $0xFFFFFFFE, s1  }
0xa7: {  	p0 =	sne.s32 s1, s5  }
0xa8: {  	s5 =	sshll.u32 @p0 s5, $0xE  }
0xa9: {  	s5 =	sadd.s32 @p0 $0x11B8D, s5;
	s6 =	sshll.u32 @p0 s4, $0x11  }
0xaa: {  	s5 =	sor.u32 @p0 s6, s5  }
0xab: {  	[sflag:s5] =	ssyncadd.remote.s32 @p0 $0x1;
	_ =	sdelay $0x1  }
0xac: {  	s5 =	simm.s32 @p0 $0x1B8D  }
0xad: {  	_ =	swait.eq @p0 [sflag:s5], $0x1  }
0xae: {  	[sflag:s5] =	ssyncadd.s32 @p0 $0xFFFFFFFF  }
0xaf: {  	s6 =	sshll.u32 @!p0 s1, $0xE  }
0xb0: {  	s6 =	sor.u32 @!p0 $0x4000, s6;
	s5 =	simm.s32 @!p0 $0x1B8D  }
0xb1: {  	s4 =	sshll.u32 @!p0 s4, $0x11;
	s6 =	sadd.s32 @!p0 $0x11B8D, s6;
	_ =	swait.eq @!p0 [sflag:s5], $0x1  }
0xb2: {  	s4 =	sor.u32 @!p0 s4, s6;
	[sflag:s5] =	ssyncadd.s32 @!p0 $0xFFFFFFFF  }
0xb3: {  	s25 =	simm.s32 $0x1B8E;
	s24 =	sld [smem:$0x3FFE];
	[sflag:s4] =	ssyncadd.remote.s32 @!p0 $0x1  }
0xb4: {  	s26 =	simm.s32 $execute0_lowered;
	[smem:$0x3FD2] =	sst s25  }
0xb5: {  	s5 =	sshll.u32 s26, $0x1;
	_ =	strace $0x80000049;
	[dreg:$0x1] =	wrdreg $0xFFFFFFFF  }
0xb6: {  	s28 =	simm.s32 $_size_execute0_lowered;
	s3 =	sadd.s32 s3, s5;
	[dreg:$0x0] =	wrdreg $0x0  }
0xb7: {  	s5 =	sshll.u32 s28, $0x1;
	[dreg:$0x2] =	wrdreg s3  }
0xb8: {  	[dreg:$0x3] =	wrdreg s5  }
0xb9: {  	[dreg:$0x4] =	wrdreg $0xC0  }
0xba: {  	_ =	task [dreg:s22], $0x5FFFF  }
0xbb: {  	[dreg:$0x1] =	wrdreg $0xFFFFFFFF  }
0xbc: {  	[dreg:$0x0] =	wrdreg $0x60  }
0xbd: {  	[dreg:$0x2] =	wrdreg s24  }
0xbe: {  	[dreg:$0x3] =	wrdreg $0xA  }
0xbf: {  	_ =	task.clear_ibuf [dreg:s22], $0x4FFFF;
	_ =	strace $0x90000049  }
0xc0: {  	s29 =	simm.s32 $0xA;
	_ =	strace $0x8000004B  }
0xc1: {  	_ =	swait.ge [sflag:s29], $0x1  }
0xc2: {  	[sflag:s29] =	ssyncadd.s32 $0xFFFFFFFF  }
0xc3: {  	_ =	strace $0x9000004B  }
0xc4: {  	_ =	sfence  }
0xc5: {  	s30 =	sld [smem:$0x0];
	_ =	sdelay $0x2  }
0xc6: {  	s31 =	sshll.u32 s1, $0xD;
	s1 =	sshrl.u32 s1, $0x2  }
0xc7: {  	s4 =	sand.u32 $0x4000, s31;
	s1 =	sadd.s32 s1, s30  }
0xc8: {  	s0 =	sor.u32 s4, s0;
	s1 =	sshll.u32 s1, $0x11  }
0xc9: {  	s0 =	sor.u32 s1, s0  }
0xca: {  	s0 =	sadd.s32 $0x8F2B, s0  }
0xcb: {  	[sflag:s0] =	ssyncadd.remote.s32 $0x1  }
0xcc: {  	_ =	sfence.sel $0xFFFF  }
0xcd: {  	[dreg:$0x0] =	wrdreg $0xFFFFFFFF;
	(pc) =	sbr.abs _section_cstart, $3  }
0xce: {  	[dreg:$0x1] =	wrdreg $0xFFFFFFFF  }
0xcf: {  	_ =	task.clear_ibuf [dreg:s22], $0x2FFFF;
	_ =	strace $0x9FFFFFFF  }
0xd0: {  	(tm) =	ssettm $0x7FFFFFFF  }
0xd1: {  	_ =	shalt  }
tec
execute0_lowered:
.L_overlay_start_1:
0x0: {  	(tag) =	ssettag $0x1  }
0x1: {  	s0 =	rddreg [dreg:$0x0];
	s2 =	simm.s32 $0x0  }
0x2: {  	s1 =	srdreg.scid;
	s3 =	stileid.u32;
	s14 =	simm.s32 $0xF000  }
0x3: {  	s15 =	simm.s32 $0x9;
	s16 =	simm.s32 $0xF600;
	s20 =	simm.s32 $0x1  }
0x4: {  	s21 =	simm.s32 $0x2;
	s24 =	simm.s32 $0x3;
	s25 =	simm.s32 $0x4  }
0x5: {  	s26 =	simm.s32 $0x9600;
	s28 =	simm.s32 $0xD200;
	s29 =	simm.s32 $0x5  }
0x6: {  	s30 =	simm.s32 $0x6;
	s31 =	simm.s32 $0x7;
	[smem:$0x7FF] =	sst s2  }
0x7: {  	s1 =	sand.u32 $0x1, s1;
	s3 =	sshll.u32 s3, $0x1;
	s7 =	sadd.s32 $0x2B600, s0  }
0x8: {  	s8 =	sadd.s32 $0x1C800, s0;
	s11 =	sadd.s32 $0x3A400, s0;
	s4 =	sor.u32 s1, s3  }
0x9: {  	_ =	strace $0x8000004A;
	s1 =	ssub.s32 $0x2, s1;
	s5 =	smul.u32 $0x3B60, s4  }
0xa: {  	s3 =	sadd.s32 $0xA400, s0;
	s4 =	sadd.s32 $0xA600, s0;
	s6 =	sshrl.u32 s1, $0x1  }
0xb: {  	s0 =	sadd.s32 $0x49200, s0;
	s1 =	ssub.s32 s1, s6;
	s10 =	sshrl.u32 s5, $0x3  }
0xc: {  	s13 =	smax.u32 s1, $0x1;
	s1 =	simm.s32 $0x0;
	s5 =	sadd.s32 s7, s10  }
0xd: {  	s12 =	sadd.s32 $0x3B6, s10;
	s6 =	sadd.s32 s8, s10;
	s9 =	sadd.s32 s11, s10  }
0xe: {  	s10 =	sadd.s32 s0, s10;
	s7 =	sadd.s32 s7, s12;
	s8 =	sadd.s32 s8, s12  }
0xf: {  	s11 =	sadd.s32 s11, s12;
	s12 =	sadd.s32 s0, s12;
	s0 =	simm.s32 $0x8  }
.LBB2_1:
0x10: {  	[tilespmem:s14], [sflag:$0x9] =	stream.linear.gather [hbm4b:s3+s2], $0x600, $0x38;
	[tilespmem:$0xFC00] =	vst v63  }
0x11: {  	_ =	swait.ge [sflag:s15], $0x600  }
0x12: {  	[sflag:s15] =	ssyncset.done $0x0  }
0x13: {  	[sflag:s15] =	ssyncadd.s32 $0xFFFFFA00  }
0x14: {  	[tilespmem:s16], [sflag:$0x9] =	stream.linear.gather [hbm4b:s4+s2], $0x600, $0x38;
	[tilespmem:$0xFC00] =	vst v63  }
0x15: {  	_ =	swait.ge [sflag:s15], $0x600  }
0x16: {  	[sflag:s15] =	ssyncset.done $0x0  }
0x17: {  	[sflag:s15] =	ssyncadd.s32 $0xFFFFFA00  }
0x18: {  	[tilespmem:s2], [sflag:$0x1] =	stream.linear.gather [hbm4b:s5+s2], $0x1DB0, $0x38;
	[tilespmem:$0xFC00] =	vst v63  }
0x19: {  	s17 =	simm.s32 $0x3C00  }
0x1a: {  	[tilespmem:s17], [sflag:$0x2] =	stream.linear.gather [hbm4b:s6+s2], $0x1DB0, $0x38;
	[tilespmem:$0xFC00] =	vst v63  }
0x1b: {  	s22 =	simm.s32 $0x1E00  }
0x1c: {  	[tilespmem:s22], [sflag:$0x3] =	stream.linear.gather [hbm4b:s7+s2], $0x1DB0, $0x38;
	[tilespmem:$0xFC00] =	vst v63  }
0x1d: {  	s23 =	simm.s32 $0x5A00  }
0x1e: {  	[tilespmem:s23], [sflag:$0x4] =	stream.linear.gather [hbm4b:s8+s2], $0x1DB0, $0x38;
	[tilespmem:$0xFC00] =	vst v63  }
0x1f: {  	_ =	swait.ge [sflag:s20], $0x1DB0  }
0x20: {  	[sflag:s20] =	ssyncset.done $0x0  }
0x21: {  	[sflag:s20] =	ssyncadd.s32 $0xFFFFE250  }
0x22: {  	s18 =	simm.s32 $0xB420;
	_ =	swait.ge [sflag:s21], $0x1DB0  }
0x23: {  	s19 =	simm.s32 $0x7820;
	s17 =	simm.s32 $0xFFFFFFFC;
	[sflag:s21] =	ssyncset.done $0x0  }
0x24: {  	s22 =	simm.s32 $0x3C20;
	s23 =	simm.s32 $0x20;
	[sflag:s21] =	ssyncadd.s32 $0xFFFFE250  }
.LBB2_2:
0x25: {  	v0 =	vld [tilespmem:s23+$0xFFFFFFE0]  }
0x26: {  	v1 =	vld [tilespmem:s22+$0xFFFFFFE0];
	_ =	sdelay $0x6  }
0x27: {  	v2 =	vld.idx.msk [tilespmem:v0+s14+$0x0], $0xffff  }
0x28: {  	v3 =	vld.idx.msk [tilespmem:v1+s14+$0x0], $0xffff;
	_ =	sdelay $0x4  }
0x29: {  	v2 =	vadd.f32 v3, v2;
	_ =	sdelay $0x1  }
0x2a: {  	[tilespmem:s19+$0xFFFFFFE0] =	vst v2  }
0x2b: {  	v0 =	vld.idx.msk [tilespmem:v0+s16+$0x0], $0xffff  }
0x2c: {  	v1 =	vld.idx.msk [tilespmem:v1+s16+$0x0], $0xffff;
	_ =	sdelay $0x4  }
0x2d: {  	v0 =	vadd.f32 v1, v0;
	_ =	sdelay $0x1  }
0x2e: {  	[tilespmem:s18+$0xFFFFFFE0] =	vst v0  }
0x2f: {  	v0 =	vld [tilespmem:s23+$0xFFFFFFF0]  }
0x30: {  	v58 =	vld [tilespmem:s22+$0xFFFFFFF0];
	_ =	sdelay $0x6  }
0x31: {  	v2 =	vld.idx.msk [tilespmem:v0+s14+$0x0], $0xffff  }
0x32: {  	v59 =	vld.idx.msk [tilespmem:v58+s14+$0x0], $0xffff;
	_ =	sdelay $0x4  }
0x33: {  	v2 =	vadd.f32 v59, v2;
	_ =	sdelay $0x1  }
0x34: {  	[tilespmem:s19+$0xFFFFFFF0] =	vst v2  }
0x35: {  	v0 =	vld.idx.msk [tilespmem:v0+s16+$0x0], $0xffff  }
0x36: {  	v1 =	vld.idx.msk [tilespmem:v58+s16+$0x0], $0xffff;
	_ =	sdelay $0x4  }
0x37: {  	v0 =	vadd.f32 v1, v0;
	_ =	sdelay $0x1  }
0x38: {  	[tilespmem:s18+$0xFFFFFFF0] =	vst v0  }
0x39: {  	v0 =	vld [tilespmem:s23+$0x0]  }
0x3a: {  	v60 =	vld [tilespmem:s22+$0x0];
	_ =	sdelay $0x6  }
0x3b: {  	v2 =	vld.idx.msk [tilespmem:v0+s14+$0x0], $0xffff  }
0x3c: {  	v61 =	vld.idx.msk [tilespmem:v60+s14+$0x0], $0xffff;
	_ =	sdelay $0x4  }
0x3d: {  	v2 =	vadd.f32 v61, v2;
	_ =	sdelay $0x1  }
0x3e: {  	[tilespmem:s19+$0x0] =	vst v2  }
0x3f: {  	v0 =	vld.idx.msk [tilespmem:v0+s16+$0x0], $0xffff  }
0x40: {  	v1 =	vld.idx.msk [tilespmem:v60+s16+$0x0], $0xffff;
	_ =	sdelay $0x4  }
0x41: {  	v0 =	vadd.f32 v1, v0;
	_ =	sdelay $0x1  }
0x42: {  	[tilespmem:s18+$0x0] =	vst v0  }
0x43: {  	v0 =	vld [tilespmem:s23+$0x10]  }
0x44: {  	v62 =	vld [tilespmem:s22+$0x10];
	_ =	sdelay $0x6  }
0x45: {  	v2 =	vld.idx.msk [tilespmem:v0+s14+$0x0], $0xffff  }
0x46: {  	v63 =	vld.idx.msk [tilespmem:v62+s14+$0x0], $0xffff;
	_ =	sdelay $0x4  }
0x47: {  	v2 =	vadd.f32 v63, v2;
	_ =	sdelay $0x1  }
0x48: {  	[tilespmem:s19+$0x10] =	vst v2  }
0x49: {  	v0 =	vld.idx.msk [tilespmem:v0+s16+$0x0], $0xffff  }
0x4a: {  	v1 =	vld.idx.msk [tilespmem:v62+s16+$0x0], $0xffff  }
0x4b: {  	s17 =	sadd.s32 $0x4, s17  }
0x4c: {  	p0 =	slt.u32 s17, $0x1D4  }
.Ltmp0:
0x4d: {  	_ = 	snop;
	(pc) =	sbr.rel @p0 .LBB2_2-.Ltmp0, $4  }
0x4e: {  	_ = 	snop  }
0x4f: {  	v0 =	vadd.f32 v1, v0  }
0x50: {  	s22 =	sadd.s32 $0x40, s22  }
0x51: {  	s23 =	sadd.s32 $0x40, s23;
	s19 =	sadd.s32 $0x40, s19;
	[tilespmem:s18+$0x10] =	vst v0;
	s18 =	sadd.s32 $0x40, s18  }
0x52: {  	v0 =	vld [tilespmem:$0x1D80]  }
0x53: {  	v1 =	vld [tilespmem:$0x5980];
	_ =	sdelay $0x6  }
0x54: {  	v2 =	vld.idx.msk [tilespmem:v0+s14+$0x0], $0xffff  }
0x55: {  	v3 =	vld.idx.msk [tilespmem:v1+s14+$0x0], $0xffff;
	_ =	sdelay $0x4  }
0x56: {  	v2 =	vadd.f32 v3, v2;
	_ =	sdelay $0x1  }
0x57: {  	v56 =	vld [tilespmem:$0x1D90];
	[tilespmem:$0x9580] =	vst v2  }
0x58: {  	v0 =	vld.idx.msk [tilespmem:v0+s16+$0x0], $0xffff  }
0x59: {  	v1 =	vld.idx.msk [tilespmem:v1+s16+$0x0], $0xffff  }
0x5a: {  	v57 =	vld [tilespmem:$0x5990];
	_ =	sdelay $0x3  }
0x5b: {  	v0 =	vadd.f32 v1, v0;
	_ =	sdelay $0x1  }
0x5c: {  	[tilespmem:$0xD180] =	vst v0  }
0x5d: {  	v0 =	vld.idx.msk [tilespmem:v56+s14+$0x0], $0xffff  }
0x5e: {  	v58 =	vld.idx.msk [tilespmem:v57+s14+$0x0], $0xffff;
	_ =	sdelay $0x4  }
0x5f: {  	v0 =	vadd.f32 v58, v0;
	_ =	sdelay $0x1  }
0x60: {  	v60 =	vld [tilespmem:$0x1DA0];
	[tilespmem:$0x9590] =	vst v0  }
0x61: {  	v0 =	vld.idx.msk [tilespmem:v56+s16+$0x0], $0xffff  }
0x62: {  	v59 =	vld.idx.msk [tilespmem:v57+s16+$0x0], $0xffff  }
0x63: {  	v61 =	vld [tilespmem:$0x59A0];
	_ =	sdelay $0x3  }
0x64: {  	v0 =	vadd.f32 v59, v0;
	_ =	sdelay $0x1  }
0x65: {  	[tilespmem:$0xD190] =	vst v0  }
0x66: {  	v0 =	vld.idx.msk [tilespmem:v60+s14+$0x0], $0xffff  }
0x67: {  	v62 =	vld.idx.msk [tilespmem:v61+s14+$0x0], $0xffff;
	_ =	sdelay $0x4  }
0x68: {  	v0 =	vadd.f32 v62, v0;
	_ =	sdelay $0x1  }
0x69: {  	[tilespmem:$0x95A0] =	vst v0  }
0x6a: {  	v0 =	vld.idx.msk [tilespmem:v60+s16+$0x0], $0xffff  }
0x6b: {  	v63 =	vld.idx.msk [tilespmem:v61+s16+$0x0], $0xffff;
	_ =	sdelay $0x4  }
0x6c: {  	v0 =	vadd.f32 v63, v0;
	_ =	sdelay $0x1  }
0x6d: {  	s17 =	simm.s32 $0x7800;
	[tilespmem:$0xD1A0] =	vst v0  }
0x6e: {  	[hbm4b:s9+s2] =	stream.linear.scatter [tilespmem:s17], [sflag:$0x5], $0x1DB0, $0x38;
	[tilespmem:$0xFC00] =	vst v63  }
0x6f: {  	s23 =	simm.s32 $0xB400  }
0x70: {  	[hbm4b:s10+s2] =	stream.linear.scatter [tilespmem:s23], [sflag:$0x6], $0x1DB0, $0x38;
	[tilespmem:$0xFC00] =	vst v63  }
0x71: {  	_ =	swait.ge [sflag:s24], $0x1DB0  }
0x72: {  	[sflag:s24] =	ssyncset.done $0x0  }
0x73: {  	[sflag:s24] =	ssyncadd.s32 $0xFFFFE250  }
0x74: {  	s18 =	simm.s32 $0xD220;
	_ =	swait.ge [sflag:s25], $0x1DB0  }
0x75: {  	s19 =	simm.s32 $0x9620;
	s22 =	simm.s32 $0x5A20;
	[sflag:s25] =	ssyncset.done $0x0  }
0x76: {  	s17 =	simm.s32 $0xFFFFFFFC;
	s23 =	simm.s32 $0x1E20;
	[sflag:s25] =	ssyncadd.s32 $0xFFFFE250  }
.LBB2_4:
0x77: {  	v0 =	vld [tilespmem:s23+$0xFFFFFFE0]  }
0x78: {  	v1 =	vld [tilespmem:s22+$0xFFFFFFE0];
	_ =	sdelay $0x6  }
0x79: {  	v2 =	vld.idx.msk [tilespmem:v0+s14+$0x0], $0xffff  }
0x7a: {  	v3 =	vld.idx.msk [tilespmem:v1+s14+$0x0], $0xffff;
	_ =	sdelay $0x4  }
0x7b: {  	v2 =	vadd.f32 v3, v2;
	_ =	sdelay $0x1  }
0x7c: {  	[tilespmem:s19+$0xFFFFFFE0] =	vst v2  }
0x7d: {  	v0 =	vld.idx.msk [tilespmem:v0+s16+$0x0], $0xffff  }
0x7e: {  	v1 =	vld.idx.msk [tilespmem:v1+s16+$0x0], $0xffff;
	_ =	sdelay $0x4  }
0x7f: {  	v0 =	vadd.f32 v1, v0;
	_ =	sdelay $0x1  }
0x80: {  	[tilespmem:s18+$0xFFFFFFE0] =	vst v0  }
0x81: {  	v0 =	vld [tilespmem:s23+$0xFFFFFFF0]  }
0x82: {  	v58 =	vld [tilespmem:s22+$0xFFFFFFF0];
	_ =	sdelay $0x6  }
0x83: {  	v2 =	vld.idx.msk [tilespmem:v0+s14+$0x0], $0xffff  }
0x84: {  	v59 =	vld.idx.msk [tilespmem:v58+s14+$0x0], $0xffff;
	_ =	sdelay $0x4  }
0x85: {  	v2 =	vadd.f32 v59, v2;
	_ =	sdelay $0x1  }
0x86: {  	[tilespmem:s19+$0xFFFFFFF0] =	vst v2  }
0x87: {  	v0 =	vld.idx.msk [tilespmem:v0+s16+$0x0], $0xffff  }
0x88: {  	v1 =	vld.idx.msk [tilespmem:v58+s16+$0x0], $0xffff;
	_ =	sdelay $0x4  }
0x89: {  	v0 =	vadd.f32 v1, v0;
	_ =	sdelay $0x1  }
0x8a: {  	[tilespmem:s18+$0xFFFFFFF0] =	vst v0  }
0x8b: {  	v0 =	vld [tilespmem:s23+$0x0]  }
0x8c: {  	v60 =	vld [tilespmem:s22+$0x0];
	_ =	sdelay $0x6  }
0x8d: {  	v2 =	vld.idx.msk [tilespmem:v0+s14+$0x0], $0xffff  }
0x8e: {  	v61 =	vld.idx.msk [tilespmem:v60+s14+$0x0], $0xffff;
	_ =	sdelay $0x4  }
0x8f: {  	v2 =	vadd.f32 v61, v2;
	_ =	sdelay $0x1  }
0x90: {  	[tilespmem:s19+$0x0] =	vst v2  }
0x91: {  	v0 =	vld.idx.msk [tilespmem:v0+s16+$0x0], $0xffff  }
0x92: {  	v1 =	vld.idx.msk [tilespmem:v60+s16+$0x0], $0xffff;
	_ =	sdelay $0x4  }
0x93: {  	v0 =	vadd.f32 v1, v0;
	_ =	sdelay $0x1  }
0x94: {  	[tilespmem:s18+$0x0] =	vst v0  }
0x95: {  	v0 =	vld [tilespmem:s23+$0x10]  }
0x96: {  	v62 =	vld [tilespmem:s22+$0x10];
	_ =	sdelay $0x6  }
0x97: {  	v2 =	vld.idx.msk [tilespmem:v0+s14+$0x0], $0xffff  }
0x98: {  	v63 =	vld.idx.msk [tilespmem:v62+s14+$0x0], $0xffff;
	_ =	sdelay $0x4  }
0x99: {  	v2 =	vadd.f32 v63, v2;
	_ =	sdelay $0x1  }
0x9a: {  	[tilespmem:s19+$0x10] =	vst v2  }
0x9b: {  	v0 =	vld.idx.msk [tilespmem:v0+s16+$0x0], $0xffff  }
0x9c: {  	v1 =	vld.idx.msk [tilespmem:v62+s16+$0x0], $0xffff  }
0x9d: {  	s17 =	sadd.s32 $0x4, s17  }
0x9e: {  	p0 =	slt.u32 s17, $0x1D4  }
.Ltmp1:
0x9f: {  	_ = 	snop;
	(pc) =	sbr.rel @p0 .LBB2_4-.Ltmp1, $4  }
0xa0: {  	_ = 	snop  }
0xa1: {  	v0 =	vadd.f32 v1, v0  }
0xa2: {  	s22 =	sadd.s32 $0x40, s22  }
0xa3: {  	s23 =	sadd.s32 $0x40, s23;
	s19 =	sadd.s32 $0x40, s19;
	[tilespmem:s18+$0x10] =	vst v0;
	s18 =	sadd.s32 $0x40, s18  }
0xa4: {  	v0 =	vld [tilespmem:$0x3B80]  }
0xa5: {  	v1 =	vld [tilespmem:$0x7780];
	_ =	sdelay $0x6  }
0xa6: {  	v2 =	vld.idx.msk [tilespmem:v0+s14+$0x0], $0xffff  }
0xa7: {  	v3 =	vld.idx.msk [tilespmem:v1+s14+$0x0], $0xffff;
	_ =	sdelay $0x4  }
0xa8: {  	v2 =	vadd.f32 v3, v2;
	_ =	sdelay $0x1  }
0xa9: {  	v56 =	vld [tilespmem:$0x3B90];
	[tilespmem:$0xB380] =	vst v2  }
0xaa: {  	v0 =	vld.idx.msk [tilespmem:v0+s16+$0x0], $0xffff  }
0xab: {  	v1 =	vld.idx.msk [tilespmem:v1+s16+$0x0], $0xffff  }
0xac: {  	v57 =	vld [tilespmem:$0x7790];
	_ =	sdelay $0x3  }
0xad: {  	v0 =	vadd.f32 v1, v0;
	_ =	sdelay $0x1  }
0xae: {  	[tilespmem:$0xEF80] =	vst v0  }
0xaf: {  	v0 =	vld.idx.msk [tilespmem:v56+s14+$0x0], $0xffff  }
0xb0: {  	v58 =	vld.idx.msk [tilespmem:v57+s14+$0x0], $0xffff;
	_ =	sdelay $0x4  }
0xb1: {  	v0 =	vadd.f32 v58, v0;
	_ =	sdelay $0x1  }
0xb2: {  	v60 =	vld [tilespmem:$0x3BA0];
	[tilespmem:$0xB390] =	vst v0  }
0xb3: {  	v0 =	vld.idx.msk [tilespmem:v56+s16+$0x0], $0xffff  }
0xb4: {  	v59 =	vld.idx.msk [tilespmem:v57+s16+$0x0], $0xffff  }
0xb5: {  	v61 =	vld [tilespmem:$0x77A0];
	_ =	sdelay $0x3  }
0xb6: {  	v0 =	vadd.f32 v59, v0;
	_ =	sdelay $0x1  }
0xb7: {  	[tilespmem:$0xEF90] =	vst v0  }
0xb8: {  	v0 =	vld.idx.msk [tilespmem:v60+s14+$0x0], $0xffff  }
0xb9: {  	v62 =	vld.idx.msk [tilespmem:v61+s14+$0x0], $0xffff;
	_ =	sdelay $0x4  }
0xba: {  	v0 =	vadd.f32 v62, v0;
	_ =	sdelay $0x1  }
0xbb: {  	[tilespmem:$0xB3A0] =	vst v0  }
0xbc: {  	v0 =	vld.idx.msk [tilespmem:v60+s16+$0x0], $0xffff  }
0xbd: {  	v63 =	vld.idx.msk [tilespmem:v61+s16+$0x0], $0xffff;
	_ =	sdelay $0x4  }
0xbe: {  	v0 =	vadd.f32 v63, v0;
	_ =	sdelay $0x1  }
0xbf: {  	[tilespmem:$0xEFA0] =	vst v0  }
0xc0: {  	[hbm4b:s11+s2] =	stream.linear.scatter [tilespmem:s26], [sflag:$0x7], $0x1DB0, $0x38;
	[tilespmem:$0xFC00] =	vst v63  }
0xc1: {  	_ = 	snop  }
0xc2: {  	[hbm4b:s12+s2] =	stream.linear.scatter [tilespmem:s28], [sflag:$0x8], $0x1DB0, $0x38;
	[tilespmem:$0xFC00] =	vst v63  }
0xc3: {  	_ =	swait.ge [sflag:s29], $0x1DB0  }
0xc4: {  	[sflag:s29] =	ssyncset.done $0x0  }
0xc5: {  	[sflag:s29] =	ssyncadd.s32 $0xFFFFE250  }
0xc6: {  	_ =	swait.ge [sflag:s30], $0x1DB0  }
0xc7: {  	[sflag:s30] =	ssyncset.done $0x0  }
0xc8: {  	s1 =	sadd.s32 $0x1, s1;
	[sflag:s30] =	ssyncadd.s32 $0xFFFFE250  }
0xc9: {  	p0 =	sne.s32 s1, s13;
	_ =	swait.ge [sflag:s31], $0x1DB0  }
.Ltmp2:
0xca: {  	[sflag:s31] =	ssyncset.done $0x0;
	(pc) =	sbr.rel @p0 .LBB2_1-.Ltmp2, $4  }
0xcb: {  	[sflag:s31] =	ssyncadd.s32 $0xFFFFE250  }
0xcc: {  	_ =	swait.ge [sflag:s0], $0x1DB0  }
0xcd: {  	[sflag:s0] =	ssyncset.done $0x0  }
0xce: {  	[sflag:s0] =	ssyncadd.s32 $0xFFFFE250  }
0xcf: {  	_ =	sfence.sel $0x180000  }
0xd0: {  	[bflag:$0x0] =	sbarrier.arrive $0xFFFF  }
0xd1: {  	_ =	strace $0x9000004A  }
0xd2: {  	s0 =	stileid.u32;
	[bflag:$0x2] =	sbarrier.arrive $0xFFFF  }
0xd3: {  	p0 =	sne.s32 s0, $0x0;
	s0 =	rddreg [dreg:$0x1]  }
0xd4: {  	s0 =	sadd.s32 @!p0 $0x100000, s0  }
0xd5: {  	[sflag:s0] =	ssyncadd.tile.s32 @!p0 $0x1;
	_ =	shalt  }
.Lfunc_end2:
_tile_overlayer_lowered:
.L_overlay_start_2:
0xd6: {  	(tag) =	ssettag $0x2  }
0xd7: {  	s0 =	rddreg [dreg:$0x0];
	s2 =	stileid.u32  }
0xd8: {  	s1 =	rddreg [dreg:$0x1];
	p0 =	sne.s32 s2, $0x0  }
0xd9: {  	s3 =	rddreg [dreg:$0x2];
	[bflag:$0x3] =	sbarrier.arrive $0xFFFF;
	s2 =	simm.s32 @!p0 $0x1C09  }
0xda: {  	[timem:s3], [sflag:s2] =	dma.local @!p0 [hbm:s0], s1  }
0xdb: {  	s0 =	simm.s32 @!p0 $0x9  }
0xdc: {  	_ =	swait.ge @!p0 [sflag:s0], s1  }
0xdd: {  	s1 =	ssub.s32 @!p0 $0x0, s1;
	[sflag:s0] =	ssyncset.done @!p0 $0x0  }
0xde: {  	[sflag:s0] =	ssyncadd.s32 @!p0 s1  }
0xdf: {  	[bflag:$0x3] =	sbarrier.arrive $0xFFFF  }
0xe0: {  	_ =	shalt  }

// kernel: kernel.14.cloned.1.call-start
scs
__scs_entry_jumppad:
0x0: {  	(pc) =	sbr.rel $0x88, $3  }
0x1: {  	(tag) =	ssettag $0x0;
	lr =	simm.s32 $0x1  }
0x2: {  	[smem:$0x3F9B] =	sst lr;
	_ =	strace $0xD0000000  }
0x3: {  	_ = 	snop  }
0x4: {  	_ = 	snop  }
0x5: {  	_ = 	snop  }
0x6: {  	_ = 	snop  }
0x7: {  	_ = 	snop  }
__scs_overlays_trampoline_lowered:
0x8: {  	[smem:$0x3FAA] =	sst s0  }
0x9: {  	[smem:$0x3FAB] =	sst s1  }
0xa: {  	[smem:$0x3FAC] =	sst s2  }
0xb: {  	[smem:$0x3FAD] =	sst s3  }
0xc: {  	[smem:$0x3FAE] =	sst s4  }
0xd: {  	[smem:$0x3FAF] =	sst s5  }
0xe: {  	[smem:$0x3FB0] =	sst s6  }
0xf: {  	[smem:$0x3FB1] =	sst s7  }
0x10: {  	[smem:$0x3FB2] =	sst s8  }
0x11: {  	[smem:$0x3FB3] =	sst s9;
	s0 =	simm.s32 @!p0 $0x0  }
0x12: {  	s1 =	sld [smem:$0x3F99];
	s0 =	simm.s32 @p0 $0x1  }
0x13: {  	[smem:$0x3FB4] =	sst s0;
	s0 =	simm.s32 @!p1 $0x0  }
0x14: {  	s2 =	sld [smem:$0x3F98];
	s0 =	simm.s32 @p1 $0x1  }
0x15: {  	[smem:$0x3FB5] =	sst s0;
	s0 =	simm.s32 @!p2 $0x0  }
0x16: {  	s3 =	sld [smem:$0x3FDB];
	s0 =	simm.s32 @p2 $0x1  }
0x17: {  	s4 =	simm.s32 $0x1BF5;
	[smem:$0x3FB7] =	sst s0  }
0x18: {  	s0 =	sld [smem:$0x3F9A];
	_ =	swait.ge [sflag:s4], $0x0  }
0x19: {  	s7 =	sld [smem:$0x3F9B]  }
0x1a: {  	s8 =	sadd.s32 $0xFFFFE003, lr  }
0x1b: {  	s9 =	sadd.s32 $0xFFFFFEF7, lr;
	s5 =	simm.s32 $0xFFFFFFFF;
	p2 =	slt.u32 s8, $0xFFFFF086  }
0x1c: {  	p1 =	slt.u32 s9, $0xF7A;
	s5 =	simm.s32 @!p2 $0x0  }
0x1d: {  	s5 =	simm.s32 @p1 $0x1;
	p0 =	seq.s32 s7, s2  }
0x1e: {  	s7 =	smul.u32 @!p0 $0xF7A, s2;
	p2 =	seq.s32 @!p0 s5, $0x0  }
0x1f: {  	s9 =	smul.u32 $0xF7A, s1;
	s8 =	simm.s32 @!p0 $0x1BF5;
	p2 =	por !p2, p0  }
0x20: {  	[sflag:s8] =	ssyncset.s32 @!p0 $0xFFFFF086;
	s6 =	sadd.s32 @!p0 s3, s7;
	s7 =	simm.s32 @!p0 $0x108  }
0x21: {  	s3 =	sadd.s32 s3, s9;
	s6 =	sadd.s32 @!p0 $0x88, s6;
	s7 =	simm.s32 @p2 $0x1082  }
0x22: {  	[simem:s7], [sflag:s8] =	dma.local @!p0 [hbm:s6], $0xF7A  }
0x23: {  	s9 =	sor.u32 $0xD0000000, s2;
	s6 =	simm.s32 $0x108;
	_ =	swait.ge @!p0 [sflag:s8], $0x0  }
0x24: {  	s3 =	sadd.s32 $0x88, s3;
	s6 =	simm.s32 @!p1 $0x1082;
	[sflag:s4] =	ssyncset.s32 $0xFFFFF086  }
0x25: {  	[simem:s6], [sflag:s4] =	dma.local [hbm:s3], $0xF7A  }
0x26: {  	[smem:$0x3F9B] =	sst s1;
	(tag) =	ssettag s2;
	_ =	strace s9  }
0x27: {  	s1 =	sld [smem:$0x3FAB]  }
0x28: {  	s2 =	sld [smem:$0x3FAC]  }
0x29: {  	s4 =	sld [smem:$0x3FAE]  }
0x2a: {  	p0 =	seq.s32 s5, $0x0;
	s5 =	sld [smem:$0x3FAF]  }
0x2b: {  	s6 =	sld [smem:$0x3FB0]  }
0x2c: {  	s7 =	sld [smem:$0x3FB1]  }
0x2d: {  	s3 =	simm.s32 $0x108;
	s8 =	sld [smem:$0x3FB2]  }
0x2e: {  	s3 =	simm.s32 @!p0 $0x1082;
	s9 =	sld [smem:$0x3FB3]  }
0x2f: {  	lr =	sadd.s32 s0, s3;
	s0 =	sld [smem:$0x3FAA]  }
0x30: {  	s3 =	sld [smem:$0x3FAD]  }
0x31: {  	[smem:$0x3FB6] =	sst s10  }
0x32: {  	s10 =	sld [smem:$0x3FB4];
	_ =	sdelay $0x3  }
0x33: {  	p0 =	seq.s32 s10, $0x1;
	s10 =	sld [smem:$0x3FB6];
	_ =	sdelay $0x3  }
0x34: {  	[smem:$0x3FB6] =	sst s10  }
0x35: {  	s10 =	sld [smem:$0x3FB5];
	_ =	sdelay $0x3  }
0x36: {  	p1 =	seq.s32 s10, $0x1;
	s10 =	sld [smem:$0x3FB6];
	_ =	sdelay $0x3  }
0x37: {  	[smem:$0x3FB6] =	sst s10  }
0x38: {  	s10 =	sld [smem:$0x3FB7]  }
0x39: {  	_ = 	snop;
	(pc) =	sbr.ind lr, $3  }
0x3a: {  	_ = 	snop  }
0x3b: {  	_ = 	snop  }
0x3c: {  	p2 =	seq.s32 s10, $0x1;
	s10 =	sld [smem:$0x3FB6]  }
0x3d: {  	_ =	shalt  }
0x3e: {  	_ =	shalt  }
0x3f: {  	_ =	shalt  }
0x40: {  	_ =	shalt  }
0x41: {  	_ =	shalt  }
0x42: {  	_ =	shalt  }
0x43: {  	_ =	shalt  }
0x44: {  	_ =	shalt  }
0x45: {  	_ =	shalt  }
0x46: {  	_ =	shalt  }
0x47: {  	_ =	shalt  }
0x48: {  	_ =	shalt  }
0x49: {  	_ =	shalt  }
0x4a: {  	_ =	shalt  }
0x4b: {  	_ =	shalt  }
0x4c: {  	_ =	shalt  }
0x4d: {  	_ =	shalt  }
0x4e: {  	_ =	shalt  }
0x4f: {  	_ =	shalt  }
0x50: {  	_ =	shalt  }
0x51: {  	_ =	shalt  }
0x52: {  	_ =	shalt  }
0x53: {  	_ =	shalt  }
0x54: {  	_ =	shalt  }
0x55: {  	_ =	shalt  }
0x56: {  	_ =	shalt  }
0x57: {  	_ =	shalt  }
0x58: {  	_ =	shalt  }
0x59: {  	_ =	shalt  }
0x5a: {  	_ =	shalt  }
0x5b: {  	_ =	shalt  }
0x5c: {  	_ =	shalt  }
0x5d: {  	_ =	shalt  }
0x5e: {  	_ =	shalt  }
0x5f: {  	_ =	shalt  }
0x60: {  	_ =	shalt  }
0x61: {  	_ =	shalt  }
0x62: {  	_ =	shalt  }
0x63: {  	_ =	shalt  }
0x64: {  	_ =	shalt  }
0x65: {  	_ =	shalt  }
0x66: {  	_ =	shalt  }
0x67: {  	_ =	shalt  }
0x68: {  	_ =	shalt  }
0x69: {  	_ =	shalt  }
0x6a: {  	_ =	shalt  }
0x6b: {  	_ =	shalt  }
0x6c: {  	_ =	shalt  }
0x6d: {  	_ =	shalt  }
0x6e: {  	_ =	shalt  }
0x6f: {  	_ =	shalt  }
0x70: {  	_ =	shalt  }
0x71: {  	_ =	shalt  }
0x72: {  	_ =	shalt  }
0x73: {  	_ =	shalt  }
0x74: {  	_ =	shalt  }
0x75: {  	_ =	shalt  }
0x76: {  	_ =	shalt  }
0x77: {  	_ =	shalt  }
0x78: {  	_ =	shalt  }
0x79: {  	_ =	shalt  }
0x7a: {  	_ =	shalt  }
0x7b: {  	_ =	shalt  }
0x7c: {  	_ =	shalt  }
0x7d: {  	_ =	shalt  }
0x7e: {  	_ =	shalt  }
0x7f: {  	_ =	shalt  }
0x80: {  	_ =	shalt  }
0x81: {  	_ =	shalt  }
0x82: {  	_ =	shalt  }
0x83: {  	_ =	shalt  }
0x84: {  	_ =	shalt  }
0x85: {  	_ =	shalt  }
0x86: {  	_ =	shalt  }
0x87: {  	_ =	shalt  }
.Lfunc_end0:
.L_simem_size_0:
called_computation.2_lowered:
.L_overlay_start_0:
0x88: {  	s2 =	sld [smem:$0x3FD9]  }
0x89: {  	s3 =	sld [smem:$0x3FFE];
	_ =	sdelay $0x1  }
0x8a: {  	s1 =	srdreg.scid  }
0x8b: {  	s0 =	sand.u32 $0x1, s1  }
0x8c: {  	s17 =	sshll.u32 s0, $0xA;
	s2 =	sadd.s32 s3, s2  }
0x8d: {  	s2 =	sadd.s32 s2, s17  }
0x8e: {  	[smem:$0x3FC2] =	sst s2  }
0x8f: {  	_ = 	snop  }
0x90: {  	(tm) =	ssettm $0x1  }
0x91: {  	s18 =	sld [smem:$0x3FFB];
	_ =	sdelay $0x3  }
0x92: {  	_ =	strace s18  }
0x93: {  	s2 =	sld [smem:$0x3FFC];
	_ =	sdelay $0x3  }
0x94: {  	_ =	strace s2  }
0x95: {  	s2 =	sld [smem:$0x3FFD];
	_ =	sdelay $0x3  }
0x96: {  	_ =	strace s2  }
0x97: {  	_ =	strace $0x8FFFFFFF  }
0x98: {  	s19 =	sld [smem:$0x3FDB];
	_ =	sdelay $0x1  }
0x99: {  	s20 =	simm.s32 $_scs_section_size  }
0x9a: {  	s4 =	simm.s32 $_size__tile_overlayer_lowered;
	s5 =	simm.s32 $_tile_overlayer_lowered  }
0x9b: {  	s6 =	simm.s32 $0x1BFF;
	s21 =	sshll.u32 s5, $0x1;
	s3 =	sadd.s32 s20, s19  }
0x9c: {  	s22 =	simm.s32 $0x0;
	s4 =	sshll.u32 s4, $0x1;
	s5 =	sadd.s32 s21, s3  }
0x9d: {  	[timem:s22], [sflag:s6] =	dma.local [hbm:s5], s4  }
0x9e: {  	_ =	swait.ge [sflag:s6], s4  }
0x9f: {  	s4 =	ssub.s32 $0x0, s4;
	[sflag:s6] =	ssyncset.done $0x0  }
0xa0: {  	[sflag:s6] =	ssyncadd.s32 s4;
	_ =	sdelay $0x1  }
0xa1: {  	s23 =	simm.s32 $0x1B8B  }
0xa2: {  	_ =	swait.ge [sflag:s23], $0x1  }
0xa3: {  	[sflag:s23] =	ssyncset.done $0x0  }
0xa4: {  	[sflag:s23] =	ssyncadd.s32 $0xFFFFFFFF  }
0xa5: {  	s4 =	sld [smem:$0x0]  }
0xa6: {  	s5 =	sand.u32 $0xFFFFFFFE, s1  }
0xa7: {  	p0 =	sne.s32 s1, s5  }
0xa8: {  	s5 =	sshll.u32 @p0 s5, $0xE  }
0xa9: {  	s5 =	sadd.s32 @p0 $0x11B8D, s5;
	s6 =	sshll.u32 @p0 s4, $0x11  }
0xaa: {  	s5 =	sor.u32 @p0 s6, s5  }
0xab: {  	[sflag:s5] =	ssyncadd.remote.s32 @p0 $0x1;
	_ =	sdelay $0x1  }
0xac: {  	s5 =	simm.s32 @p0 $0x1B8D  }
0xad: {  	_ =	swait.eq @p0 [sflag:s5], $0x1  }
0xae: {  	[sflag:s5] =	ssyncadd.s32 @p0 $0xFFFFFFFF  }
0xaf: {  	s6 =	sshll.u32 @!p0 s1, $0xE  }
0xb0: {  	s6 =	sor.u32 @!p0 $0x4000, s6;
	s5 =	simm.s32 @!p0 $0x1B8D  }
0xb1: {  	s4 =	sshll.u32 @!p0 s4, $0x11;
	s6 =	sadd.s32 @!p0 $0x11B8D, s6;
	_ =	swait.eq @!p0 [sflag:s5], $0x1  }
0xb2: {  	s4 =	sor.u32 @!p0 s4, s6;
	[sflag:s5] =	ssyncadd.s32 @!p0 $0xFFFFFFFF  }
0xb3: {  	s25 =	simm.s32 $0x1B8E;
	s24 =	sld [smem:$0x3FFE];
	[sflag:s4] =	ssyncadd.remote.s32 @!p0 $0x1  }
0xb4: {  	s26 =	simm.s32 $execute0_lowered;
	[smem:$0x3FD2] =	sst s25  }
0xb5: {  	s5 =	sshll.u32 s26, $0x1;
	_ =	strace $0x8000004C;
	[dreg:$0x1] =	wrdreg $0xFFFFFFFF  }
0xb6: {  	s28 =	simm.s32 $_size_execute0_lowered;
	s3 =	sadd.s32 s3, s5;
	[dreg:$0x0] =	wrdreg $0x0  }
0xb7: {  	s5 =	sshll.u32 s28, $0x1;
	[dreg:$0x2] =	wrdreg s3  }
0xb8: {  	[dreg:$0x3] =	wrdreg s5  }
0xb9: {  	[dreg:$0x4] =	wrdreg $0xC0  }
0xba: {  	_ =	task [dreg:s22], $0x5FFFF  }
0xbb: {  	[dreg:$0x1] =	wrdreg $0xFFFFFFFF  }
0xbc: {  	[dreg:$0x0] =	wrdreg $0x60  }
0xbd: {  	[dreg:$0x2] =	wrdreg s24  }
0xbe: {  	[dreg:$0x3] =	wrdreg $0xB  }
0xbf: {  	_ =	task.clear_ibuf [dreg:s22], $0x4FFFF;
	_ =	strace $0x9000004C  }
0xc0: {  	s29 =	simm.s32 $0xB;
	_ =	strace $0x8000004E  }
0xc1: {  	_ =	swait.ge [sflag:s29], $0x1  }
0xc2: {  	[sflag:s29] =	ssyncadd.s32 $0xFFFFFFFF  }
0xc3: {  	_ =	strace $0x9000004E  }
0xc4: {  	_ =	sfence  }
0xc5: {  	s30 =	sld [smem:$0x0];
	_ =	sdelay $0x2  }
0xc6: {  	s31 =	sshll.u32 s1, $0xD;
	s1 =	sshrl.u32 s1, $0x2  }
0xc7: {  	s4 =	sand.u32 $0x4000, s31;
	s1 =	sadd.s32 s1, s30  }
0xc8: {  	s0 =	sor.u32 s4, s0;
	s1 =	sshll.u32 s1, $0x11  }
0xc9: {  	s0 =	sor.u32 s1, s0  }
0xca: {  	s0 =	sadd.s32 $0x8F2B, s0  }
0xcb: {  	[sflag:s0] =	ssyncadd.remote.s32 $0x1  }
0xcc: {  	_ =	sfence.sel $0xFFFF  }
0xcd: {  	[dreg:$0x0] =	wrdreg $0xFFFFFFFF;
	(pc) =	sbr.abs _section_cstart, $3  }
0xce: {  	[dreg:$0x1] =	wrdreg $0xFFFFFFFF  }
0xcf: {  	_ =	task.clear_ibuf [dreg:s22], $0x2FFFF;
	_ =	strace $0x9FFFFFFF  }
0xd0: {  	(tm) =	ssettm $0x7FFFFFFF  }
0xd1: {  	_ =	shalt  }
tec
execute0_lowered:
.L_overlay_start_1:
0x0: {  	(tag) =	ssettag $0x1  }
0x1: {  	s0 =	rddreg [dreg:$0x0];
	s2 =	simm.s32 $0x0;
	s1 =	srdreg.scid  }
0x2: {  	s3 =	stileid.u32;
	s28 =	simm.s32 $0x4B00;
	s29 =	simm.s32 $0x1  }
0x3: {  	s30 =	simm.s32 $0x2;
	s31 =	simm.s32 $0x6400;
	s10 =	simm.s32 $0x0  }
0x4: {  	[smem:$0x7FF] =	sst s2;
	s1 =	sand.u32 $0x1, s1;
	s3 =	sshll.u32 s3, $0x1  }
0x5: {  	s4 =	sadd.s32 $0x71000, s0;
	s5 =	sadd.s32 $0x58000, s0;
	s6 =	sadd.s32 $0xA400, s0  }
0x6: {  	s14 =	sadd.s32 $0xA600, s0;
	s15 =	sadd.s32 $0x8A000, s0;
	s3 =	sor.u32 s1, s3  }
0x7: {  	_ =	strace $0x8000004D;
	[dreg:$0x2] =	wrdreg s6;
	s3 =	smul.u32 $0x6400, s3  }
0x8: {  	s0 =	sadd.s32 $0xA3000, s0;
	s1 =	ssub.s32 $0x2, s1;
	[dreg:$0x3] =	wrdreg s14  }
0x9: {  	s6 =	simm.s32 $0x5;
	s7 =	sshrl.u32 s1, $0x1;
	s3 =	sshrl.u32 s3, $0x3  }
0xa: {  	s1 =	ssub.s32 s1, s7;
	s18 =	sadd.s32 s4, s3;
	s19 =	sadd.s32 s5, s3  }
0xb: {  	s20 =	sadd.s32 $0x320, s3;
	s22 =	sadd.s32 $0x640, s3;
	[dreg:$0x4] =	wrdreg s18  }
0xc: {  	s9 =	sadd.s32 s15, s3;
	s23 =	sadd.s32 s0, s3;
	[dreg:$0x5] =	wrdreg s19  }
0xd: {  	s3 =	sadd.s32 $0x960, s3;
	s8 =	sadd.s32 s4, s20;
	[dreg:$0x8] =	wrdreg s9  }
0xe: {  	s21 =	sadd.s32 s5, s20;
	[dreg:$0x9] =	wrdreg s23;
	s24 =	sadd.s32 s4, s22  }
0xf: {  	s25 =	sadd.s32 s5, s22;
	s26 =	sadd.s32 s15, s20;
	s7 =	sadd.s32 s0, s20  }
0x10: {  	s4 =	sadd.s32 s4, s3;
	s16 =	sadd.s32 s5, s3;
	[dreg:$0x6] =	wrdreg s8  }
0x11: {  	s17 =	sadd.s32 s15, s22;
	s18 =	sadd.s32 s0, s22;
	[dreg:$0x7] =	wrdreg s21  }
0x12: {  	s19 =	sadd.s32 s15, s3;
	s20 =	sadd.s32 s0, s3;
	[dreg:$0xa] =	wrdreg s24  }
0x13: {  	s22 =	simm.s32 $0xC800;
	s23 =	simm.s32 $0x9;
	[dreg:$0xb] =	wrdreg s25  }
0x14: {  	s0 =	simm.s32 $0x9600;
	s3 =	simm.s32 $0x4;
	[dreg:$0xc] =	wrdreg s26  }
0x15: {  	s5 =	simm.s32 $0xAF00;
	s9 =	simm.s32 $0x8;
	[dreg:$0xd] =	wrdreg s7  }
0x16: {  	[dreg:$0xe] =	wrdreg s4;
	s21 =	smax.u32 s1, $0x1;
	s24 =	simm.s32 $0xCE00  }
0x17: {  	s25 =	simm.s32 $0x3200;
	s26 =	simm.s32 $0x1900;
	s1 =	simm.s32 $0x3  }
0x18: {  	s4 =	simm.s32 $0x7D00;
	s7 =	simm.s32 $0x6;
	s8 =	simm.s32 $0x7  }
.LBB2_1:
0x19: {  	s11 =	rddreg [dreg:$0x2]  }
0x1a: {  	[tilespmem:s22], [sflag:$0x9] =	stream.linear.gather [hbm4b:s11+s2], $0x600, $0x38;
	[tilespmem:$0xD400] =	vst v63  }
0x1b: {  	_ =	swait.ge [sflag:s23], $0x600  }
0x1c: {  	[sflag:s23] =	ssyncset.done $0x0  }
0x1d: {  	s15 =	rddreg [dreg:$0x3];
	[sflag:s23] =	ssyncadd.s32 $0xFFFFFA00  }
0x1e: {  	[tilespmem:s24], [sflag:$0x9] =	stream.linear.gather [hbm4b:s15+s2], $0x600, $0x38;
	[tilespmem:$0xD400] =	vst v63  }
0x1f: {  	_ =	swait.ge [sflag:s23], $0x600  }
0x20: {  	[sflag:s23] =	ssyncset.done $0x0  }
0x21: {  	s12 =	rddreg [dreg:$0x4];
	[sflag:s23] =	ssyncadd.s32 $0xFFFFFA00  }
0x22: {  	[tilespmem:s2], [sflag:$0x1] =	stream.linear.gather [hbm4b:s12+s2], $0x1900, $0x38;
	[tilespmem:$0xD400] =	vst v63  }
0x23: {  	s13 =	rddreg [dreg:$0x5]  }
0x24: {  	[tilespmem:s25], [sflag:$0x2] =	stream.linear.gather [hbm4b:s13+s2], $0x1900, $0x38;
	[tilespmem:$0xD400] =	vst v63  }
0x25: {  	s14 =	rddreg [dreg:$0x6]  }
0x26: {  	[tilespmem:s26], [sflag:$0x3] =	stream.linear.gather [hbm4b:s14+s2], $0x1900, $0x38;
	[tilespmem:$0xD400] =	vst v63  }
0x27: {  	s15 =	rddreg [dreg:$0x7]  }
0x28: {  	[tilespmem:s28], [sflag:$0x4] =	stream.linear.gather [hbm4b:s15+s2], $0x1900, $0x38;
	[tilespmem:$0xD400] =	vst v63  }
0x29: {  	_ =	swait.ge [sflag:s29], $0x1900  }
0x2a: {  	[sflag:s29] =	ssyncset.done $0x0  }
0x2b: {  	[sflag:s29] =	ssyncadd.s32 $0xFFFFE700  }
0x2c: {  	s11 =	simm.s32 $0xFFFFFFFC;
	_ =	swait.ge [sflag:s30], $0x1900  }
0x2d: {  	s12 =	simm.s32 $0x9620;
	s13 =	simm.s32 $0x6420;
	[sflag:s30] =	ssyncset.done $0x0  }
0x2e: {  	s14 =	simm.s32 $0x3220;
	s15 =	simm.s32 $0x20;
	[sflag:s30] =	ssyncadd.s32 $0xFFFFE700  }
.LBB2_2:
0x2f: {  	v0 =	vld [tilespmem:s15+$0xFFFFFFE0]  }
0x30: {  	v1 =	vld [tilespmem:s14+$0xFFFFFFE0];
	_ =	sdelay $0x6  }
0x31: {  	v2 =	vld.idx.msk [tilespmem:v0+s22+$0x0], $0xffff  }
0x32: {  	v3 =	vld.idx.msk [tilespmem:v1+s22+$0x0], $0xffff;
	_ =	sdelay $0x4  }
0x33: {  	v2 =	vadd.f32 v3, v2;
	_ =	sdelay $0x1  }
0x34: {  	[tilespmem:s13+$0xFFFFFFE0] =	vst v2  }
0x35: {  	v0 =	vld.idx.msk [tilespmem:v0+s24+$0x0], $0xffff  }
0x36: {  	v1 =	vld.idx.msk [tilespmem:v1+s24+$0x0], $0xffff;
	_ =	sdelay $0x4  }
0x37: {  	v0 =	vadd.f32 v1, v0;
	_ =	sdelay $0x1  }
0x38: {  	[tilespmem:s12+$0xFFFFFFE0] =	vst v0  }
0x39: {  	v0 =	vld [tilespmem:s15+$0xFFFFFFF0]  }
0x3a: {  	v58 =	vld [tilespmem:s14+$0xFFFFFFF0];
	_ =	sdelay $0x6  }
0x3b: {  	v2 =	vld.idx.msk [tilespmem:v0+s22+$0x0], $0xffff  }
0x3c: {  	v59 =	vld.idx.msk [tilespmem:v58+s22+$0x0], $0xffff;
	_ =	sdelay $0x4  }
0x3d: {  	v2 =	vadd.f32 v59, v2;
	_ =	sdelay $0x1  }
0x3e: {  	[tilespmem:s13+$0xFFFFFFF0] =	vst v2  }
0x3f: {  	v0 =	vld.idx.msk [tilespmem:v0+s24+$0x0], $0xffff  }
0x40: {  	v1 =	vld.idx.msk [tilespmem:v58+s24+$0x0], $0xffff;
	_ =	sdelay $0x4  }
0x41: {  	v0 =	vadd.f32 v1, v0;
	_ =	sdelay $0x1  }
0x42: {  	[tilespmem:s12+$0xFFFFFFF0] =	vst v0  }
0x43: {  	v0 =	vld [tilespmem:s15+$0x0]  }
0x44: {  	v60 =	vld [tilespmem:s14+$0x0];
	_ =	sdelay $0x6  }
0x45: {  	v2 =	vld.idx.msk [tilespmem:v0+s22+$0x0], $0xffff  }
0x46: {  	v61 =	vld.idx.msk [tilespmem:v60+s22+$0x0], $0xffff;
	_ =	sdelay $0x4  }
0x47: {  	v2 =	vadd.f32 v61, v2;
	_ =	sdelay $0x1  }
0x48: {  	[tilespmem:s13+$0x0] =	vst v2  }
0x49: {  	v0 =	vld.idx.msk [tilespmem:v0+s24+$0x0], $0xffff  }
0x4a: {  	v1 =	vld.idx.msk [tilespmem:v60+s24+$0x0], $0xffff;
	_ =	sdelay $0x4  }
0x4b: {  	v0 =	vadd.f32 v1, v0;
	_ =	sdelay $0x1  }
0x4c: {  	[tilespmem:s12+$0x0] =	vst v0  }
0x4d: {  	v0 =	vld [tilespmem:s15+$0x10]  }
0x4e: {  	v62 =	vld [tilespmem:s14+$0x10];
	_ =	sdelay $0x6  }
0x4f: {  	v2 =	vld.idx.msk [tilespmem:v0+s22+$0x0], $0xffff  }
0x50: {  	v63 =	vld.idx.msk [tilespmem:v62+s22+$0x0], $0xffff;
	_ =	sdelay $0x4  }
0x51: {  	v2 =	vadd.f32 v63, v2;
	_ =	sdelay $0x1  }
0x52: {  	[tilespmem:s13+$0x10] =	vst v2  }
0x53: {  	v0 =	vld.idx.msk [tilespmem:v0+s24+$0x0], $0xffff  }
0x54: {  	v1 =	vld.idx.msk [tilespmem:v62+s24+$0x0], $0xffff  }
0x55: {  	s11 =	sadd.s32 $0x4, s11  }
0x56: {  	p0 =	slt.u32 s11, $0x18C  }
.Ltmp0:
0x57: {  	_ = 	snop;
	(pc) =	sbr.rel @p0 .LBB2_2-.Ltmp0, $4  }
0x58: {  	_ = 	snop  }
0x59: {  	v0 =	vadd.f32 v1, v0  }
0x5a: {  	s14 =	sadd.s32 $0x40, s14  }
0x5b: {  	s15 =	sadd.s32 $0x40, s15;
	s13 =	sadd.s32 $0x40, s13;
	[tilespmem:s12+$0x10] =	vst v0;
	s12 =	sadd.s32 $0x40, s12  }
0x5c: {  	s11 =	rddreg [dreg:$0x8]  }
0x5d: {  	[hbm4b:s11+s2] =	stream.linear.scatter [tilespmem:s31], [sflag:$0x5], $0x1900, $0x38;
	[tilespmem:$0xD400] =	vst v63  }
0x5e: {  	s13 =	rddreg [dreg:$0x9]  }
0x5f: {  	[hbm4b:s13+s2] =	stream.linear.scatter [tilespmem:s0], [sflag:$0x6], $0x1900, $0x38;
	[tilespmem:$0xD400] =	vst v63  }
0x60: {  	s14 =	rddreg [dreg:$0xa]  }
0x61: {  	[tilespmem:s2], [sflag:$0x1] =	stream.linear.gather [hbm4b:s14+s2], $0x1900, $0x38;
	[tilespmem:$0xD400] =	vst v63  }
0x62: {  	s15 =	rddreg [dreg:$0xb]  }
0x63: {  	[tilespmem:s25], [sflag:$0x2] =	stream.linear.gather [hbm4b:s15+s2], $0x1900, $0x38;
	[tilespmem:$0xD400] =	vst v63  }
0x64: {  	_ =	swait.ge [sflag:s1], $0x1900  }
0x65: {  	[sflag:s1] =	ssyncset.done $0x0  }
0x66: {  	[sflag:s1] =	ssyncadd.s32 $0xFFFFE700  }
0x67: {  	s12 =	simm.s32 $0xAF20;
	_ =	swait.ge [sflag:s3], $0x1900  }
0x68: {  	s11 =	simm.s32 $0xFFFFFFFC;
	s13 =	simm.s32 $0x7D20;
	[sflag:s3] =	ssyncset.done $0x0  }
0x69: {  	s14 =	simm.s32 $0x4B20;
	s15 =	simm.s32 $0x1920;
	[sflag:s3] =	ssyncadd.s32 $0xFFFFE700  }
.LBB2_4:
0x6a: {  	v0 =	vld [tilespmem:s15+$0xFFFFFFE0]  }
0x6b: {  	v1 =	vld [tilespmem:s14+$0xFFFFFFE0];
	_ =	sdelay $0x6  }
0x6c: {  	v2 =	vld.idx.msk [tilespmem:v0+s22+$0x0], $0xffff  }
0x6d: {  	v3 =	vld.idx.msk [tilespmem:v1+s22+$0x0], $0xffff;
	_ =	sdelay $0x4  }
0x6e: {  	v2 =	vadd.f32 v3, v2;
	_ =	sdelay $0x1  }
0x6f: {  	[tilespmem:s13+$0xFFFFFFE0] =	vst v2  }
0x70: {  	v0 =	vld.idx.msk [tilespmem:v0+s24+$0x0], $0xffff  }
0x71: {  	v1 =	vld.idx.msk [tilespmem:v1+s24+$0x0], $0xffff;
	_ =	sdelay $0x4  }
0x72: {  	v0 =	vadd.f32 v1, v0;
	_ =	sdelay $0x1  }
0x73: {  	[tilespmem:s12+$0xFFFFFFE0] =	vst v0  }
0x74: {  	v0 =	vld [tilespmem:s15+$0xFFFFFFF0]  }
0x75: {  	v58 =	vld [tilespmem:s14+$0xFFFFFFF0];
	_ =	sdelay $0x6  }
0x76: {  	v2 =	vld.idx.msk [tilespmem:v0+s22+$0x0], $0xffff  }
0x77: {  	v59 =	vld.idx.msk [tilespmem:v58+s22+$0x0], $0xffff;
	_ =	sdelay $0x4  }
0x78: {  	v2 =	vadd.f32 v59, v2;
	_ =	sdelay $0x1  }
0x79: {  	[tilespmem:s13+$0xFFFFFFF0] =	vst v2  }
0x7a: {  	v0 =	vld.idx.msk [tilespmem:v0+s24+$0x0], $0xffff  }
0x7b: {  	v1 =	vld.idx.msk [tilespmem:v58+s24+$0x0], $0xffff;
	_ =	sdelay $0x4  }
0x7c: {  	v0 =	vadd.f32 v1, v0;
	_ =	sdelay $0x1  }
0x7d: {  	[tilespmem:s12+$0xFFFFFFF0] =	vst v0  }
0x7e: {  	v0 =	vld [tilespmem:s15+$0x0]  }
0x7f: {  	v60 =	vld [tilespmem:s14+$0x0];
	_ =	sdelay $0x6  }
0x80: {  	v2 =	vld.idx.msk [tilespmem:v0+s22+$0x0], $0xffff  }
0x81: {  	v61 =	vld.idx.msk [tilespmem:v60+s22+$0x0], $0xffff;
	_ =	sdelay $0x4  }
0x82: {  	v2 =	vadd.f32 v61, v2;
	_ =	sdelay $0x1  }
0x83: {  	[tilespmem:s13+$0x0] =	vst v2  }
0x84: {  	v0 =	vld.idx.msk [tilespmem:v0+s24+$0x0], $0xffff  }
0x85: {  	v1 =	vld.idx.msk [tilespmem:v60+s24+$0x0], $0xffff;
	_ =	sdelay $0x4  }
0x86: {  	v0 =	vadd.f32 v1, v0;
	_ =	sdelay $0x1  }
0x87: {  	[tilespmem:s12+$0x0] =	vst v0  }
0x88: {  	v0 =	vld [tilespmem:s15+$0x10]  }
0x89: {  	v62 =	vld [tilespmem:s14+$0x10];
	_ =	sdelay $0x6  }
0x8a: {  	v2 =	vld.idx.msk [tilespmem:v0+s22+$0x0], $0xffff  }
0x8b: {  	v63 =	vld.idx.msk [tilespmem:v62+s22+$0x0], $0xffff;
	_ =	sdelay $0x4  }
0x8c: {  	v2 =	vadd.f32 v63, v2;
	_ =	sdelay $0x1  }
0x8d: {  	[tilespmem:s13+$0x10] =	vst v2  }
0x8e: {  	v0 =	vld.idx.msk [tilespmem:v0+s24+$0x0], $0xffff  }
0x8f: {  	v1 =	vld.idx.msk [tilespmem:v62+s24+$0x0], $0xffff  }
0x90: {  	s11 =	sadd.s32 $0x4, s11  }
0x91: {  	p0 =	slt.u32 s11, $0x18C  }
.Ltmp1:
0x92: {  	_ = 	snop;
	(pc) =	sbr.rel @p0 .LBB2_4-.Ltmp1, $4  }
0x93: {  	_ = 	snop  }
0x94: {  	v0 =	vadd.f32 v1, v0  }
0x95: {  	s14 =	sadd.s32 $0x40, s14  }
0x96: {  	s15 =	sadd.s32 $0x40, s15;
	s13 =	sadd.s32 $0x40, s13;
	[tilespmem:s12+$0x10] =	vst v0;
	s12 =	sadd.s32 $0x40, s12  }
0x97: {  	s11 =	rddreg [dreg:$0xc]  }
0x98: {  	[hbm4b:s11+s2] =	stream.linear.scatter [tilespmem:s4], [sflag:$0x7], $0x1900, $0x38;
	[tilespmem:$0xD400] =	vst v63  }
0x99: {  	s14 =	rddreg [dreg:$0xd]  }
0x9a: {  	[hbm4b:s14+s2] =	stream.linear.scatter [tilespmem:s5], [sflag:$0x8], $0x1900, $0x38;
	[tilespmem:$0xD400] =	vst v63  }
0x9b: {  	s15 =	rddreg [dreg:$0xe]  }
0x9c: {  	[tilespmem:s26], [sflag:$0x3] =	stream.linear.gather [hbm4b:s15+s2], $0x1900, $0x38;
	[tilespmem:$0xD400] =	vst v63  }
0x9d: {  	_ = 	snop  }
0x9e: {  	[tilespmem:s28], [sflag:$0x4] =	stream.linear.gather [hbm4b:s16+s2], $0x1900, $0x38;
	[tilespmem:$0xD400] =	vst v63  }
0x9f: {  	_ =	swait.ge [sflag:s29], $0x1900  }
0xa0: {  	[sflag:s29] =	ssyncset.done $0x0  }
0xa1: {  	[sflag:s29] =	ssyncadd.s32 $0xFFFFE700  }
0xa2: {  	_ =	swait.ge [sflag:s30], $0x1900  }
0xa3: {  	[sflag:s30] =	ssyncset.done $0x0  }
0xa4: {  	[sflag:s30] =	ssyncadd.s32 $0xFFFFE700  }
0xa5: {  	_ =	swait.ge [sflag:s6], $0x1900  }
0xa6: {  	[sflag:s6] =	ssyncset.done $0x0  }
0xa7: {  	[sflag:s6] =	ssyncadd.s32 $0xFFFFE700  }
0xa8: {  	s12 =	simm.s32 $0x9620;
	_ =	swait.ge [sflag:s7], $0x1900  }
0xa9: {  	s13 =	simm.s32 $0x6420;
	s11 =	simm.s32 $0xFFFFFFFC;
	[sflag:s7] =	ssyncset.done $0x0  }
0xaa: {  	s14 =	simm.s32 $0x3220;
	s15 =	simm.s32 $0x20;
	[sflag:s7] =	ssyncadd.s32 $0xFFFFE700  }
.LBB2_6:
0xab: {  	v0 =	vld [tilespmem:s15+$0xFFFFFFE0]  }
0xac: {  	v1 =	vld [tilespmem:s14+$0xFFFFFFE0];
	_ =	sdelay $0x6  }
0xad: {  	v2 =	vld.idx.msk [tilespmem:v0+s22+$0x0], $0xffff  }
0xae: {  	v3 =	vld.idx.msk [tilespmem:v1+s22+$0x0], $0xffff;
	_ =	sdelay $0x4  }
0xaf: {  	v2 =	vadd.f32 v3, v2;
	_ =	sdelay $0x1  }
0xb0: {  	[tilespmem:s13+$0xFFFFFFE0] =	vst v2  }
0xb1: {  	v0 =	vld.idx.msk [tilespmem:v0+s24+$0x0], $0xffff  }
0xb2: {  	v1 =	vld.idx.msk [tilespmem:v1+s24+$0x0], $0xffff;
	_ =	sdelay $0x4  }
0xb3: {  	v0 =	vadd.f32 v1, v0;
	_ =	sdelay $0x1  }
0xb4: {  	[tilespmem:s12+$0xFFFFFFE0] =	vst v0  }
0xb5: {  	v0 =	vld [tilespmem:s15+$0xFFFFFFF0]  }
0xb6: {  	v58 =	vld [tilespmem:s14+$0xFFFFFFF0];
	_ =	sdelay $0x6  }
0xb7: {  	v2 =	vld.idx.msk [tilespmem:v0+s22+$0x0], $0xffff  }
0xb8: {  	v59 =	vld.idx.msk [tilespmem:v58+s22+$0x0], $0xffff;
	_ =	sdelay $0x4  }
0xb9: {  	v2 =	vadd.f32 v59, v2;
	_ =	sdelay $0x1  }
0xba: {  	[tilespmem:s13+$0xFFFFFFF0] =	vst v2  }
0xbb: {  	v0 =	vld.idx.msk [tilespmem:v0+s24+$0x0], $0xffff  }
0xbc: {  	v1 =	vld.idx.msk [tilespmem:v58+s24+$0x0], $0xffff;
	_ =	sdelay $0x4  }
0xbd: {  	v0 =	vadd.f32 v1, v0;
	_ =	sdelay $0x1  }
0xbe: {  	[tilespmem:s12+$0xFFFFFFF0] =	vst v0  }
0xbf: {  	v0 =	vld [tilespmem:s15+$0x0]  }
0xc0: {  	v60 =	vld [tilespmem:s14+$0x0];
	_ =	sdelay $0x6  }
0xc1: {  	v2 =	vld.idx.msk [tilespmem:v0+s22+$0x0], $0xffff  }
0xc2: {  	v61 =	vld.idx.msk [tilespmem:v60+s22+$0x0], $0xffff;
	_ =	sdelay $0x4  }
0xc3: {  	v2 =	vadd.f32 v61, v2;
	_ =	sdelay $0x1  }
0xc4: {  	[tilespmem:s13+$0x0] =	vst v2  }
0xc5: {  	v0 =	vld.idx.msk [tilespmem:v0+s24+$0x0], $0xffff  }
0xc6: {  	v1 =	vld.idx.msk [tilespmem:v60+s24+$0x0], $0xffff;
	_ =	sdelay $0x4  }
0xc7: {  	v0 =	vadd.f32 v1, v0;
	_ =	sdelay $0x1  }
0xc8: {  	[tilespmem:s12+$0x0] =	vst v0  }
0xc9: {  	v0 =	vld [tilespmem:s15+$0x10]  }
0xca: {  	v62 =	vld [tilespmem:s14+$0x10];
	_ =	sdelay $0x6  }
0xcb: {  	v2 =	vld.idx.msk [tilespmem:v0+s22+$0x0], $0xffff  }
0xcc: {  	v63 =	vld.idx.msk [tilespmem:v62+s22+$0x0], $0xffff;
	_ =	sdelay $0x4  }
0xcd: {  	v2 =	vadd.f32 v63, v2;
	_ =	sdelay $0x1  }
0xce: {  	[tilespmem:s13+$0x10] =	vst v2  }
0xcf: {  	v0 =	vld.idx.msk [tilespmem:v0+s24+$0x0], $0xffff  }
0xd0: {  	v1 =	vld.idx.msk [tilespmem:v62+s24+$0x0], $0xffff  }
0xd1: {  	s11 =	sadd.s32 $0x4, s11  }
0xd2: {  	p0 =	slt.u32 s11, $0x18C  }
.Ltmp2:
0xd3: {  	_ = 	snop;
	(pc) =	sbr.rel @p0 .LBB2_6-.Ltmp2, $4  }
0xd4: {  	_ = 	snop  }
0xd5: {  	v0 =	vadd.f32 v1, v0  }
0xd6: {  	s14 =	sadd.s32 $0x40, s14  }
0xd7: {  	s15 =	sadd.s32 $0x40, s15;
	s13 =	sadd.s32 $0x40, s13;
	[tilespmem:s12+$0x10] =	vst v0;
	s12 =	sadd.s32 $0x40, s12  }
0xd8: {  	[hbm4b:s17+s2] =	stream.linear.scatter [tilespmem:s31], [sflag:$0x5], $0x1900, $0x38;
	[tilespmem:$0xD400] =	vst v63  }
0xd9: {  	_ = 	snop  }
0xda: {  	[hbm4b:s18+s2] =	stream.linear.scatter [tilespmem:s0], [sflag:$0x6], $0x1900, $0x38;
	[tilespmem:$0xD400] =	vst v63  }
0xdb: {  	_ =	swait.ge [sflag:s1], $0x1900  }
0xdc: {  	[sflag:s1] =	ssyncset.done $0x0  }
0xdd: {  	[sflag:s1] =	ssyncadd.s32 $0xFFFFE700  }
0xde: {  	_ =	swait.ge [sflag:s3], $0x1900  }
0xdf: {  	[sflag:s3] =	ssyncset.done $0x0  }
0xe0: {  	[sflag:s3] =	ssyncadd.s32 $0xFFFFE700  }
0xe1: {  	_ =	swait.ge [sflag:s8], $0x1900  }
0xe2: {  	[sflag:s8] =	ssyncset.done $0x0  }
0xe3: {  	[sflag:s8] =	ssyncadd.s32 $0xFFFFE700  }
0xe4: {  	s11 =	simm.s32 $0xFFFFFFFC;
	_ =	swait.ge [sflag:s9], $0x1900  }
0xe5: {  	s12 =	simm.s32 $0xAF20;
	s13 =	simm.s32 $0x7D20;
	[sflag:s9] =	ssyncset.done $0x0  }
0xe6: {  	s14 =	simm.s32 $0x4B20;
	s15 =	simm.s32 $0x1920;
	[sflag:s9] =	ssyncadd.s32 $0xFFFFE700  }
.LBB2_8:
0xe7: {  	v0 =	vld [tilespmem:s15+$0xFFFFFFE0]  }
0xe8: {  	v1 =	vld [tilespmem:s14+$0xFFFFFFE0];
	_ =	sdelay $0x6  }
0xe9: {  	v2 =	vld.idx.msk [tilespmem:v0+s22+$0x0], $0xffff  }
0xea: {  	v3 =	vld.idx.msk [tilespmem:v1+s22+$0x0], $0xffff;
	_ =	sdelay $0x4  }
0xeb: {  	v2 =	vadd.f32 v3, v2;
	_ =	sdelay $0x1  }
0xec: {  	[tilespmem:s13+$0xFFFFFFE0] =	vst v2  }
0xed: {  	v0 =	vld.idx.msk [tilespmem:v0+s24+$0x0], $0xffff  }
0xee: {  	v1 =	vld.idx.msk [tilespmem:v1+s24+$0x0], $0xffff;
	_ =	sdelay $0x4  }
0xef: {  	v0 =	vadd.f32 v1, v0;
	_ =	sdelay $0x1  }
0xf0: {  	[tilespmem:s12+$0xFFFFFFE0] =	vst v0  }
0xf1: {  	v0 =	vld [tilespmem:s15+$0xFFFFFFF0]  }
0xf2: {  	v58 =	vld [tilespmem:s14+$0xFFFFFFF0];
	_ =	sdelay $0x6  }
0xf3: {  	v2 =	vld.idx.msk [tilespmem:v0+s22+$0x0], $0xffff  }
0xf4: {  	v59 =	vld.idx.msk [tilespmem:v58+s22+$0x0], $0xffff;
	_ =	sdelay $0x4  }
0xf5: {  	v2 =	vadd.f32 v59, v2;
	_ =	sdelay $0x1  }
0xf6: {  	[tilespmem:s13+$0xFFFFFFF0] =	vst v2  }
0xf7: {  	v0 =	vld.idx.msk [tilespmem:v0+s24+$0x0], $0xffff  }
0xf8: {  	v1 =	vld.idx.msk [tilespmem:v58+s24+$0x0], $0xffff;
	_ =	sdelay $0x4  }
0xf9: {  	v0 =	vadd.f32 v1, v0;
	_ =	sdelay $0x1  }
0xfa: {  	[tilespmem:s12+$0xFFFFFFF0] =	vst v0  }
0xfb: {  	v0 =	vld [tilespmem:s15+$0x0]  }
0xfc: {  	v60 =	vld [tilespmem:s14+$0x0];
	_ =	sdelay $0x6  }
0xfd: {  	v2 =	vld.idx.msk [tilespmem:v0+s22+$0x0], $0xffff  }
0xfe: {  	v61 =	vld.idx.msk [tilespmem:v60+s22+$0x0], $0xffff;
	_ =	sdelay $0x4  }
0xff: {  	v2 =	vadd.f32 v61, v2;
	_ =	sdelay $0x1  }
0x100: {  	[tilespmem:s13+$0x0] =	vst v2  }
0x101: {  	v0 =	vld.idx.msk [tilespmem:v0+s24+$0x0], $0xffff  }
0x102: {  	v1 =	vld.idx.msk [tilespmem:v60+s24+$0x0], $0xffff;
	_ =	sdelay $0x4  }
0x103: {  	v0 =	vadd.f32 v1, v0;
	_ =	sdelay $0x1  }
0x104: {  	[tilespmem:s12+$0x0] =	vst v0  }
0x105: {  	v0 =	vld [tilespmem:s15+$0x10]  }
0x106: {  	v62 =	vld [tilespmem:s14+$0x10];
	_ =	sdelay $0x6  }
0x107: {  	v2 =	vld.idx.msk [tilespmem:v0+s22+$0x0], $0xffff  }
0x108: {  	v63 =	vld.idx.msk [tilespmem:v62+s22+$0x0], $0xffff;
	_ =	sdelay $0x4  }
0x109: {  	v2 =	vadd.f32 v63, v2;
	_ =	sdelay $0x1  }
0x10a: {  	[tilespmem:s13+$0x10] =	vst v2  }
0x10b: {  	v0 =	vld.idx.msk [tilespmem:v0+s24+$0x0], $0xffff  }
0x10c: {  	v1 =	vld.idx.msk [tilespmem:v62+s24+$0x0], $0xffff  }
0x10d: {  	s11 =	sadd.s32 $0x4, s11  }
0x10e: {  	p0 =	slt.u32 s11, $0x18C  }
.Ltmp3:
0x10f: {  	_ = 	snop;
	(pc) =	sbr.rel @p0 .LBB2_8-.Ltmp3, $4  }
0x110: {  	_ = 	snop  }
0x111: {  	v0 =	vadd.f32 v1, v0  }
0x112: {  	s14 =	sadd.s32 $0x40, s14  }
0x113: {  	s15 =	sadd.s32 $0x40, s15;
	s13 =	sadd.s32 $0x40, s13;
	[tilespmem:s12+$0x10] =	vst v0;
	s12 =	sadd.s32 $0x40, s12  }
0x114: {  	[hbm4b:s19+s2] =	stream.linear.scatter [tilespmem:s4], [sflag:$0x7], $0x1900, $0x38;
	[tilespmem:$0xD400] =	vst v63  }
0x115: {  	_ = 	snop  }
0x116: {  	[hbm4b:s20+s2] =	stream.linear.scatter [tilespmem:s5], [sflag:$0x8], $0x1900, $0x38;
	[tilespmem:$0xD400] =	vst v63  }
0x117: {  	_ =	swait.ge [sflag:s6], $0x1900  }
0x118: {  	[sflag:s6] =	ssyncset.done $0x0  }
0x119: {  	[sflag:s6] =	ssyncadd.s32 $0xFFFFE700  }
0x11a: {  	_ =	swait.ge [sflag:s7], $0x1900  }
0x11b: {  	[sflag:s7] =	ssyncset.done $0x0  }
0x11c: {  	s10 =	sadd.s32 $0x1, s10;
	[sflag:s7] =	ssyncadd.s32 $0xFFFFE700  }
0x11d: {  	p0 =	sne.s32 s10, s21;
	_ =	swait.ge [sflag:s8], $0x1900  }
.Ltmp4:
0x11e: {  	[sflag:s8] =	ssyncset.done $0x0;
	(pc) =	sbr.rel @p0 .LBB2_1-.Ltmp4, $4  }
0x11f: {  	[sflag:s8] =	ssyncadd.s32 $0xFFFFE700  }
0x120: {  	_ =	swait.ge [sflag:s9], $0x1900  }
0x121: {  	[sflag:s9] =	ssyncset.done $0x0  }
0x122: {  	[sflag:s9] =	ssyncadd.s32 $0xFFFFE700  }
0x123: {  	_ =	sfence.sel $0x180000  }
0x124: {  	[bflag:$0x0] =	sbarrier.arrive $0xFFFF  }
0x125: {  	_ =	strace $0x9000004D  }
0x126: {  	s0 =	stileid.u32;
	[bflag:$0x2] =	sbarrier.arrive $0xFFFF  }
0x127: {  	p0 =	sne.s32 s0, $0x0;
	s0 =	rddreg [dreg:$0x1]  }
0x128: {  	s0 =	sadd.s32 @!p0 $0x100000, s0  }
0x129: {  	[sflag:s0] =	ssyncadd.tile.s32 @!p0 $0x1;
	_ =	shalt  }
.Lfunc_end2:
_tile_overlayer_lowered:
.L_overlay_start_2:
0x12a: {  	(tag) =	ssettag $0x2  }
0x12b: {  	s0 =	rddreg [dreg:$0x0];
	s2 =	stileid.u32  }
0x12c: {  	s1 =	rddreg [dreg:$0x1];
	p0 =	sne.s32 s2, $0x0  }
0x12d: {  	s3 =	rddreg [dreg:$0x2];
	[bflag:$0x3] =	sbarrier.arrive $0xFFFF;
	s2 =	simm.s32 @!p0 $0x1C09  }
0x12e: {  	[timem:s3], [sflag:s2] =	dma.local @!p0 [hbm:s0], s1  }
0x12f: {  	s0 =	simm.s32 @!p0 $0x9  }
0x130: {  	_ =	swait.ge @!p0 [sflag:s0], s1  }
0x131: {  	s1 =	ssub.s32 @!p0 $0x0, s1;
	[sflag:s0] =	ssyncset.done @!p0 $0x0  }
0x132: {  	[sflag:s0] =	ssyncadd.s32 @!p0 s1  }
0x133: {  	[bflag:$0x3] =	sbarrier.arrive $0xFFFF  }
0x134: {  	_ =	shalt  }

// kernel: kernel.8.cloned.1.call-start
scs
__scs_entry_jumppad:
0x0: {  	(pc) =	sbr.rel $0x88, $3  }
0x1: {  	(tag) =	ssettag $0x0;
	lr =	simm.s32 $0x1  }
0x2: {  	[smem:$0x3F9B] =	sst lr;
	_ =	strace $0xD0000000  }
0x3: {  	_ = 	snop  }
0x4: {  	_ = 	snop  }
0x5: {  	_ = 	snop  }
0x6: {  	_ = 	snop  }
0x7: {  	_ = 	snop  }
__scs_overlays_trampoline_lowered:
0x8: {  	[smem:$0x3FAA] =	sst s0  }
0x9: {  	[smem:$0x3FAB] =	sst s1  }
0xa: {  	[smem:$0x3FAC] =	sst s2  }
0xb: {  	[smem:$0x3FAD] =	sst s3  }
0xc: {  	[smem:$0x3FAE] =	sst s4  }
0xd: {  	[smem:$0x3FAF] =	sst s5  }
0xe: {  	[smem:$0x3FB0] =	sst s6  }
0xf: {  	[smem:$0x3FB1] =	sst s7  }
0x10: {  	[smem:$0x3FB2] =	sst s8  }
0x11: {  	[smem:$0x3FB3] =	sst s9;
	s0 =	simm.s32 @!p0 $0x0  }
0x12: {  	s1 =	sld [smem:$0x3F99];
	s0 =	simm.s32 @p0 $0x1  }
0x13: {  	[smem:$0x3FB4] =	sst s0;
	s0 =	simm.s32 @!p1 $0x0  }
0x14: {  	s2 =	sld [smem:$0x3F98];
	s0 =	simm.s32 @p1 $0x1  }
0x15: {  	[smem:$0x3FB5] =	sst s0;
	s0 =	simm.s32 @!p2 $0x0  }
0x16: {  	s3 =	sld [smem:$0x3FDB];
	s0 =	simm.s32 @p2 $0x1  }
0x17: {  	s4 =	simm.s32 $0x1BF5;
	[smem:$0x3FB7] =	sst s0  }
0x18: {  	s0 =	sld [smem:$0x3F9A];
	_ =	swait.ge [sflag:s4], $0x0  }
0x19: {  	s7 =	sld [smem:$0x3F9B]  }
0x1a: {  	s8 =	sadd.s32 $0xFFFFE003, lr  }
0x1b: {  	s9 =	sadd.s32 $0xFFFFFEF7, lr;
	s5 =	simm.s32 $0xFFFFFFFF;
	p2 =	slt.u32 s8, $0xFFFFF086  }
0x1c: {  	p1 =	slt.u32 s9, $0xF7A;
	s5 =	simm.s32 @!p2 $0x0  }
0x1d: {  	s5 =	simm.s32 @p1 $0x1;
	p0 =	seq.s32 s7, s2  }
0x1e: {  	s7 =	smul.u32 @!p0 $0xF7A, s2;
	p2 =	seq.s32 @!p0 s5, $0x0  }
0x1f: {  	s9 =	smul.u32 $0xF7A, s1;
	s8 =	simm.s32 @!p0 $0x1BF5;
	p2 =	por !p2, p0  }
0x20: {  	[sflag:s8] =	ssyncset.s32 @!p0 $0xFFFFF086;
	s6 =	sadd.s32 @!p0 s3, s7;
	s7 =	simm.s32 @!p0 $0x108  }
0x21: {  	s3 =	sadd.s32 s3, s9;
	s6 =	sadd.s32 @!p0 $0x88, s6;
	s7 =	simm.s32 @p2 $0x1082  }
0x22: {  	[simem:s7], [sflag:s8] =	dma.local @!p0 [hbm:s6], $0xF7A  }
0x23: {  	s9 =	sor.u32 $0xD0000000, s2;
	s6 =	simm.s32 $0x108;
	_ =	swait.ge @!p0 [sflag:s8], $0x0  }
0x24: {  	s3 =	sadd.s32 $0x88, s3;
	s6 =	simm.s32 @!p1 $0x1082;
	[sflag:s4] =	ssyncset.s32 $0xFFFFF086  }
0x25: {  	[simem:s6], [sflag:s4] =	dma.local [hbm:s3], $0xF7A  }
0x26: {  	[smem:$0x3F9B] =	sst s1;
	(tag) =	ssettag s2;
	_ =	strace s9  }
0x27: {  	s1 =	sld [smem:$0x3FAB]  }
0x28: {  	s2 =	sld [smem:$0x3FAC]  }
0x29: {  	s4 =	sld [smem:$0x3FAE]  }
0x2a: {  	p0 =	seq.s32 s5, $0x0;
	s5 =	sld [smem:$0x3FAF]  }
0x2b: {  	s6 =	sld [smem:$0x3FB0]  }
0x2c: {  	s7 =	sld [smem:$0x3FB1]  }
0x2d: {  	s3 =	simm.s32 $0x108;
	s8 =	sld [smem:$0x3FB2]  }
0x2e: {  	s3 =	simm.s32 @!p0 $0x1082;
	s9 =	sld [smem:$0x3FB3]  }
0x2f: {  	lr =	sadd.s32 s0, s3;
	s0 =	sld [smem:$0x3FAA]  }
0x30: {  	s3 =	sld [smem:$0x3FAD]  }
0x31: {  	[smem:$0x3FB6] =	sst s10  }
0x32: {  	s10 =	sld [smem:$0x3FB4];
	_ =	sdelay $0x3  }
0x33: {  	p0 =	seq.s32 s10, $0x1;
	s10 =	sld [smem:$0x3FB6];
	_ =	sdelay $0x3  }
0x34: {  	[smem:$0x3FB6] =	sst s10  }
0x35: {  	s10 =	sld [smem:$0x3FB5];
	_ =	sdelay $0x3  }
0x36: {  	p1 =	seq.s32 s10, $0x1;
	s10 =	sld [smem:$0x3FB6];
	_ =	sdelay $0x3  }
0x37: {  	[smem:$0x3FB6] =	sst s10  }
0x38: {  	s10 =	sld [smem:$0x3FB7]  }
0x39: {  	_ = 	snop;
	(pc) =	sbr.ind lr, $3  }
0x3a: {  	_ = 	snop  }
0x3b: {  	_ = 	snop  }
0x3c: {  	p2 =	seq.s32 s10, $0x1;
	s10 =	sld [smem:$0x3FB6]  }
0x3d: {  	_ =	shalt  }
0x3e: {  	_ =	shalt  }
0x3f: {  	_ =	shalt  }
0x40: {  	_ =	shalt  }
0x41: {  	_ =	shalt  }
0x42: {  	_ =	shalt  }
0x43: {  	_ =	shalt  }
0x44: {  	_ =	shalt  }
0x45: {  	_ =	shalt  }
0x46: {  	_ =	shalt  }
0x47: {  	_ =	shalt  }
0x48: {  	_ =	shalt  }
0x49: {  	_ =	shalt  }
0x4a: {  	_ =	shalt  }
0x4b: {  	_ =	shalt  }
0x4c: {  	_ =	shalt  }
0x4d: {  	_ =	shalt  }
0x4e: {  	_ =	shalt  }
0x4f: {  	_ =	shalt  }
0x50: {  	_ =	shalt  }
0x51: {  	_ =	shalt  }
0x52: {  	_ =	shalt  }
0x53: {  	_ =	shalt  }
0x54: {  	_ =	shalt  }
0x55: {  	_ =	shalt  }
0x56: {  	_ =	shalt  }
0x57: {  	_ =	shalt  }
0x58: {  	_ =	shalt  }
0x59: {  	_ =	shalt  }
0x5a: {  	_ =	shalt  }
0x5b: {  	_ =	shalt  }
0x5c: {  	_ =	shalt  }
0x5d: {  	_ =	shalt  }
0x5e: {  	_ =	shalt  }
0x5f: {  	_ =	shalt  }
0x60: {  	_ =	shalt  }
0x61: {  	_ =	shalt  }
0x62: {  	_ =	shalt  }
0x63: {  	_ =	shalt  }
0x64: {  	_ =	shalt  }
0x65: {  	_ =	shalt  }
0x66: {  	_ =	shalt  }
0x67: {  	_ =	shalt  }
0x68: {  	_ =	shalt  }
0x69: {  	_ =	shalt  }
0x6a: {  	_ =	shalt  }
0x6b: {  	_ =	shalt  }
0x6c: {  	_ =	shalt  }
0x6d: {  	_ =	shalt  }
0x6e: {  	_ =	shalt  }
0x6f: {  	_ =	shalt  }
0x70: {  	_ =	shalt  }
0x71: {  	_ =	shalt  }
0x72: {  	_ =	shalt  }
0x73: {  	_ =	shalt  }
0x74: {  	_ =	shalt  }
0x75: {  	_ =	shalt  }
0x76: {  	_ =	shalt  }
0x77: {  	_ =	shalt  }
0x78: {  	_ =	shalt  }
0x79: {  	_ =	shalt  }
0x7a: {  	_ =	shalt  }
0x7b: {  	_ =	shalt  }
0x7c: {  	_ =	shalt  }
0x7d: {  	_ =	shalt  }
0x7e: {  	_ =	shalt  }
0x7f: {  	_ =	shalt  }
0x80: {  	_ =	shalt  }
0x81: {  	_ =	shalt  }
0x82: {  	_ =	shalt  }
0x83: {  	_ =	shalt  }
0x84: {  	_ =	shalt  }
0x85: {  	_ =	shalt  }
0x86: {  	_ =	shalt  }
0x87: {  	_ =	shalt  }
.Lfunc_end0:
.L_simem_size_0:
called_computation_lowered:
.L_overlay_start_0:
0x88: {  	s2 =	sld [smem:$0x3FD9]  }
0x89: {  	s3 =	sld [smem:$0x3FFE];
	_ =	sdelay $0x1  }
0x8a: {  	s1 =	srdreg.scid  }
0x8b: {  	s0 =	sand.u32 $0x1, s1  }
0x8c: {  	s17 =	sshll.u32 s0, $0xA;
	s2 =	sadd.s32 s3, s2  }
0x8d: {  	s2 =	sadd.s32 s2, s17  }
0x8e: {  	[smem:$0x3FC2] =	sst s2  }
0x8f: {  	_ = 	snop  }
0x90: {  	s2 =	sld [smem:$0x3FD0];
	(tm) =	ssettm $0x1  }
0x91: {  	s18 =	sld [smem:$0x3FFB];
	_ =	sdelay $0x3  }
0x92: {  	_ =	strace s18  }
0x93: {  	s3 =	sld [smem:$0x3FFC];
	_ =	sdelay $0x3  }
0x94: {  	_ =	strace s3  }
0x95: {  	s3 =	sld [smem:$0x3FFD];
	_ =	sdelay $0x3  }
0x96: {  	_ =	strace s3  }
0x97: {  	_ =	strace $0x8FFFFFFF  }
0x98: {  	s19 =	sld [smem:$0x3FDB];
	_ =	sdelay $0x1  }
0x99: {  	s4 =	simm.s32 $_scs_section_size  }
0x9a: {  	s5 =	simm.s32 $_size__tile_overlayer_lowered;
	s6 =	simm.s32 $_tile_overlayer_lowered  }
0x9b: {  	s22 =	simm.s32 $0x1BFF;
	s21 =	sshll.u32 s6, $0x1;
	s3 =	sadd.s32 s4, s19  }
0x9c: {  	s7 =	simm.s32 $0x0;
	s20 =	sshll.u32 s5, $0x1;
	s5 =	sadd.s32 s21, s3  }
0x9d: {  	[timem:s7], [sflag:s22] =	dma.local [hbm:s5], s20  }
0x9e: {  	_ =	swait.ge [sflag:s22], s20  }
0x9f: {  	s4 =	ssub.s32 $0x0, s20;
	[sflag:s22] =	ssyncset.done $0x0  }
0xa0: {  	[sflag:s22] =	ssyncadd.s32 s4;
	_ =	sdelay $0x1  }
0xa1: {  	s23 =	simm.s32 $0x1B8B  }
0xa2: {  	_ =	swait.ge [sflag:s23], $0x1  }
0xa3: {  	[sflag:s23] =	ssyncset.done $0x0  }
0xa4: {  	s25 =	simm.s32 $0x1B8E;
	s24 =	sld [smem:$0x3FFE];
	[sflag:s23] =	ssyncadd.s32 $0xFFFFFFFF  }
0xa5: {  	s26 =	simm.s32 $execute0_lowered;
	[smem:$0x3FD2] =	sst s25  }
0xa6: {  	s5 =	sshll.u32 s26, $0x1;
	_ =	strace $0x80000046;
	[dreg:$0x1] =	wrdreg $0xFFFFFFFF  }
0xa7: {  	s28 =	simm.s32 $_size_execute0_lowered;
	s3 =	sadd.s32 s3, s5;
	[dreg:$0x0] =	wrdreg $0x0  }
0xa8: {  	s5 =	sshll.u32 s28, $0x1;
	[dreg:$0x2] =	wrdreg s3  }
0xa9: {  	[dreg:$0x3] =	wrdreg s5  }
0xaa: {  	[dreg:$0x4] =	wrdreg $0xC0  }
0xab: {  	_ =	task [dreg:s7], $0x5FFFF  }
0xac: {  	[dreg:$0x1] =	wrdreg $0xFFFFFFFF  }
0xad: {  	[dreg:$0x0] =	wrdreg $0x60  }
0xae: {  	[dreg:$0x2] =	wrdreg s24  }
0xaf: {  	[dreg:$0x3] =	wrdreg s2  }
0xb0: {  	[dreg:$0x4] =	wrdreg $0x9  }
0xb1: {  	_ =	task.clear_ibuf [dreg:s7], $0x5FFFF;
	_ =	strace $0x90000046  }
0xb2: {  	s29 =	simm.s32 $0x9;
	_ =	strace $0x80000048  }
0xb3: {  	_ =	swait.ge [sflag:s29], $0x1  }
0xb4: {  	[sflag:s29] =	ssyncadd.s32 $0xFFFFFFFF  }
0xb5: {  	_ =	strace $0x90000048  }
0xb6: {  	_ =	sfence  }
0xb7: {  	s30 =	sld [smem:$0x0];
	_ =	sdelay $0x2  }
0xb8: {  	s31 =	sshll.u32 s1, $0xD;
	s1 =	sshrl.u32 s1, $0x2  }
0xb9: {  	s3 =	sand.u32 $0x4000, s31;
	s1 =	sadd.s32 s1, s30  }
0xba: {  	s0 =	sor.u32 s3, s0;
	s1 =	sshll.u32 s1, $0x11  }
0xbb: {  	s0 =	sor.u32 s1, s0  }
0xbc: {  	s0 =	sadd.s32 $0x8F2B, s0  }
0xbd: {  	[sflag:s0] =	ssyncadd.remote.s32 $0x1  }
0xbe: {  	_ =	sfence.sel $0xFFFF  }
0xbf: {  	[dreg:$0x0] =	wrdreg $0xFFFFFFFF;
	(pc) =	sbr.abs _section_cstart, $3  }
0xc0: {  	[dreg:$0x1] =	wrdreg $0xFFFFFFFF  }
0xc1: {  	_ =	task.clear_ibuf [dreg:s7], $0x2FFFF;
	_ =	strace $0x9FFFFFFF  }
0xc2: {  	(tm) =	ssettm $0x7FFFFFFF  }
0xc3: {  	_ =	shalt  }
tec
execute0_lowered:
.L_overlay_start_1:
0x0: {  	(tag) =	ssettag $0x1  }
0x1: {  	s4 =	rddreg [dreg:$0x0];
	s1 =	srdreg.scid  }
0x2: {  	s0 =	stileid.u32;
	s6 =	rddreg [dreg:$0x1]  }
0x3: {  	s2 =	simm.s32 $0x0;
	s10 =	simm.s32 $0x9000;
	s11 =	simm.s32 $0x5  }
0x4: {  	s12 =	simm.s32 $0x9600;
	s13 =	simm.s32 $0x2400;
	s14 =	simm.s32 $0x1  }
0x5: {  	s15 =	simm.s32 $0x2;
	s16 =	simm.s32 $0x4800;
	s17 =	simm.s32 $0x6C00  }
0x6: {  	s18 =	simm.s32 $0x3;
	s3 =	sand.u32 $0x1, s1;
	s5 =	sshll.u32 s0, $0x1  }
0x7: {  	s19 =	simm.s32 $0x4;
	s20 =	simm.s32 $0x0;
	s5 =	sor.u32 s3, s5  }
0x8: {  	[smem:$0x7FF] =	sst s2;
	s31 =	ssub.s32 $0x2, s3;
	s7 =	smul.u32 $0x47E, s5  }
0x9: {  	s1 =	rddreg [dreg:$0x2];
	_ =	strace $0x80000047;
	s9 =	sshrl.u32 s31, $0x1  }
0xa: {  	s3 =	sadd.s32 $0xA400, s4;
	s9 =	ssub.s32 s31, s9;
	s8 =	sadd.s32 s7, s4  }
0xb: {  	s4 =	sadd.s32 $0xA600, s4;
	s6 =	sadd.s32 s6, s7;
	s9 =	smax.u32 s9, $0x1  }
0xc: {  	s5 =	sadd.s32 $0x1400, s8;
	s7 =	sadd.s32 $0xA800, s8;
	s8 =	sadd.s32 $0x13800, s8  }
.LBB2_1:
0xd: {  	[tilespmem:s10], [sflag:$0x5] =	stream.linear.gather [hbm4b:s3+s2], $0x600, $0x38;
	[tilespmem:$0x9C00] =	vst v63  }
0xe: {  	_ =	swait.ge [sflag:s11], $0x600  }
0xf: {  	[sflag:s11] =	ssyncset.done $0x0  }
0x10: {  	[sflag:s11] =	ssyncadd.s32 $0xFFFFFA00  }
0x11: {  	[tilespmem:s12], [sflag:$0x5] =	stream.linear.gather [hbm4b:s4+s2], $0x600, $0x38;
	[tilespmem:$0x9C00] =	vst v63  }
0x12: {  	_ =	swait.ge [sflag:s11], $0x600  }
0x13: {  	[sflag:s11] =	ssyncset.done $0x0  }
0x14: {  	[sflag:s11] =	ssyncadd.s32 $0xFFFFFA00  }
0x15: {  	[tilespmem:s2], [sflag:$0x1] =	stream.linear.gather [hbm4b:s5+s2], $0x23F0, $0x38;
	[tilespmem:$0x9C00] =	vst v63  }
0x16: {  	_ = 	snop  }
0x17: {  	[tilespmem:s13], [sflag:$0x2] =	stream.linear.gather [hbm4b:s6+s2], $0x23F0, $0x38;
	[tilespmem:$0x9C00] =	vst v63  }
0x18: {  	_ =	swait.ge [sflag:s14], $0x23F0  }
0x19: {  	[sflag:s14] =	ssyncset.done $0x0  }
0x1a: {  	[sflag:s14] =	ssyncadd.s32 $0xFFFFDC10  }
0x1b: {  	s21 =	simm.s32 $0xFFFFFFFC;
	_ =	swait.ge [sflag:s15], $0x23F0  }
0x1c: {  	s22 =	simm.s32 $0x6C20;
	s23 =	simm.s32 $0x4820;
	[sflag:s15] =	ssyncset.done $0x0  }
0x1d: {  	s24 =	simm.s32 $0x2420;
	s25 =	simm.s32 $0x20;
	[sflag:s15] =	ssyncadd.s32 $0xFFFFDC10  }
.LBB2_2:
0x1e: {  	v0 =	vld [tilespmem:s25+$0xFFFFFFE0]  }
0x1f: {  	v1 =	vld [tilespmem:s24+$0xFFFFFFE0];
	_ =	sdelay $0x6  }
0x20: {  	v2 =	vld.idx.msk [tilespmem:v0+s10+$0x0], $0xffff  }
0x21: {  	v3 =	vld.idx.msk [tilespmem:v1+s10+$0x0], $0xffff;
	_ =	sdelay $0x4  }
0x22: {  	v2 =	vadd.f32 v3, v2;
	_ =	sdelay $0x1  }
0x23: {  	[tilespmem:s23+$0xFFFFFFE0] =	vst v2  }
0x24: {  	v0 =	vld.idx.msk [tilespmem:v0+s12+$0x0], $0xffff  }
0x25: {  	v1 =	vld.idx.msk [tilespmem:v1+s12+$0x0], $0xffff;
	_ =	sdelay $0x4  }
0x26: {  	v0 =	vadd.f32 v1, v0;
	_ =	sdelay $0x1  }
0x27: {  	[tilespmem:s22+$0xFFFFFFE0] =	vst v0  }
0x28: {  	v0 =	vld [tilespmem:s25+$0xFFFFFFF0]  }
0x29: {  	v58 =	vld [tilespmem:s24+$0xFFFFFFF0];
	_ =	sdelay $0x6  }
0x2a: {  	v2 =	vld.idx.msk [tilespmem:v0+s10+$0x0], $0xffff  }
0x2b: {  	v59 =	vld.idx.msk [tilespmem:v58+s10+$0x0], $0xffff;
	_ =	sdelay $0x4  }
0x2c: {  	v2 =	vadd.f32 v59, v2;
	_ =	sdelay $0x1  }
0x2d: {  	[tilespmem:s23+$0xFFFFFFF0] =	vst v2  }
0x2e: {  	v0 =	vld.idx.msk [tilespmem:v0+s12+$0x0], $0xffff  }
0x2f: {  	v1 =	vld.idx.msk [tilespmem:v58+s12+$0x0], $0xffff;
	_ =	sdelay $0x4  }
0x30: {  	v0 =	vadd.f32 v1, v0;
	_ =	sdelay $0x1  }
0x31: {  	[tilespmem:s22+$0xFFFFFFF0] =	vst v0  }
0x32: {  	v0 =	vld [tilespmem:s25+$0x0]  }
0x33: {  	v60 =	vld [tilespmem:s24+$0x0];
	_ =	sdelay $0x6  }
0x34: {  	v2 =	vld.idx.msk [tilespmem:v0+s10+$0x0], $0xffff  }
0x35: {  	v61 =	vld.idx.msk [tilespmem:v60+s10+$0x0], $0xffff;
	_ =	sdelay $0x4  }
0x36: {  	v2 =	vadd.f32 v61, v2;
	_ =	sdelay $0x1  }
0x37: {  	[tilespmem:s23+$0x0] =	vst v2  }
0x38: {  	v0 =	vld.idx.msk [tilespmem:v0+s12+$0x0], $0xffff  }
0x39: {  	v1 =	vld.idx.msk [tilespmem:v60+s12+$0x0], $0xffff;
	_ =	sdelay $0x4  }
0x3a: {  	v0 =	vadd.f32 v1, v0;
	_ =	sdelay $0x1  }
0x3b: {  	[tilespmem:s22+$0x0] =	vst v0  }
0x3c: {  	v0 =	vld [tilespmem:s25+$0x10]  }
0x3d: {  	v62 =	vld [tilespmem:s24+$0x10];
	_ =	sdelay $0x6  }
0x3e: {  	v2 =	vld.idx.msk [tilespmem:v0+s10+$0x0], $0xffff  }
0x3f: {  	v63 =	vld.idx.msk [tilespmem:v62+s10+$0x0], $0xffff;
	_ =	sdelay $0x4  }
0x40: {  	v2 =	vadd.f32 v63, v2;
	_ =	sdelay $0x1  }
0x41: {  	[tilespmem:s23+$0x10] =	vst v2  }
0x42: {  	v0 =	vld.idx.msk [tilespmem:v0+s12+$0x0], $0xffff  }
0x43: {  	v1 =	vld.idx.msk [tilespmem:v62+s12+$0x0], $0xffff  }
0x44: {  	s21 =	sadd.s32 $0x4, s21  }
0x45: {  	p0 =	slt.u32 s21, $0x238  }
.Ltmp0:
0x46: {  	_ = 	snop;
	(pc) =	sbr.rel @p0 .LBB2_2-.Ltmp0, $4  }
0x47: {  	_ = 	snop  }
0x48: {  	v0 =	vadd.f32 v1, v0  }
0x49: {  	s24 =	sadd.s32 $0x40, s24  }
0x4a: {  	s25 =	sadd.s32 $0x40, s25;
	s23 =	sadd.s32 $0x40, s23;
	[tilespmem:s22+$0x10] =	vst v0;
	s22 =	sadd.s32 $0x40, s22  }
0x4b: {  	v0 =	vld [tilespmem:$0x23C0]  }
0x4c: {  	v1 =	vld [tilespmem:$0x47C0];
	_ =	sdelay $0x6  }
0x4d: {  	v2 =	vld.idx.msk [tilespmem:v0+s10+$0x0], $0xffff  }
0x4e: {  	v3 =	vld.idx.msk [tilespmem:v1+s10+$0x0], $0xffff;
	_ =	sdelay $0x4  }
0x4f: {  	v2 =	vadd.f32 v3, v2;
	_ =	sdelay $0x1  }
0x50: {  	v56 =	vld [tilespmem:$0x23D0];
	[tilespmem:$0x6BC0] =	vst v2  }
0x51: {  	v0 =	vld.idx.msk [tilespmem:v0+s12+$0x0], $0xffff  }
0x52: {  	v1 =	vld.idx.msk [tilespmem:v1+s12+$0x0], $0xffff  }
0x53: {  	v57 =	vld [tilespmem:$0x47D0];
	_ =	sdelay $0x3  }
0x54: {  	v0 =	vadd.f32 v1, v0;
	_ =	sdelay $0x1  }
0x55: {  	[tilespmem:$0x8FC0] =	vst v0  }
0x56: {  	v0 =	vld.idx.msk [tilespmem:v56+s10+$0x0], $0xffff  }
0x57: {  	v58 =	vld.idx.msk [tilespmem:v57+s10+$0x0], $0xffff;
	_ =	sdelay $0x4  }
0x58: {  	v0 =	vadd.f32 v58, v0;
	_ =	sdelay $0x1  }
0x59: {  	v60 =	vld [tilespmem:$0x23E0];
	[tilespmem:$0x6BD0] =	vst v0  }
0x5a: {  	v0 =	vld.idx.msk [tilespmem:v56+s12+$0x0], $0xffff  }
0x5b: {  	v59 =	vld.idx.msk [tilespmem:v57+s12+$0x0], $0xffff  }
0x5c: {  	v61 =	vld [tilespmem:$0x47E0];
	_ =	sdelay $0x3  }
0x5d: {  	v0 =	vadd.f32 v59, v0;
	_ =	sdelay $0x1  }
0x5e: {  	[tilespmem:$0x8FD0] =	vst v0  }
0x5f: {  	v0 =	vld.idx.msk [tilespmem:v60+s10+$0x0], $0xffff  }
0x60: {  	v62 =	vld.idx.msk [tilespmem:v61+s10+$0x0], $0xffff;
	_ =	sdelay $0x4  }
0x61: {  	v0 =	vadd.f32 v62, v0;
	_ =	sdelay $0x1  }
0x62: {  	[tilespmem:$0x6BE0] =	vst v0  }
0x63: {  	v0 =	vld.idx.msk [tilespmem:v60+s12+$0x0], $0xffff  }
0x64: {  	v63 =	vld.idx.msk [tilespmem:v61+s12+$0x0], $0xffff;
	_ =	sdelay $0x4  }
0x65: {  	v0 =	vadd.f32 v63, v0;
	_ =	sdelay $0x1  }
0x66: {  	[tilespmem:$0x8FE0] =	vst v0  }
0x67: {  	[hbm4b:s7+s2] =	stream.linear.scatter [tilespmem:s16], [sflag:$0x3], $0x23F0, $0x38;
	[tilespmem:$0x9C00] =	vst v63  }
0x68: {  	s20 =	sadd.s32 $0x1, s20  }
0x69: {  	[hbm4b:s8+s2] =	stream.linear.scatter [tilespmem:s17], [sflag:$0x4], $0x23F0, $0x38;
	[tilespmem:$0x9C00] =	vst v63  }
0x6a: {  	p0 =	sne.s32 s20, s9;
	_ =	swait.ge [sflag:s18], $0x23F0  }
.Ltmp1:
0x6b: {  	[sflag:s18] =	ssyncset.done $0x0;
	(pc) =	sbr.rel @p0 .LBB2_1-.Ltmp1, $4  }
0x6c: {  	[sflag:s18] =	ssyncadd.s32 $0xFFFFDC10  }
0x6d: {  	_ =	swait.ge [sflag:s19], $0x23F0  }
0x6e: {  	[sflag:s19] =	ssyncset.done $0x0  }
0x6f: {  	[sflag:s19] =	ssyncadd.s32 $0xFFFFDC10  }
0x70: {  	_ =	sfence.sel $0x180000  }
0x71: {  	[bflag:$0x0] =	sbarrier.arrive $0xFFFF  }
0x72: {  	p0 =	sne.s32 s0, $0x0;
	_ =	strace $0x90000047  }
0x73: {  	s0 =	sadd.s32 @!p0 $0x100000, s1;
	[bflag:$0x2] =	sbarrier.arrive $0xFFFF  }
0x74: {  	[sflag:s0] =	ssyncadd.tile.s32 @!p0 $0x1;
	_ =	shalt  }
.Lfunc_end2:
_tile_overlayer_lowered:
.L_overlay_start_2:
0x75: {  	(tag) =	ssettag $0x2  }
0x76: {  	s0 =	rddreg [dreg:$0x0];
	s2 =	stileid.u32  }
0x77: {  	s1 =	rddreg [dreg:$0x1];
	p0 =	sne.s32 s2, $0x0  }
0x78: {  	s3 =	rddreg [dreg:$0x2];
	[bflag:$0x3] =	sbarrier.arrive $0xFFFF;
	s2 =	simm.s32 @!p0 $0x1C05  }
0x79: {  	[timem:s3], [sflag:s2] =	dma.local @!p0 [hbm:s0], s1  }
0x7a: {  	s0 =	simm.s32 @!p0 $0x5  }
0x7b: {  	_ =	swait.ge @!p0 [sflag:s0], s1  }
0x7c: {  	s1 =	ssub.s32 @!p0 $0x0, s1;
	[sflag:s0] =	ssyncset.done @!p0 $0x0  }
0x7d: {  	[sflag:s0] =	ssyncadd.s32 @!p0 s1  }
0x7e: {  	[bflag:$0x3] =	sbarrier.arrive $0xFFFF  }
0x7f: {  	_ =	shalt  }

</sc_bundles>
